<compile_context>
chip_gen: v7x
topology: tpu7x:2x2x1
jax: 0.10.2.dev20260603
libtpu: 0.0.44.dev20260713+nightly
codegen_flags: <defaults>
</compile_context>

<pallas_src>
import functools

import jax
import jax.numpy as jnp
from jax import lax
from jax.experimental import pallas as pl
from jax.experimental.pallas import tpu as pltpu
from jax.experimental.pallas import tpu_sc as plsc

D_MODEL = 1024
NUM_CORES = 2
NUM_SUBCORES = 16
NUM_WORKERS = NUM_CORES * NUM_SUBCORES
CHUNK = 32
NBUF = 3


def _make_gather(b: int, s: int, io_dtype):
    n_rows = b * s
    per_w = n_rows // NUM_WORKERS
    n_chunks = per_w // CHUNK
    w_per_row = s // per_w
    mesh = plsc.VectorSubcoreMesh(core_axis_name="c", subcore_axis_name="s")

    @functools.partial(
        pl.kernel,
        mesh=mesh,
        out_type=(
            jax.ShapeDtypeStruct((n_rows, D_MODEL), jnp.float32),
            jax.ShapeDtypeStruct((b, s), io_dtype),
            jax.ShapeDtypeStruct((b, s), io_dtype),
        ),
        scratch_types=[
            pltpu.VMEM((per_w,), jnp.int32),
            pltpu.VMEM((NBUF, CHUNK, D_MODEL), jnp.float32),
            pltpu.SemaphoreType.DMA((NBUF,)),
            pltpu.SemaphoreType.DMA((NBUF,)),
            pltpu.SemaphoreType.DMA((2,)),
        ],
    )
    def gather_kernel(ids_hbm, table_hbm, mask_hbm, pos_hbm,
                      out_hbm, mask_out, pos_out,
                      idx_v, rows_v, gsem, osem, psem):
        wid = lax.axis_index("s") * NUM_CORES + lax.axis_index("c")
        base = wid * per_w
        row = wid // w_per_row
        col = (wid % w_per_row) * per_w
        pltpu.sync_copy(ids_hbm.at[row, pl.ds(col, per_w)], idx_v)
        mask_cp = pltpu.make_async_copy(mask_hbm, mask_out, psem.at[0])
        pos_cp = pltpu.make_async_copy(pos_hbm, pos_out, psem.at[1])
        @pl.when(wid == 0)
        def _():
            mask_cp.start()
        @pl.when(wid == 1)
        def _():
            pos_cp.start()
        g_copies = [None] * n_chunks
        o_copies = [None] * n_chunks
        lead = NBUF - 1
        for i in range(n_chunks + lead):
            if i < n_chunks:
                bi = i % NBUF
                if i >= NBUF:
                    o_copies[i - NBUF].wait()
                g_copies[i] = pltpu.async_copy(
                    table_hbm.at[idx_v.at[pl.ds(i * CHUNK, CHUNK)]],
                    rows_v.at[bi], gsem.at[bi])
            if i >= lead:
                j = i - lead
                g_copies[j].wait()
                o_copies[j] = pltpu.async_copy(
                    rows_v.at[j % NBUF],
                    out_hbm.at[pl.ds(base + j * CHUNK, CHUNK)],
                    osem.at[j % NBUF])
        for j in range(n_chunks - NBUF, n_chunks):
            o_copies[j].wait()
        @pl.when(wid == 0)
        def _():
            mask_cp.wait()
        @pl.when(wid == 1)
        def _():
            pos_cp.wait()

    return gather_kernel


def kernel(input_ids, attention_mask, position_ids, weight):
    b, s = input_ids.shape
    ids = input_ids.astype(jnp.int32)
    out, mask, pos = _make_gather(b, s, attention_mask.dtype)(
        ids, weight, attention_mask, position_ids)
    return (out.reshape(b, s, D_MODEL), mask, pos)

# --- scband reference (transcript-rebuilt; emitter-appended) ---
"""Pipeline reference for scband-embedding-pipe-layer-2619930050904 (READ-ONLY COPY).

The authoritative reference and input builder live on the scoring server;
editing this copy changes nothing except your own understanding.
"""

import jax, jax.numpy as jnp
import numpy as np

VOCAB = 100000
D_MODEL = 1024
B = 4
S = 4096

def setup_inputs(seed: int = 0) -> dict:
    key = jax.random.key(seed)
    k_ids, k_w = jax.random.split(key, 2)
    input_ids = jax.random.randint(k_ids, (B, S), 0, VOCAB, dtype=jnp.int64 if jax.config.jax_enable_x64 else jnp.int32)
    attention_mask = jnp.ones((B, S), dtype=input_ids.dtype)
    position_ids = jnp.arange(B * S, dtype=input_ids.dtype).reshape(B, S)
    weight = jax.random.normal(k_w, (VOCAB, D_MODEL), dtype=jnp.float32) * 0.02
    return {"input_ids": input_ids, "attention_mask": attention_mask, "position_ids": position_ids, "weight": weight}

def reference(input_ids, attention_mask, position_ids, weight):
    # EmbeddingPipeLayer.forward: embed lookup, pass mask/positions through
    inputs_embeds = jnp.take(weight, input_ids, axis=0)
    return (inputs_embeds, attention_mask, position_ids)

if __name__ == "__main__":
    import jax
    _d = setup_inputs()
    print(jax.jit(kernel)(*tuple(_d.values())))

</pallas_src>

<mosaic_0001>
#map = affine_map<(d0, d1) -> (0, 0)>
module attributes {stable_mosaic.version = 14 : i64} {
  func.func @gather_kernel(%arg0: i32, %arg1: i32, %arg2: memref<4x4096xi32, #tpu.memory_space<hbm>>, %arg3: memref<100000x1024xf32, #tpu.memory_space<hbm>>, %arg4: memref<4x4096xi32, #tpu.memory_space<hbm>>, %arg5: memref<4x4096xi32, #tpu.memory_space<hbm>>, %arg6: memref<16384x1024xf32, #tpu.memory_space<hbm>>, %arg7: memref<4x4096xi32, #tpu.memory_space<hbm>>, %arg8: memref<4x4096xi32, #tpu.memory_space<hbm>>, %arg9: memref<512xi32, #tpu.memory_space<vmem>>, %arg10: memref<3x32x1024xf32, #tpu.memory_space<vmem>>, %arg11: memref<3x!tpu.dma_semaphore, #tpu.memory_space<semaphore_mem>>, %arg12: memref<3x!tpu.dma_semaphore, #tpu.memory_space<semaphore_mem>>, %arg13: memref<2x!tpu.dma_semaphore, #tpu.memory_space<semaphore_mem>>) attributes {dimension_semantics = [#tpu.dimension_semantics<core_parallel>, #tpu.dimension_semantics<subcore_parallel>], iteration_bounds = array<i64: 2, 16>, scalar_prefetch = 0 : i64, scratch_operands = 5 : i64, tpu.core_type = #tpu.core_type<sc_vector_subcore>, window_params = [{transform_indices = #map}, {transform_indices = #map}, {transform_indices = #map}, {transform_indices = #map}, {transform_indices = #map}, {transform_indices = #map}, {transform_indices = #map}]} {
    %mul3A = arith.constant 2 : i32
    %mul3A_0 = arith.muli %arg1, %mul3A : i32
    %add3A = arith.addi %mul3A_0, %arg0 : i32
    %mul3A_1 = arith.constant 512 : i32
    %mul3A_2 = arith.muli %add3A, %mul3A_1 : i32
    %jit3A = arith.constant 8 : i32
    %div3A = arith.divsi %add3A, %jit3A : i32
    %sign3A = arith.constant 0 : i32
    %sign3A_3 = arith.cmpi sgt, %add3A, %sign3A : i32
    %sign3A_4 = arith.extui %sign3A_3 : i1 to i32
    %sign3A_5 = arith.constant 0 : i32
    %sign3A_6 = arith.cmpi slt, %add3A, %sign3A_5 : i32
    %sign3A_7 = arith.extui %sign3A_6 : i1 to i32
    %sign3A_8 = arith.subi %sign3A_4, %sign3A_7 : i32
    %sign3A_9 = arith.constant 0 : i32
    %sign3A_10 = arith.cmpi sgt, %jit3A, %sign3A_9 : i32
    %sign3A_11 = arith.extui %sign3A_10 : i1 to i32
    %sign3A_12 = arith.constant 0 : i32
    %sign3A_13 = arith.cmpi slt, %jit3A, %sign3A_12 : i32
    %sign3A_14 = arith.extui %sign3A_13 : i1 to i32
    %sign3A_15 = arith.subi %sign3A_11, %sign3A_14 : i32
    %ne3A = arith.cmpi ne, %sign3A_8, %sign3A_15 : i32
    %rem3A = arith.remsi %add3A, %jit3A : i32
    %ne3A_16 = arith.constant 0 : i32
    %ne3A_17 = arith.cmpi ne, %rem3A, %ne3A_16 : i32
    %and3A = arith.andi %ne3A, %ne3A_17 : i1
    %sub3A = arith.constant 1 : i32
    %sub3A_18 = arith.subi %div3A, %sub3A : i32
    %select_n3A = arith.select %and3A, %sub3A_18, %div3A : i32
    %jit3A_19 = arith.constant 8 : i32
    %eq3A = arith.constant 0 : i32
    %eq3A_20 = arith.cmpi eq, %jit3A_19, %eq3A : i32
    %jit3A_21 = arith.constant 1 : i32
    %select_n3A_22 = arith.select %eq3A_20, %jit3A_21, %jit3A_19 : i32
    %rem3A_23 = arith.remsi %add3A, %select_n3A_22 : i32
    %ne3A_24 = arith.constant 0 : i32
    %ne3A_25 = arith.cmpi ne, %rem3A_23, %ne3A_24 : i32
    %lt3A = arith.constant 0 : i32
    %lt3A_26 = arith.cmpi slt, %rem3A_23, %lt3A : i32
    %lt3A_27 = arith.constant 0 : i32
    %lt3A_28 = arith.cmpi slt, %select_n3A_22, %lt3A_27 : i32
    %ne3A_29 = arith.xori %lt3A_26, %lt3A_28 : i1
    %and3A_30 = arith.andi %ne3A_29, %ne3A_25 : i1
    %add3A_31 = arith.addi %rem3A_23, %select_n3A_22 : i32
    %select_n3A_32 = arith.select %and3A_30, %add3A_31, %rem3A_23 : i32
    %mul3A_33 = arith.constant 512 : i32
    %mul3A_34 = arith.muli %select_n3A_32, %mul3A_33 : i32
    "tpu.region"() ({
      %run_scoped3A = tpu.sem_alloc : memref<!tpu.dma_semaphore, #tpu.memory_space<semaphore_mem>>
      %dma_start3A_1015 = tpu.memref_slice %arg2[%select_n3A, %mul3A_34] : memref<4x4096xi32, #tpu.memory_space<hbm>> -> memref<1x512xi32, #tpu.memory_space<hbm>>
      %dma_start3A_1016 = tpu.memref_squeeze %dma_start3A_1015 : memref<1x512xi32, #tpu.memory_space<hbm>> -> memref<512xi32, #tpu.memory_space<hbm>>
      %dma_start3A_1017 = tpu.memref_slice %arg2[%select_n3A, %mul3A_34] : memref<4x4096xi32, #tpu.memory_space<hbm>> -> memref<1x512xi32, #tpu.memory_space<hbm>>
      %dma_start3A_1018 = tpu.memref_squeeze %dma_start3A_1017 : memref<1x512xi32, #tpu.memory_space<hbm>> -> memref<512xi32, #tpu.memory_space<hbm>>
      tpu.enqueue_dma source(%dma_start3A_1018 : memref<512xi32, #tpu.memory_space<hbm>>) target(%arg9 : memref<512xi32, #tpu.memory_space<vmem>>) target_semaphore(%run_scoped3A : memref<!tpu.dma_semaphore, #tpu.memory_space<semaphore_mem>>)
      %dma_wait3A_1019 = tpu.memref_slice %arg2[%select_n3A, %mul3A_34] : memref<4x4096xi32, #tpu.memory_space<hbm>> -> memref<1x512xi32, #tpu.memory_space<hbm>>
      %dma_wait3A_1020 = tpu.memref_squeeze %dma_wait3A_1019 : memref<1x512xi32, #tpu.memory_space<hbm>> -> memref<512xi32, #tpu.memory_space<hbm>>
      %dma_wait3A_1021 = tpu.memref_slice %arg2[%select_n3A, %mul3A_34] : memref<4x4096xi32, #tpu.memory_space<hbm>> -> memref<1x512xi32, #tpu.memory_space<hbm>>
      %dma_wait3A_1022 = tpu.memref_squeeze %dma_wait3A_1021 : memref<1x512xi32, #tpu.memory_space<hbm>> -> memref<512xi32, #tpu.memory_space<hbm>>
      tpu.wait_dma2 semaphore(%run_scoped3A : memref<!tpu.dma_semaphore, #tpu.memory_space<semaphore_mem>>) src(%dma_wait3A_1022 : memref<512xi32, #tpu.memory_space<hbm>>) dst(%arg9 : memref<512xi32, #tpu.memory_space<vmem>>)
      tpu.yield
    }) : () -> ()
    %eq3A_35 = arith.constant 0 : i32
    %eq3A_36 = arith.cmpi eq, %add3A, %eq3A_35 : i32
    %convert_element_type3A = arith.extui %eq3A_36 : i1 to i32
    %cond3A = arith.constant 0 : i32
    %cond3A_37 = arith.constant 0 : i32
    %cond3A_38 = arith.cmpi ne, %convert_element_type3A, %cond3A_37 : i32
    scf.if %cond3A_38 {
      %dma_start3A_1015 = tpu.memref_slice %arg13[%cond3A] : memref<2x!tpu.dma_semaphore, #tpu.memory_space<semaphore_mem>> -> memref<1x!tpu.dma_semaphore, #tpu.memory_space<semaphore_mem>>
      %dma_start3A_1016 = tpu.memref_squeeze %dma_start3A_1015 : memref<1x!tpu.dma_semaphore, #tpu.memory_space<semaphore_mem>> -> memref<!tpu.dma_semaphore, #tpu.memory_space<semaphore_mem>>
      tpu.enqueue_dma source(%arg4 : memref<4x4096xi32, #tpu.memory_space<hbm>>) target(%arg7 : memref<4x4096xi32, #tpu.memory_space<hbm>>) target_semaphore(%dma_start3A_1016 : memref<!tpu.dma_semaphore, #tpu.memory_space<semaphore_mem>>)
    } else {
    }
    %eq3A_39 = arith.constant 1 : i32
    %eq3A_40 = arith.cmpi eq, %add3A, %eq3A_39 : i32
    %convert_element_type3A_41 = arith.extui %eq3A_40 : i1 to i32
    %cond3A_42 = arith.constant 1 : i32
    %cond3A_43 = arith.constant 0 : i32
    %cond3A_44 = arith.cmpi ne, %convert_element_type3A_41, %cond3A_43 : i32
    scf.if %cond3A_44 {
      %dma_start3A_1015 = tpu.memref_slice %arg13[%cond3A_42] : memref<2x!tpu.dma_semaphore, #tpu.memory_space<semaphore_mem>> -> memref<1x!tpu.dma_semaphore, #tpu.memory_space<semaphore_mem>>
      %dma_start3A_1016 = tpu.memref_squeeze %dma_start3A_1015 : memref<1x!tpu.dma_semaphore, #tpu.memory_space<semaphore_mem>> -> memref<!tpu.dma_semaphore, #tpu.memory_space<semaphore_mem>>
      tpu.enqueue_dma source(%arg5 : memref<4x4096xi32, #tpu.memory_space<hbm>>) target(%arg8 : memref<4x4096xi32, #tpu.memory_space<hbm>>) target_semaphore(%dma_start3A_1016 : memref<!tpu.dma_semaphore, #tpu.memory_space<semaphore_mem>>)
    } else {
    }
    %dma_start3A = arith.constant 0 : i32
    %dma_start3A_45 = arith.constant 0 : i32
    %dma_start3A_46 = arith.constant 0 : i32
    %dma_start3A_47 = arith.constant 0 : i32
    %dma_start3A_48 = tpu.memref_slice %arg10[%dma_start3A, %dma_start3A_46, %dma_start3A_47] : memref<3x32x1024xf32, #tpu.memory_space<vmem>> -> memref<1x32x1024xf32, #tpu.memory_space<vmem>>
    %dma_start3A_49 = tpu.memref_squeeze %dma_start3A_48 : memref<1x32x1024xf32, #tpu.memory_space<vmem>> -> memref<32x1024xf32, #tpu.memory_space<vmem>>
    %dma_start3A_50 = arith.constant 0 : i32
    %dma_start3A_51 = tpu.memref_slice %arg9[%dma_start3A_50] : memref<512xi32, #tpu.memory_space<vmem>> -> memref<32xi32, #tpu.memory_space<vmem>>
    %dma_start3A_52 = arith.constant 0 : i32
    %dma_start3A_53 = arith.constant 0 : i32
    %dma_start3A_54 = tpu.memref_slice %arg3[%dma_start3A_52, %dma_start3A_53] : memref<100000x1024xf32, #tpu.memory_space<hbm>> -> memref<100000x1024xf32, #tpu.memory_space<hbm>>
    %dma_start3A_55 = tpu.memref_slice %arg11[%dma_start3A_45] : memref<3x!tpu.dma_semaphore, #tpu.memory_space<semaphore_mem>> -> memref<1x!tpu.dma_semaphore, #tpu.memory_space<semaphore_mem>>
    %dma_start3A_56 = tpu.memref_squeeze %dma_start3A_55 : memref<1x!tpu.dma_semaphore, #tpu.memory_space<semaphore_mem>> -> memref<!tpu.dma_semaphore, #tpu.memory_space<semaphore_mem>>
    tpu.enqueue_indirect_dma source(%dma_start3A_54 : memref<100000x1024xf32, #tpu.memory_space<hbm>>) target(%dma_start3A_49 : memref<32x1024xf32, #tpu.memory_space<vmem>>) offsets(%dma_start3A_51 : memref<32xi32, #tpu.memory_space<vmem>>) semaphore(%dma_start3A_56 : memref<!tpu.dma_semaphore, #tpu.memory_space<semaphore_mem>>)
    %dma_start3A_57 = arith.constant 1 : i32
    %dma_start3A_58 = arith.constant 1 : i32
    %dma_start3A_59 = arith.constant 0 : i32
    %dma_start3A_60 = arith.constant 0 : i32
    %dma_start3A_61 = tpu.memref_slice %arg10[%dma_start3A_57, %dma_start3A_59, %dma_start3A_60] : memref<3x32x1024xf32, #tpu.memory_space<vmem>> -> memref<1x32x1024xf32, #tpu.memory_space<vmem>>
    %dma_start3A_62 = tpu.memref_squeeze %dma_start3A_61 : memref<1x32x1024xf32, #tpu.memory_space<vmem>> -> memref<32x1024xf32, #tpu.memory_space<vmem>>
    %dma_start3A_63 = arith.constant 32 : i32
    %dma_start3A_64 = tpu.memref_slice %arg9[%dma_start3A_63] : memref<512xi32, #tpu.memory_space<vmem>> -> memref<32xi32, #tpu.memory_space<vmem>>
    %dma_start3A_65 = arith.constant 0 : i32
    %dma_start3A_66 = arith.constant 0 : i32
    %dma_start3A_67 = tpu.memref_slice %arg3[%dma_start3A_65, %dma_start3A_66] : memref<100000x1024xf32, #tpu.memory_space<hbm>> -> memref<100000x1024xf32, #tpu.memory_space<hbm>>
    %dma_start3A_68 = tpu.memref_slice %arg11[%dma_start3A_58] : memref<3x!tpu.dma_semaphore, #tpu.memory_space<semaphore_mem>> -> memref<1x!tpu.dma_semaphore, #tpu.memory_space<semaphore_mem>>
    %dma_start3A_69 = tpu.memref_squeeze %dma_start3A_68 : memref<1x!tpu.dma_semaphore, #tpu.memory_space<semaphore_mem>> -> memref<!tpu.dma_semaphore, #tpu.memory_space<semaphore_mem>>
    tpu.enqueue_indirect_dma source(%dma_start3A_67 : memref<100000x1024xf32, #tpu.memory_space<hbm>>) target(%dma_start3A_62 : memref<32x1024xf32, #tpu.memory_space<vmem>>) offsets(%dma_start3A_64 : memref<32xi32, #tpu.memory_space<vmem>>) semaphore(%dma_start3A_69 : memref<!tpu.dma_semaphore, #tpu.memory_space<semaphore_mem>>)
    %dma_start3A_70 = arith.constant 2 : i32
    %dma_start3A_71 = arith.constant 2 : i32
    %dma_start3A_72 = arith.constant 0 : i32
    %dma_start3A_73 = arith.constant 0 : i32
    %dma_start3A_74 = tpu.memref_slice %arg10[%dma_start3A_70, %dma_start3A_72, %dma_start3A_73] : memref<3x32x1024xf32, #tpu.memory_space<vmem>> -> memref<1x32x1024xf32, #tpu.memory_space<vmem>>
    %dma_start3A_75 = tpu.memref_squeeze %dma_start3A_74 : memref<1x32x1024xf32, #tpu.memory_space<vmem>> -> memref<32x1024xf32, #tpu.memory_space<vmem>>
    %dma_start3A_76 = arith.constant 64 : i32
    %dma_start3A_77 = tpu.memref_slice %arg9[%dma_start3A_76] : memref<512xi32, #tpu.memory_space<vmem>> -> memref<32xi32, #tpu.memory_space<vmem>>
    %dma_start3A_78 = arith.constant 0 : i32
    %dma_start3A_79 = arith.constant 0 : i32
    %dma_start3A_80 = tpu.memref_slice %arg3[%dma_start3A_78, %dma_start3A_79] : memref<100000x1024xf32, #tpu.memory_space<hbm>> -> memref<100000x1024xf32, #tpu.memory_space<hbm>>
    %dma_start3A_81 = tpu.memref_slice %arg11[%dma_start3A_71] : memref<3x!tpu.dma_semaphore, #tpu.memory_space<semaphore_mem>> -> memref<1x!tpu.dma_semaphore, #tpu.memory_space<semaphore_mem>>
    %dma_start3A_82 = tpu.memref_squeeze %dma_start3A_81 : memref<1x!tpu.dma_semaphore, #tpu.memory_space<semaphore_mem>> -> memref<!tpu.dma_semaphore, #tpu.memory_space<semaphore_mem>>
    tpu.enqueue_indirect_dma source(%dma_start3A_80 : memref<100000x1024xf32, #tpu.memory_space<hbm>>) target(%dma_start3A_75 : memref<32x1024xf32, #tpu.memory_space<vmem>>) offsets(%dma_start3A_77 : memref<32xi32, #tpu.memory_space<vmem>>) semaphore(%dma_start3A_82 : memref<!tpu.dma_semaphore, #tpu.memory_space<semaphore_mem>>)
    %dma_wait3A = arith.constant 0 : i32
    %dma_wait3A_83 = arith.constant 0 : i32
    %dma_wait3A_84 = arith.constant 0 : i32
    %dma_wait3A_85 = arith.constant 0 : i32
    %dma_wait3A_86 = tpu.memref_slice %arg10[%dma_wait3A, %dma_wait3A_84, %dma_wait3A_85] : memref<3x32x1024xf32, #tpu.memory_space<vmem>> -> memref<1x32x1024xf32, #tpu.memory_space<vmem>>
    %dma_wait3A_87 = tpu.memref_squeeze %dma_wait3A_86 : memref<1x32x1024xf32, #tpu.memory_space<vmem>> -> memref<32x1024xf32, #tpu.memory_space<vmem>>
    %dma_wait3A_88 = arith.constant 0 : i32
    %dma_wait3A_89 = tpu.memref_slice %arg9[%dma_wait3A_88] : memref<512xi32, #tpu.memory_space<vmem>> -> memref<32xi32, #tpu.memory_space<vmem>>
    %dma_wait3A_90 = arith.constant 0 : i32
    %dma_wait3A_91 = arith.constant 0 : i32
    %dma_wait3A_92 = tpu.memref_slice %arg3[%dma_wait3A_90, %dma_wait3A_91] : memref<100000x1024xf32, #tpu.memory_space<hbm>> -> memref<100000x1024xf32, #tpu.memory_space<hbm>>
    %dma_wait3A_93 = tpu.memref_slice %arg11[%dma_wait3A_83] : memref<3x!tpu.dma_semaphore, #tpu.memory_space<semaphore_mem>> -> memref<1x!tpu.dma_semaphore, #tpu.memory_space<semaphore_mem>>
    %dma_wait3A_94 = tpu.memref_squeeze %dma_wait3A_93 : memref<1x!tpu.dma_semaphore, #tpu.memory_space<semaphore_mem>> -> memref<!tpu.dma_semaphore, #tpu.memory_space<semaphore_mem>>
    tpu.wait_indirect_dma semaphore(%dma_wait3A_94 : memref<!tpu.dma_semaphore, #tpu.memory_space<semaphore_mem>>) src(%dma_wait3A_92 : memref<100000x1024xf32, #tpu.memory_space<hbm>>) dst(%dma_wait3A_87 : memref<32x1024xf32, #tpu.memory_space<vmem>>)
    %add3A_95 = arith.constant 0 : i32
    %add3A_96 = arith.addi %mul3A_2, %add3A_95 : i32
    %dma_start3A_97 = arith.constant 0 : i32
    %dma_start3A_98 = arith.constant 0 : i32
    %dma_start3A_99 = arith.constant 0 : i32
    %dma_start3A_100 = arith.constant 0 : i32
    %dma_start3A_101 = tpu.memref_slice %arg10[%dma_start3A_97, %dma_start3A_99, %dma_start3A_100] : memref<3x32x1024xf32, #tpu.memory_space<vmem>> -> memref<1x32x1024xf32, #tpu.memory_space<vmem>>
    %dma_start3A_102 = tpu.memref_squeeze %dma_start3A_101 : memref<1x32x1024xf32, #tpu.memory_space<vmem>> -> memref<32x1024xf32, #tpu.memory_space<vmem>>
    %dma_start3A_103 = arith.constant 0 : i32
    %dma_start3A_104 = tpu.memref_slice %arg6[%add3A_96, %dma_start3A_103] : memref<16384x1024xf32, #tpu.memory_space<hbm>> -> memref<32x1024xf32, #tpu.memory_space<hbm>>
    %dma_start3A_105 = tpu.memref_slice %arg12[%dma_start3A_98] : memref<3x!tpu.dma_semaphore, #tpu.memory_space<semaphore_mem>> -> memref<1x!tpu.dma_semaphore, #tpu.memory_space<semaphore_mem>>
    %dma_start3A_106 = tpu.memref_squeeze %dma_start3A_105 : memref<1x!tpu.dma_semaphore, #tpu.memory_space<semaphore_mem>> -> memref<!tpu.dma_semaphore, #tpu.memory_space<semaphore_mem>>
    %dma_start3A_107 = arith.constant 0 : i32
    %dma_start3A_108 = tpu.memref_slice %arg6[%add3A_96, %dma_start3A_107] : memref<16384x1024xf32, #tpu.memory_space<hbm>> -> memref<32x1024xf32, #tpu.memory_space<hbm>>
    %dma_start3A_109 = arith.constant 0 : i32
    %dma_start3A_110 = arith.constant 0 : i32
    %dma_start3A_111 = tpu.memref_slice %arg10[%dma_start3A_97, %dma_start3A_109, %dma_start3A_110] : memref<3x32x1024xf32, #tpu.memory_space<vmem>> -> memref<1x32x1024xf32, #tpu.memory_space<vmem>>
    %dma_start3A_112 = tpu.memref_squeeze %dma_start3A_111 : memref<1x32x1024xf32, #tpu.memory_space<vmem>> -> memref<32x1024xf32, #tpu.memory_space<vmem>>
    tpu.enqueue_dma source(%dma_start3A_112 : memref<32x1024xf32, #tpu.memory_space<vmem>>) target(%dma_start3A_108 : memref<32x1024xf32, #tpu.memory_space<hbm>>) target_semaphore(%dma_start3A_106 : memref<!tpu.dma_semaphore, #tpu.memory_space<semaphore_mem>>)
    %dma_wait3A_113 = arith.constant 0 : i32
    %dma_wait3A_114 = arith.constant 0 : i32
    %dma_wait3A_115 = arith.constant 0 : i32
    %dma_wait3A_116 = arith.constant 0 : i32
    %dma_wait3A_117 = tpu.memref_slice %arg10[%dma_wait3A_113, %dma_wait3A_115, %dma_wait3A_116] : memref<3x32x1024xf32, #tpu.memory_space<vmem>> -> memref<1x32x1024xf32, #tpu.memory_space<vmem>>
    %dma_wait3A_118 = tpu.memref_squeeze %dma_wait3A_117 : memref<1x32x1024xf32, #tpu.memory_space<vmem>> -> memref<32x1024xf32, #tpu.memory_space<vmem>>
    %dma_wait3A_119 = arith.constant 0 : i32
    %dma_wait3A_120 = tpu.memref_slice %arg6[%add3A_96, %dma_wait3A_119] : memref<16384x1024xf32, #tpu.memory_space<hbm>> -> memref<32x1024xf32, #tpu.memory_space<hbm>>
    %dma_wait3A_121 = tpu.memref_slice %arg12[%dma_wait3A_114] : memref<3x!tpu.dma_semaphore, #tpu.memory_space<semaphore_mem>> -> memref<1x!tpu.dma_semaphore, #tpu.memory_space<semaphore_mem>>
    %dma_wait3A_122 = tpu.memref_squeeze %dma_wait3A_121 : memref<1x!tpu.dma_semaphore, #tpu.memory_space<semaphore_mem>> -> memref<!tpu.dma_semaphore, #tpu.memory_space<semaphore_mem>>
    %dma_wait3A_123 = arith.constant 0 : i32
    %dma_wait3A_124 = tpu.memref_slice %arg6[%add3A_96, %dma_wait3A_123] : memref<16384x1024xf32, #tpu.memory_space<hbm>> -> memref<32x1024xf32, #tpu.memory_space<hbm>>
    %dma_wait3A_125 = arith.constant 0 : i32
    %dma_wait3A_126 = arith.constant 0 : i32
    %dma_wait3A_127 = tpu.memref_slice %arg10[%dma_wait3A_113, %dma_wait3A_125, %dma_wait3A_126] : memref<3x32x1024xf32, #tpu.memory_space<vmem>> -> memref<1x32x1024xf32, #tpu.memory_space<vmem>>
    %dma_wait3A_128 = tpu.memref_squeeze %dma_wait3A_127 : memref<1x32x1024xf32, #tpu.memory_space<vmem>> -> memref<32x1024xf32, #tpu.memory_space<vmem>>
    tpu.wait_dma2 semaphore(%dma_wait3A_122 : memref<!tpu.dma_semaphore, #tpu.memory_space<semaphore_mem>>) src(%dma_wait3A_128 : memref<32x1024xf32, #tpu.memory_space<vmem>>) dst(%dma_wait3A_124 : memref<32x1024xf32, #tpu.memory_space<hbm>>)
    %dma_start3A_129 = arith.constant 0 : i32
    %dma_start3A_130 = arith.constant 0 : i32
    %dma_start3A_131 = arith.constant 0 : i32
    %dma_start3A_132 = arith.constant 0 : i32
    %dma_start3A_133 = tpu.memref_slice %arg10[%dma_start3A_129, %dma_start3A_131, %dma_start3A_132] : memref<3x32x1024xf32, #tpu.memory_space<vmem>> -> memref<1x32x1024xf32, #tpu.memory_space<vmem>>
    %dma_start3A_134 = tpu.memref_squeeze %dma_start3A_133 : memref<1x32x1024xf32, #tpu.memory_space<vmem>> -> memref<32x1024xf32, #tpu.memory_space<vmem>>
    %dma_start3A_135 = arith.constant 96 : i32
    %dma_start3A_136 = tpu.memref_slice %arg9[%dma_start3A_135] : memref<512xi32, #tpu.memory_space<vmem>> -> memref<32xi32, #tpu.memory_space<vmem>>
    %dma_start3A_137 = arith.constant 0 : i32
    %dma_start3A_138 = arith.constant 0 : i32
    %dma_start3A_139 = tpu.memref_slice %arg3[%dma_start3A_137, %dma_start3A_138] : memref<100000x1024xf32, #tpu.memory_space<hbm>> -> memref<100000x1024xf32, #tpu.memory_space<hbm>>
    %dma_start3A_140 = tpu.memref_slice %arg11[%dma_start3A_130] : memref<3x!tpu.dma_semaphore, #tpu.memory_space<semaphore_mem>> -> memref<1x!tpu.dma_semaphore, #tpu.memory_space<semaphore_mem>>
    %dma_start3A_141 = tpu.memref_squeeze %dma_start3A_140 : memref<1x!tpu.dma_semaphore, #tpu.memory_space<semaphore_mem>> -> memref<!tpu.dma_semaphore, #tpu.memory_space<semaphore_mem>>
    tpu.enqueue_indirect_dma source(%dma_start3A_139 : memref<100000x1024xf32, #tpu.memory_space<hbm>>) target(%dma_start3A_134 : memref<32x1024xf32, #tpu.memory_space<vmem>>) offsets(%dma_start3A_136 : memref<32xi32, #tpu.memory_space<vmem>>) semaphore(%dma_start3A_141 : memref<!tpu.dma_semaphore, #tpu.memory_space<semaphore_mem>>)
    %dma_wait3A_142 = arith.constant 1 : i32
    %dma_wait3A_143 = arith.constant 1 : i32
    %dma_wait3A_144 = arith.constant 0 : i32
    %dma_wait3A_145 = arith.constant 0 : i32
    %dma_wait3A_146 = tpu.memref_slice %arg10[%dma_wait3A_142, %dma_wait3A_144, %dma_wait3A_145] : memref<3x32x1024xf32, #tpu.memory_space<vmem>> -> memref<1x32x1024xf32, #tpu.memory_space<vmem>>
    %dma_wait3A_147 = tpu.memref_squeeze %dma_wait3A_146 : memref<1x32x1024xf32, #tpu.memory_space<vmem>> -> memref<32x1024xf32, #tpu.memory_space<vmem>>
    %dma_wait3A_148 = arith.constant 32 : i32
    %dma_wait3A_149 = tpu.memref_slice %arg9[%dma_wait3A_148] : memref<512xi32, #tpu.memory_space<vmem>> -> memref<32xi32, #tpu.memory_space<vmem>>
    %dma_wait3A_150 = arith.constant 0 : i32
    %dma_wait3A_151 = arith.constant 0 : i32
    %dma_wait3A_152 = tpu.memref_slice %arg3[%dma_wait3A_150, %dma_wait3A_151] : memref<100000x1024xf32, #tpu.memory_space<hbm>> -> memref<100000x1024xf32, #tpu.memory_space<hbm>>
    %dma_wait3A_153 = tpu.memref_slice %arg11[%dma_wait3A_143] : memref<3x!tpu.dma_semaphore, #tpu.memory_space<semaphore_mem>> -> memref<1x!tpu.dma_semaphore, #tpu.memory_space<semaphore_mem>>
    %dma_wait3A_154 = tpu.memref_squeeze %dma_wait3A_153 : memref<1x!tpu.dma_semaphore, #tpu.memory_space<semaphore_mem>> -> memref<!tpu.dma_semaphore, #tpu.memory_space<semaphore_mem>>
    tpu.wait_indirect_dma semaphore(%dma_wait3A_154 : memref<!tpu.dma_semaphore, #tpu.memory_space<semaphore_mem>>) src(%dma_wait3A_152 : memref<100000x1024xf32, #tpu.memory_space<hbm>>) dst(%dma_wait3A_147 : memref<32x1024xf32, #tpu.memory_space<vmem>>)
    %add3A_155 = arith.constant 32 : i32
    %add3A_156 = arith.addi %mul3A_2, %add3A_155 : i32
    %dma_start3A_157 = arith.constant 1 : i32
    %dma_start3A_158 = arith.constant 1 : i32
    %dma_start3A_159 = arith.constant 0 : i32
    %dma_start3A_160 = arith.constant 0 : i32
    %dma_start3A_161 = tpu.memref_slice %arg10[%dma_start3A_157, %dma_start3A_159, %dma_start3A_160] : memref<3x32x1024xf32, #tpu.memory_space<vmem>> -> memref<1x32x1024xf32, #tpu.memory_space<vmem>>
    %dma_start3A_162 = tpu.memref_squeeze %dma_start3A_161 : memref<1x32x1024xf32, #tpu.memory_space<vmem>> -> memref<32x1024xf32, #tpu.memory_space<vmem>>
    %dma_start3A_163 = arith.constant 0 : i32
    %dma_start3A_164 = tpu.memref_slice %arg6[%add3A_156, %dma_start3A_163] : memref<16384x1024xf32, #tpu.memory_space<hbm>> -> memref<32x1024xf32, #tpu.memory_space<hbm>>
    %dma_start3A_165 = tpu.memref_slice %arg12[%dma_start3A_158] : memref<3x!tpu.dma_semaphore, #tpu.memory_space<semaphore_mem>> -> memref<1x!tpu.dma_semaphore, #tpu.memory_space<semaphore_mem>>
    %dma_start3A_166 = tpu.memref_squeeze %dma_start3A_165 : memref<1x!tpu.dma_semaphore, #tpu.memory_space<semaphore_mem>> -> memref<!tpu.dma_semaphore, #tpu.memory_space<semaphore_mem>>
    %dma_start3A_167 = arith.constant 0 : i32
    %dma_start3A_168 = tpu.memref_slice %arg6[%add3A_156, %dma_start3A_167] : memref<16384x1024xf32, #tpu.memory_space<hbm>> -> memref<32x1024xf32, #tpu.memory_space<hbm>>
    %dma_start3A_169 = arith.constant 0 : i32
    %dma_start3A_170 = arith.constant 0 : i32
    %dma_start3A_171 = tpu.memref_slice %arg10[%dma_start3A_157, %dma_start3A_169, %dma_start3A_170] : memref<3x32x1024xf32, #tpu.memory_space<vmem>> -> memref<1x32x1024xf32, #tpu.memory_space<vmem>>
    %dma_start3A_172 = tpu.memref_squeeze %dma_start3A_171 : memref<1x32x1024xf32, #tpu.memory_space<vmem>> -> memref<32x1024xf32, #tpu.memory_space<vmem>>
    tpu.enqueue_dma source(%dma_start3A_172 : memref<32x1024xf32, #tpu.memory_space<vmem>>) target(%dma_start3A_168 : memref<32x1024xf32, #tpu.memory_space<hbm>>) target_semaphore(%dma_start3A_166 : memref<!tpu.dma_semaphore, #tpu.memory_space<semaphore_mem>>)
    %dma_wait3A_173 = arith.constant 1 : i32
    %dma_wait3A_174 = arith.constant 1 : i32
    %dma_wait3A_175 = arith.constant 0 : i32
    %dma_wait3A_176 = arith.constant 0 : i32
    %dma_wait3A_177 = tpu.memref_slice %arg10[%dma_wait3A_173, %dma_wait3A_175, %dma_wait3A_176] : memref<3x32x1024xf32, #tpu.memory_space<vmem>> -> memref<1x32x1024xf32, #tpu.memory_space<vmem>>
    %dma_wait3A_178 = tpu.memref_squeeze %dma_wait3A_177 : memref<1x32x1024xf32, #tpu.memory_space<vmem>> -> memref<32x1024xf32, #tpu.memory_space<vmem>>
    %dma_wait3A_179 = arith.constant 0 : i32
    %dma_wait3A_180 = tpu.memref_slice %arg6[%add3A_156, %dma_wait3A_179] : memref<16384x1024xf32, #tpu.memory_space<hbm>> -> memref<32x1024xf32, #tpu.memory_space<hbm>>
    %dma_wait3A_181 = tpu.memref_slice %arg12[%dma_wait3A_174] : memref<3x!tpu.dma_semaphore, #tpu.memory_space<semaphore_mem>> -> memref<1x!tpu.dma_semaphore, #tpu.memory_space<semaphore_mem>>
    %dma_wait3A_182 = tpu.memref_squeeze %dma_wait3A_181 : memref<1x!tpu.dma_semaphore, #tpu.memory_space<semaphore_mem>> -> memref<!tpu.dma_semaphore, #tpu.memory_space<semaphore_mem>>
    %dma_wait3A_183 = arith.constant 0 : i32
    %dma_wait3A_184 = tpu.memref_slice %arg6[%add3A_156, %dma_wait3A_183] : memref<16384x1024xf32, #tpu.memory_space<hbm>> -> memref<32x1024xf32, #tpu.memory_space<hbm>>
    %dma_wait3A_185 = arith.constant 0 : i32
    %dma_wait3A_186 = arith.constant 0 : i32
    %dma_wait3A_187 = tpu.memref_slice %arg10[%dma_wait3A_173, %dma_wait3A_185, %dma_wait3A_186] : memref<3x32x1024xf32, #tpu.memory_space<vmem>> -> memref<1x32x1024xf32, #tpu.memory_space<vmem>>
    %dma_wait3A_188 = tpu.memref_squeeze %dma_wait3A_187 : memref<1x32x1024xf32, #tpu.memory_space<vmem>> -> memref<32x1024xf32, #tpu.memory_space<vmem>>
    tpu.wait_dma2 semaphore(%dma_wait3A_182 : memref<!tpu.dma_semaphore, #tpu.memory_space<semaphore_mem>>) src(%dma_wait3A_188 : memref<32x1024xf32, #tpu.memory_space<vmem>>) dst(%dma_wait3A_184 : memref<32x1024xf32, #tpu.memory_space<hbm>>)
    %dma_start3A_189 = arith.constant 1 : i32
    %dma_start3A_190 = arith.constant 1 : i32
    %dma_start3A_191 = arith.constant 0 : i32
    %dma_start3A_192 = arith.constant 0 : i32
    %dma_start3A_193 = tpu.memref_slice %arg10[%dma_start3A_189, %dma_start3A_191, %dma_start3A_192] : memref<3x32x1024xf32, #tpu.memory_space<vmem>> -> memref<1x32x1024xf32, #tpu.memory_space<vmem>>
    %dma_start3A_194 = tpu.memref_squeeze %dma_start3A_193 : memref<1x32x1024xf32, #tpu.memory_space<vmem>> -> memref<32x1024xf32, #tpu.memory_space<vmem>>
    %dma_start3A_195 = arith.constant 128 : i32
    %dma_start3A_196 = tpu.memref_slice %arg9[%dma_start3A_195] : memref<512xi32, #tpu.memory_space<vmem>> -> memref<32xi32, #tpu.memory_space<vmem>>
    %dma_start3A_197 = arith.constant 0 : i32
    %dma_start3A_198 = arith.constant 0 : i32
    %dma_start3A_199 = tpu.memref_slice %arg3[%dma_start3A_197, %dma_start3A_198] : memref<100000x1024xf32, #tpu.memory_space<hbm>> -> memref<100000x1024xf32, #tpu.memory_space<hbm>>
    %dma_start3A_200 = tpu.memref_slice %arg11[%dma_start3A_190] : memref<3x!tpu.dma_semaphore, #tpu.memory_space<semaphore_mem>> -> memref<1x!tpu.dma_semaphore, #tpu.memory_space<semaphore_mem>>
    %dma_start3A_201 = tpu.memref_squeeze %dma_start3A_200 : memref<1x!tpu.dma_semaphore, #tpu.memory_space<semaphore_mem>> -> memref<!tpu.dma_semaphore, #tpu.memory_space<semaphore_mem>>
    tpu.enqueue_indirect_dma source(%dma_start3A_199 : memref<100000x1024xf32, #tpu.memory_space<hbm>>) target(%dma_start3A_194 : memref<32x1024xf32, #tpu.memory_space<vmem>>) offsets(%dma_start3A_196 : memref<32xi32, #tpu.memory_space<vmem>>) semaphore(%dma_start3A_201 : memref<!tpu.dma_semaphore, #tpu.memory_space<semaphore_mem>>)
    %dma_wait3A_202 = arith.constant 2 : i32
    %dma_wait3A_203 = arith.constant 2 : i32
    %dma_wait3A_204 = arith.constant 0 : i32
    %dma_wait3A_205 = arith.constant 0 : i32
    %dma_wait3A_206 = tpu.memref_slice %arg10[%dma_wait3A_202, %dma_wait3A_204, %dma_wait3A_205] : memref<3x32x1024xf32, #tpu.memory_space<vmem>> -> memref<1x32x1024xf32, #tpu.memory_space<vmem>>
    %dma_wait3A_207 = tpu.memref_squeeze %dma_wait3A_206 : memref<1x32x1024xf32, #tpu.memory_space<vmem>> -> memref<32x1024xf32, #tpu.memory_space<vmem>>
    %dma_wait3A_208 = arith.constant 64 : i32
    %dma_wait3A_209 = tpu.memref_slice %arg9[%dma_wait3A_208] : memref<512xi32, #tpu.memory_space<vmem>> -> memref<32xi32, #tpu.memory_space<vmem>>
    %dma_wait3A_210 = arith.constant 0 : i32
    %dma_wait3A_211 = arith.constant 0 : i32
    %dma_wait3A_212 = tpu.memref_slice %arg3[%dma_wait3A_210, %dma_wait3A_211] : memref<100000x1024xf32, #tpu.memory_space<hbm>> -> memref<100000x1024xf32, #tpu.memory_space<hbm>>
    %dma_wait3A_213 = tpu.memref_slice %arg11[%dma_wait3A_203] : memref<3x!tpu.dma_semaphore, #tpu.memory_space<semaphore_mem>> -> memref<1x!tpu.dma_semaphore, #tpu.memory_space<semaphore_mem>>
    %dma_wait3A_214 = tpu.memref_squeeze %dma_wait3A_213 : memref<1x!tpu.dma_semaphore, #tpu.memory_space<semaphore_mem>> -> memref<!tpu.dma_semaphore, #tpu.memory_space<semaphore_mem>>
    tpu.wait_indirect_dma semaphore(%dma_wait3A_214 : memref<!tpu.dma_semaphore, #tpu.memory_space<semaphore_mem>>) src(%dma_wait3A_212 : memref<100000x1024xf32, #tpu.memory_space<hbm>>) dst(%dma_wait3A_207 : memref<32x1024xf32, #tpu.memory_space<vmem>>)
    %add3A_215 = arith.constant 64 : i32
    %add3A_216 = arith.addi %mul3A_2, %add3A_215 : i32
    %dma_start3A_217 = arith.constant 2 : i32
    %dma_start3A_218 = arith.constant 2 : i32
    %dma_start3A_219 = arith.constant 0 : i32
    %dma_start3A_220 = arith.constant 0 : i32
    %dma_start3A_221 = tpu.memref_slice %arg10[%dma_start3A_217, %dma_start3A_219, %dma_start3A_220] : memref<3x32x1024xf32, #tpu.memory_space<vmem>> -> memref<1x32x1024xf32, #tpu.memory_space<vmem>>
    %dma_start3A_222 = tpu.memref_squeeze %dma_start3A_221 : memref<1x32x1024xf32, #tpu.memory_space<vmem>> -> memref<32x1024xf32, #tpu.memory_space<vmem>>
    %dma_start3A_223 = arith.constant 0 : i32
    %dma_start3A_224 = tpu.memref_slice %arg6[%add3A_216, %dma_start3A_223] : memref<16384x1024xf32, #tpu.memory_space<hbm>> -> memref<32x1024xf32, #tpu.memory_space<hbm>>
    %dma_start3A_225 = tpu.memref_slice %arg12[%dma_start3A_218] : memref<3x!tpu.dma_semaphore, #tpu.memory_space<semaphore_mem>> -> memref<1x!tpu.dma_semaphore, #tpu.memory_space<semaphore_mem>>
    %dma_start3A_226 = tpu.memref_squeeze %dma_start3A_225 : memref<1x!tpu.dma_semaphore, #tpu.memory_space<semaphore_mem>> -> memref<!tpu.dma_semaphore, #tpu.memory_space<semaphore_mem>>
    %dma_start3A_227 = arith.constant 0 : i32
    %dma_start3A_228 = tpu.memref_slice %arg6[%add3A_216, %dma_start3A_227] : memref<16384x1024xf32, #tpu.memory_space<hbm>> -> memref<32x1024xf32, #tpu.memory_space<hbm>>
    %dma_start3A_229 = arith.constant 0 : i32
    %dma_start3A_230 = arith.constant 0 : i32
    %dma_start3A_231 = tpu.memref_slice %arg10[%dma_start3A_217, %dma_start3A_229, %dma_start3A_230] : memref<3x32x1024xf32, #tpu.memory_space<vmem>> -> memref<1x32x1024xf32, #tpu.memory_space<vmem>>
    %dma_start3A_232 = tpu.memref_squeeze %dma_start3A_231 : memref<1x32x1024xf32, #tpu.memory_space<vmem>> -> memref<32x1024xf32, #tpu.memory_space<vmem>>
    tpu.enqueue_dma source(%dma_start3A_232 : memref<32x1024xf32, #tpu.memory_space<vmem>>) target(%dma_start3A_228 : memref<32x1024xf32, #tpu.memory_space<hbm>>) target_semaphore(%dma_start3A_226 : memref<!tpu.dma_semaphore, #tpu.memory_space<semaphore_mem>>)
    %dma_wait3A_233 = arith.constant 2 : i32
    %dma_wait3A_234 = arith.constant 2 : i32
    %dma_wait3A_235 = arith.constant 0 : i32
    %dma_wait3A_236 = arith.constant 0 : i32
    %dma_wait3A_237 = tpu.memref_slice %arg10[%dma_wait3A_233, %dma_wait3A_235, %dma_wait3A_236] : memref<3x32x1024xf32, #tpu.memory_space<vmem>> -> memref<1x32x1024xf32, #tpu.memory_space<vmem>>
    %dma_wait3A_238 = tpu.memref_squeeze %dma_wait3A_237 : memref<1x32x1024xf32, #tpu.memory_space<vmem>> -> memref<32x1024xf32, #tpu.memory_space<vmem>>
    %dma_wait3A_239 = arith.constant 0 : i32
    %dma_wait3A_240 = tpu.memref_slice %arg6[%add3A_216, %dma_wait3A_239] : memref<16384x1024xf32, #tpu.memory_space<hbm>> -> memref<32x1024xf32, #tpu.memory_space<hbm>>
    %dma_wait3A_241 = tpu.memref_slice %arg12[%dma_wait3A_234] : memref<3x!tpu.dma_semaphore, #tpu.memory_space<semaphore_mem>> -> memref<1x!tpu.dma_semaphore, #tpu.memory_space<semaphore_mem>>
    %dma_wait3A_242 = tpu.memref_squeeze %dma_wait3A_241 : memref<1x!tpu.dma_semaphore, #tpu.memory_space<semaphore_mem>> -> memref<!tpu.dma_semaphore, #tpu.memory_space<semaphore_mem>>
    %dma_wait3A_243 = arith.constant 0 : i32
    %dma_wait3A_244 = tpu.memref_slice %arg6[%add3A_216, %dma_wait3A_243] : memref<16384x1024xf32, #tpu.memory_space<hbm>> -> memref<32x1024xf32, #tpu.memory_space<hbm>>
    %dma_wait3A_245 = arith.constant 0 : i32
    %dma_wait3A_246 = arith.constant 0 : i32
    %dma_wait3A_247 = tpu.memref_slice %arg10[%dma_wait3A_233, %dma_wait3A_245, %dma_wait3A_246] : memref<3x32x1024xf32, #tpu.memory_space<vmem>> -> memref<1x32x1024xf32, #tpu.memory_space<vmem>>
    %dma_wait3A_248 = tpu.memref_squeeze %dma_wait3A_247 : memref<1x32x1024xf32, #tpu.memory_space<vmem>> -> memref<32x1024xf32, #tpu.memory_space<vmem>>
    tpu.wait_dma2 semaphore(%dma_wait3A_242 : memref<!tpu.dma_semaphore, #tpu.memory_space<semaphore_mem>>) src(%dma_wait3A_248 : memref<32x1024xf32, #tpu.memory_space<vmem>>) dst(%dma_wait3A_244 : memref<32x1024xf32, #tpu.memory_space<hbm>>)
    %dma_start3A_249 = arith.constant 2 : i32
    %dma_start3A_250 = arith.constant 2 : i32
    %dma_start3A_251 = arith.constant 0 : i32
    %dma_start3A_252 = arith.constant 0 : i32
    %dma_start3A_253 = tpu.memref_slice %arg10[%dma_start3A_249, %dma_start3A_251, %dma_start3A_252] : memref<3x32x1024xf32, #tpu.memory_space<vmem>> -> memref<1x32x1024xf32, #tpu.memory_space<vmem>>
    %dma_start3A_254 = tpu.memref_squeeze %dma_start3A_253 : memref<1x32x1024xf32, #tpu.memory_space<vmem>> -> memref<32x1024xf32, #tpu.memory_space<vmem>>
    %dma_start3A_255 = arith.constant 160 : i32
    %dma_start3A_256 = tpu.memref_slice %arg9[%dma_start3A_255] : memref<512xi32, #tpu.memory_space<vmem>> -> memref<32xi32, #tpu.memory_space<vmem>>
    %dma_start3A_257 = arith.constant 0 : i32
    %dma_start3A_258 = arith.constant 0 : i32
    %dma_start3A_259 = tpu.memref_slice %arg3[%dma_start3A_257, %dma_start3A_258] : memref<100000x1024xf32, #tpu.memory_space<hbm>> -> memref<100000x1024xf32, #tpu.memory_space<hbm>>
    %dma_start3A_260 = tpu.memref_slice %arg11[%dma_start3A_250] : memref<3x!tpu.dma_semaphore, #tpu.memory_space<semaphore_mem>> -> memref<1x!tpu.dma_semaphore, #tpu.memory_space<semaphore_mem>>
    %dma_start3A_261 = tpu.memref_squeeze %dma_start3A_260 : memref<1x!tpu.dma_semaphore, #tpu.memory_space<semaphore_mem>> -> memref<!tpu.dma_semaphore, #tpu.memory_space<semaphore_mem>>
    tpu.enqueue_indirect_dma source(%dma_start3A_259 : memref<100000x1024xf32, #tpu.memory_space<hbm>>) target(%dma_start3A_254 : memref<32x1024xf32, #tpu.memory_space<vmem>>) offsets(%dma_start3A_256 : memref<32xi32, #tpu.memory_space<vmem>>) semaphore(%dma_start3A_261 : memref<!tpu.dma_semaphore, #tpu.memory_space<semaphore_mem>>)
    %dma_wait3A_262 = arith.constant 0 : i32
    %dma_wait3A_263 = arith.constant 0 : i32
    %dma_wait3A_264 = arith.constant 0 : i32
    %dma_wait3A_265 = arith.constant 0 : i32
    %dma_wait3A_266 = tpu.memref_slice %arg10[%dma_wait3A_262, %dma_wait3A_264, %dma_wait3A_265] : memref<3x32x1024xf32, #tpu.memory_space<vmem>> -> memref<1x32x1024xf32, #tpu.memory_space<vmem>>
    %dma_wait3A_267 = tpu.memref_squeeze %dma_wait3A_266 : memref<1x32x1024xf32, #tpu.memory_space<vmem>> -> memref<32x1024xf32, #tpu.memory_space<vmem>>
    %dma_wait3A_268 = arith.constant 96 : i32
    %dma_wait3A_269 = tpu.memref_slice %arg9[%dma_wait3A_268] : memref<512xi32, #tpu.memory_space<vmem>> -> memref<32xi32, #tpu.memory_space<vmem>>
    %dma_wait3A_270 = arith.constant 0 : i32
    %dma_wait3A_271 = arith.constant 0 : i32
    %dma_wait3A_272 = tpu.memref_slice %arg3[%dma_wait3A_270, %dma_wait3A_271] : memref<100000x1024xf32, #tpu.memory_space<hbm>> -> memref<100000x1024xf32, #tpu.memory_space<hbm>>
    %dma_wait3A_273 = tpu.memref_slice %arg11[%dma_wait3A_263] : memref<3x!tpu.dma_semaphore, #tpu.memory_space<semaphore_mem>> -> memref<1x!tpu.dma_semaphore, #tpu.memory_space<semaphore_mem>>
    %dma_wait3A_274 = tpu.memref_squeeze %dma_wait3A_273 : memref<1x!tpu.dma_semaphore, #tpu.memory_space<semaphore_mem>> -> memref<!tpu.dma_semaphore, #tpu.memory_space<semaphore_mem>>
    tpu.wait_indirect_dma semaphore(%dma_wait3A_274 : memref<!tpu.dma_semaphore, #tpu.memory_space<semaphore_mem>>) src(%dma_wait3A_272 : memref<100000x1024xf32, #tpu.memory_space<hbm>>) dst(%dma_wait3A_267 : memref<32x1024xf32, #tpu.memory_space<vmem>>)
    %add3A_275 = arith.constant 96 : i32
    %add3A_276 = arith.addi %mul3A_2, %add3A_275 : i32
    %dma_start3A_277 = arith.constant 0 : i32
    %dma_start3A_278 = arith.constant 0 : i32
    %dma_start3A_279 = arith.constant 0 : i32
    %dma_start3A_280 = arith.constant 0 : i32
    %dma_start3A_281 = tpu.memref_slice %arg10[%dma_start3A_277, %dma_start3A_279, %dma_start3A_280] : memref<3x32x1024xf32, #tpu.memory_space<vmem>> -> memref<1x32x1024xf32, #tpu.memory_space<vmem>>
    %dma_start3A_282 = tpu.memref_squeeze %dma_start3A_281 : memref<1x32x1024xf32, #tpu.memory_space<vmem>> -> memref<32x1024xf32, #tpu.memory_space<vmem>>
    %dma_start3A_283 = arith.constant 0 : i32
    %dma_start3A_284 = tpu.memref_slice %arg6[%add3A_276, %dma_start3A_283] : memref<16384x1024xf32, #tpu.memory_space<hbm>> -> memref<32x1024xf32, #tpu.memory_space<hbm>>
    %dma_start3A_285 = tpu.memref_slice %arg12[%dma_start3A_278] : memref<3x!tpu.dma_semaphore, #tpu.memory_space<semaphore_mem>> -> memref<1x!tpu.dma_semaphore, #tpu.memory_space<semaphore_mem>>
    %dma_start3A_286 = tpu.memref_squeeze %dma_start3A_285 : memref<1x!tpu.dma_semaphore, #tpu.memory_space<semaphore_mem>> -> memref<!tpu.dma_semaphore, #tpu.memory_space<semaphore_mem>>
    %dma_start3A_287 = arith.constant 0 : i32
    %dma_start3A_288 = tpu.memref_slice %arg6[%add3A_276, %dma_start3A_287] : memref<16384x1024xf32, #tpu.memory_space<hbm>> -> memref<32x1024xf32, #tpu.memory_space<hbm>>
    %dma_start3A_289 = arith.constant 0 : i32
    %dma_start3A_290 = arith.constant 0 : i32
    %dma_start3A_291 = tpu.memref_slice %arg10[%dma_start3A_277, %dma_start3A_289, %dma_start3A_290] : memref<3x32x1024xf32, #tpu.memory_space<vmem>> -> memref<1x32x1024xf32, #tpu.memory_space<vmem>>
    %dma_start3A_292 = tpu.memref_squeeze %dma_start3A_291 : memref<1x32x1024xf32, #tpu.memory_space<vmem>> -> memref<32x1024xf32, #tpu.memory_space<vmem>>
    tpu.enqueue_dma source(%dma_start3A_292 : memref<32x1024xf32, #tpu.memory_space<vmem>>) target(%dma_start3A_288 : memref<32x1024xf32, #tpu.memory_space<hbm>>) target_semaphore(%dma_start3A_286 : memref<!tpu.dma_semaphore, #tpu.memory_space<semaphore_mem>>)
    %dma_wait3A_293 = arith.constant 0 : i32
    %dma_wait3A_294 = arith.constant 0 : i32
    %dma_wait3A_295 = arith.constant 0 : i32
    %dma_wait3A_296 = arith.constant 0 : i32
    %dma_wait3A_297 = tpu.memref_slice %arg10[%dma_wait3A_293, %dma_wait3A_295, %dma_wait3A_296] : memref<3x32x1024xf32, #tpu.memory_space<vmem>> -> memref<1x32x1024xf32, #tpu.memory_space<vmem>>
    %dma_wait3A_298 = tpu.memref_squeeze %dma_wait3A_297 : memref<1x32x1024xf32, #tpu.memory_space<vmem>> -> memref<32x1024xf32, #tpu.memory_space<vmem>>
    %dma_wait3A_299 = arith.constant 0 : i32
    %dma_wait3A_300 = tpu.memref_slice %arg6[%add3A_276, %dma_wait3A_299] : memref<16384x1024xf32, #tpu.memory_space<hbm>> -> memref<32x1024xf32, #tpu.memory_space<hbm>>
    %dma_wait3A_301 = tpu.memref_slice %arg12[%dma_wait3A_294] : memref<3x!tpu.dma_semaphore, #tpu.memory_space<semaphore_mem>> -> memref<1x!tpu.dma_semaphore, #tpu.memory_space<semaphore_mem>>
    %dma_wait3A_302 = tpu.memref_squeeze %dma_wait3A_301 : memref<1x!tpu.dma_semaphore, #tpu.memory_space<semaphore_mem>> -> memref<!tpu.dma_semaphore, #tpu.memory_space<semaphore_mem>>
    %dma_wait3A_303 = arith.constant 0 : i32
    %dma_wait3A_304 = tpu.memref_slice %arg6[%add3A_276, %dma_wait3A_303] : memref<16384x1024xf32, #tpu.memory_space<hbm>> -> memref<32x1024xf32, #tpu.memory_space<hbm>>
    %dma_wait3A_305 = arith.constant 0 : i32
    %dma_wait3A_306 = arith.constant 0 : i32
    %dma_wait3A_307 = tpu.memref_slice %arg10[%dma_wait3A_293, %dma_wait3A_305, %dma_wait3A_306] : memref<3x32x1024xf32, #tpu.memory_space<vmem>> -> memref<1x32x1024xf32, #tpu.memory_space<vmem>>
    %dma_wait3A_308 = tpu.memref_squeeze %dma_wait3A_307 : memref<1x32x1024xf32, #tpu.memory_space<vmem>> -> memref<32x1024xf32, #tpu.memory_space<vmem>>
    tpu.wait_dma2 semaphore(%dma_wait3A_302 : memref<!tpu.dma_semaphore, #tpu.memory_space<semaphore_mem>>) src(%dma_wait3A_308 : memref<32x1024xf32, #tpu.memory_space<vmem>>) dst(%dma_wait3A_304 : memref<32x1024xf32, #tpu.memory_space<hbm>>)
    %dma_start3A_309 = arith.constant 0 : i32
    %dma_start3A_310 = arith.constant 0 : i32
    %dma_start3A_311 = arith.constant 0 : i32
    %dma_start3A_312 = arith.constant 0 : i32
    %dma_start3A_313 = tpu.memref_slice %arg10[%dma_start3A_309, %dma_start3A_311, %dma_start3A_312] : memref<3x32x1024xf32, #tpu.memory_space<vmem>> -> memref<1x32x1024xf32, #tpu.memory_space<vmem>>
    %dma_start3A_314 = tpu.memref_squeeze %dma_start3A_313 : memref<1x32x1024xf32, #tpu.memory_space<vmem>> -> memref<32x1024xf32, #tpu.memory_space<vmem>>
    %dma_start3A_315 = arith.constant 192 : i32
    %dma_start3A_316 = tpu.memref_slice %arg9[%dma_start3A_315] : memref<512xi32, #tpu.memory_space<vmem>> -> memref<32xi32, #tpu.memory_space<vmem>>
    %dma_start3A_317 = arith.constant 0 : i32
    %dma_start3A_318 = arith.constant 0 : i32
    %dma_start3A_319 = tpu.memref_slice %arg3[%dma_start3A_317, %dma_start3A_318] : memref<100000x1024xf32, #tpu.memory_space<hbm>> -> memref<100000x1024xf32, #tpu.memory_space<hbm>>
    %dma_start3A_320 = tpu.memref_slice %arg11[%dma_start3A_310] : memref<3x!tpu.dma_semaphore, #tpu.memory_space<semaphore_mem>> -> memref<1x!tpu.dma_semaphore, #tpu.memory_space<semaphore_mem>>
    %dma_start3A_321 = tpu.memref_squeeze %dma_start3A_320 : memref<1x!tpu.dma_semaphore, #tpu.memory_space<semaphore_mem>> -> memref<!tpu.dma_semaphore, #tpu.memory_space<semaphore_mem>>
    tpu.enqueue_indirect_dma source(%dma_start3A_319 : memref<100000x1024xf32, #tpu.memory_space<hbm>>) target(%dma_start3A_314 : memref<32x1024xf32, #tpu.memory_space<vmem>>) offsets(%dma_start3A_316 : memref<32xi32, #tpu.memory_space<vmem>>) semaphore(%dma_start3A_321 : memref<!tpu.dma_semaphore, #tpu.memory_space<semaphore_mem>>)
    %dma_wait3A_322 = arith.constant 1 : i32
    %dma_wait3A_323 = arith.constant 1 : i32
    %dma_wait3A_324 = arith.constant 0 : i32
    %dma_wait3A_325 = arith.constant 0 : i32
    %dma_wait3A_326 = tpu.memref_slice %arg10[%dma_wait3A_322, %dma_wait3A_324, %dma_wait3A_325] : memref<3x32x1024xf32, #tpu.memory_space<vmem>> -> memref<1x32x1024xf32, #tpu.memory_space<vmem>>
    %dma_wait3A_327 = tpu.memref_squeeze %dma_wait3A_326 : memref<1x32x1024xf32, #tpu.memory_space<vmem>> -> memref<32x1024xf32, #tpu.memory_space<vmem>>
    %dma_wait3A_328 = arith.constant 128 : i32
    %dma_wait3A_329 = tpu.memref_slice %arg9[%dma_wait3A_328] : memref<512xi32, #tpu.memory_space<vmem>> -> memref<32xi32, #tpu.memory_space<vmem>>
    %dma_wait3A_330 = arith.constant 0 : i32
    %dma_wait3A_331 = arith.constant 0 : i32
    %dma_wait3A_332 = tpu.memref_slice %arg3[%dma_wait3A_330, %dma_wait3A_331] : memref<100000x1024xf32, #tpu.memory_space<hbm>> -> memref<100000x1024xf32, #tpu.memory_space<hbm>>
    %dma_wait3A_333 = tpu.memref_slice %arg11[%dma_wait3A_323] : memref<3x!tpu.dma_semaphore, #tpu.memory_space<semaphore_mem>> -> memref<1x!tpu.dma_semaphore, #tpu.memory_space<semaphore_mem>>
    %dma_wait3A_334 = tpu.memref_squeeze %dma_wait3A_333 : memref<1x!tpu.dma_semaphore, #tpu.memory_space<semaphore_mem>> -> memref<!tpu.dma_semaphore, #tpu.memory_space<semaphore_mem>>
    tpu.wait_indirect_dma semaphore(%dma_wait3A_334 : memref<!tpu.dma_semaphore, #tpu.memory_space<semaphore_mem>>) src(%dma_wait3A_332 : memref<100000x1024xf32, #tpu.memory_space<hbm>>) dst(%dma_wait3A_327 : memref<32x1024xf32, #tpu.memory_space<vmem>>)
    %add3A_335 = arith.constant 128 : i32
    %add3A_336 = arith.addi %mul3A_2, %add3A_335 : i32
    %dma_start3A_337 = arith.constant 1 : i32
    %dma_start3A_338 = arith.constant 1 : i32
    %dma_start3A_339 = arith.constant 0 : i32
    %dma_start3A_340 = arith.constant 0 : i32
    %dma_start3A_341 = tpu.memref_slice %arg10[%dma_start3A_337, %dma_start3A_339, %dma_start3A_340] : memref<3x32x1024xf32, #tpu.memory_space<vmem>> -> memref<1x32x1024xf32, #tpu.memory_space<vmem>>
    %dma_start3A_342 = tpu.memref_squeeze %dma_start3A_341 : memref<1x32x1024xf32, #tpu.memory_space<vmem>> -> memref<32x1024xf32, #tpu.memory_space<vmem>>
    %dma_start3A_343 = arith.constant 0 : i32
    %dma_start3A_344 = tpu.memref_slice %arg6[%add3A_336, %dma_start3A_343] : memref<16384x1024xf32, #tpu.memory_space<hbm>> -> memref<32x1024xf32, #tpu.memory_space<hbm>>
    %dma_start3A_345 = tpu.memref_slice %arg12[%dma_start3A_338] : memref<3x!tpu.dma_semaphore, #tpu.memory_space<semaphore_mem>> -> memref<1x!tpu.dma_semaphore, #tpu.memory_space<semaphore_mem>>
    %dma_start3A_346 = tpu.memref_squeeze %dma_start3A_345 : memref<1x!tpu.dma_semaphore, #tpu.memory_space<semaphore_mem>> -> memref<!tpu.dma_semaphore, #tpu.memory_space<semaphore_mem>>
    %dma_start3A_347 = arith.constant 0 : i32
    %dma_start3A_348 = tpu.memref_slice %arg6[%add3A_336, %dma_start3A_347] : memref<16384x1024xf32, #tpu.memory_space<hbm>> -> memref<32x1024xf32, #tpu.memory_space<hbm>>
    %dma_start3A_349 = arith.constant 0 : i32
    %dma_start3A_350 = arith.constant 0 : i32
    %dma_start3A_351 = tpu.memref_slice %arg10[%dma_start3A_337, %dma_start3A_349, %dma_start3A_350] : memref<3x32x1024xf32, #tpu.memory_space<vmem>> -> memref<1x32x1024xf32, #tpu.memory_space<vmem>>
    %dma_start3A_352 = tpu.memref_squeeze %dma_start3A_351 : memref<1x32x1024xf32, #tpu.memory_space<vmem>> -> memref<32x1024xf32, #tpu.memory_space<vmem>>
    tpu.enqueue_dma source(%dma_start3A_352 : memref<32x1024xf32, #tpu.memory_space<vmem>>) target(%dma_start3A_348 : memref<32x1024xf32, #tpu.memory_space<hbm>>) target_semaphore(%dma_start3A_346 : memref<!tpu.dma_semaphore, #tpu.memory_space<semaphore_mem>>)
    %dma_wait3A_353 = arith.constant 1 : i32
    %dma_wait3A_354 = arith.constant 1 : i32
    %dma_wait3A_355 = arith.constant 0 : i32
    %dma_wait3A_356 = arith.constant 0 : i32
    %dma_wait3A_357 = tpu.memref_slice %arg10[%dma_wait3A_353, %dma_wait3A_355, %dma_wait3A_356] : memref<3x32x1024xf32, #tpu.memory_space<vmem>> -> memref<1x32x1024xf32, #tpu.memory_space<vmem>>
    %dma_wait3A_358 = tpu.memref_squeeze %dma_wait3A_357 : memref<1x32x1024xf32, #tpu.memory_space<vmem>> -> memref<32x1024xf32, #tpu.memory_space<vmem>>
    %dma_wait3A_359 = arith.constant 0 : i32
    %dma_wait3A_360 = tpu.memref_slice %arg6[%add3A_336, %dma_wait3A_359] : memref<16384x1024xf32, #tpu.memory_space<hbm>> -> memref<32x1024xf32, #tpu.memory_space<hbm>>
    %dma_wait3A_361 = tpu.memref_slice %arg12[%dma_wait3A_354] : memref<3x!tpu.dma_semaphore, #tpu.memory_space<semaphore_mem>> -> memref<1x!tpu.dma_semaphore, #tpu.memory_space<semaphore_mem>>
    %dma_wait3A_362 = tpu.memref_squeeze %dma_wait3A_361 : memref<1x!tpu.dma_semaphore, #tpu.memory_space<semaphore_mem>> -> memref<!tpu.dma_semaphore, #tpu.memory_space<semaphore_mem>>
    %dma_wait3A_363 = arith.constant 0 : i32
    %dma_wait3A_364 = tpu.memref_slice %arg6[%add3A_336, %dma_wait3A_363] : memref<16384x1024xf32, #tpu.memory_space<hbm>> -> memref<32x1024xf32, #tpu.memory_space<hbm>>
    %dma_wait3A_365 = arith.constant 0 : i32
    %dma_wait3A_366 = arith.constant 0 : i32
    %dma_wait3A_367 = tpu.memref_slice %arg10[%dma_wait3A_353, %dma_wait3A_365, %dma_wait3A_366] : memref<3x32x1024xf32, #tpu.memory_space<vmem>> -> memref<1x32x1024xf32, #tpu.memory_space<vmem>>
    %dma_wait3A_368 = tpu.memref_squeeze %dma_wait3A_367 : memref<1x32x1024xf32, #tpu.memory_space<vmem>> -> memref<32x1024xf32, #tpu.memory_space<vmem>>
    tpu.wait_dma2 semaphore(%dma_wait3A_362 : memref<!tpu.dma_semaphore, #tpu.memory_space<semaphore_mem>>) src(%dma_wait3A_368 : memref<32x1024xf32, #tpu.memory_space<vmem>>) dst(%dma_wait3A_364 : memref<32x1024xf32, #tpu.memory_space<hbm>>)
    %dma_start3A_369 = arith.constant 1 : i32
    %dma_start3A_370 = arith.constant 1 : i32
    %dma_start3A_371 = arith.constant 0 : i32
    %dma_start3A_372 = arith.constant 0 : i32
    %dma_start3A_373 = tpu.memref_slice %arg10[%dma_start3A_369, %dma_start3A_371, %dma_start3A_372] : memref<3x32x1024xf32, #tpu.memory_space<vmem>> -> memref<1x32x1024xf32, #tpu.memory_space<vmem>>
    %dma_start3A_374 = tpu.memref_squeeze %dma_start3A_373 : memref<1x32x1024xf32, #tpu.memory_space<vmem>> -> memref<32x1024xf32, #tpu.memory_space<vmem>>
    %dma_start3A_375 = arith.constant 224 : i32
    %dma_start3A_376 = tpu.memref_slice %arg9[%dma_start3A_375] : memref<512xi32, #tpu.memory_space<vmem>> -> memref<32xi32, #tpu.memory_space<vmem>>
    %dma_start3A_377 = arith.constant 0 : i32
    %dma_start3A_378 = arith.constant 0 : i32
    %dma_start3A_379 = tpu.memref_slice %arg3[%dma_start3A_377, %dma_start3A_378] : memref<100000x1024xf32, #tpu.memory_space<hbm>> -> memref<100000x1024xf32, #tpu.memory_space<hbm>>
    %dma_start3A_380 = tpu.memref_slice %arg11[%dma_start3A_370] : memref<3x!tpu.dma_semaphore, #tpu.memory_space<semaphore_mem>> -> memref<1x!tpu.dma_semaphore, #tpu.memory_space<semaphore_mem>>
    %dma_start3A_381 = tpu.memref_squeeze %dma_start3A_380 : memref<1x!tpu.dma_semaphore, #tpu.memory_space<semaphore_mem>> -> memref<!tpu.dma_semaphore, #tpu.memory_space<semaphore_mem>>
    tpu.enqueue_indirect_dma source(%dma_start3A_379 : memref<100000x1024xf32, #tpu.memory_space<hbm>>) target(%dma_start3A_374 : memref<32x1024xf32, #tpu.memory_space<vmem>>) offsets(%dma_start3A_376 : memref<32xi32, #tpu.memory_space<vmem>>) semaphore(%dma_start3A_381 : memref<!tpu.dma_semaphore, #tpu.memory_space<semaphore_mem>>)
    %dma_wait3A_382 = arith.constant 2 : i32
    %dma_wait3A_383 = arith.constant 2 : i32
    %dma_wait3A_384 = arith.constant 0 : i32
    %dma_wait3A_385 = arith.constant 0 : i32
    %dma_wait3A_386 = tpu.memref_slice %arg10[%dma_wait3A_382, %dma_wait3A_384, %dma_wait3A_385] : memref<3x32x1024xf32, #tpu.memory_space<vmem>> -> memref<1x32x1024xf32, #tpu.memory_space<vmem>>
    %dma_wait3A_387 = tpu.memref_squeeze %dma_wait3A_386 : memref<1x32x1024xf32, #tpu.memory_space<vmem>> -> memref<32x1024xf32, #tpu.memory_space<vmem>>
    %dma_wait3A_388 = arith.constant 160 : i32
    %dma_wait3A_389 = tpu.memref_slice %arg9[%dma_wait3A_388] : memref<512xi32, #tpu.memory_space<vmem>> -> memref<32xi32, #tpu.memory_space<vmem>>
    %dma_wait3A_390 = arith.constant 0 : i32
    %dma_wait3A_391 = arith.constant 0 : i32
    %dma_wait3A_392 = tpu.memref_slice %arg3[%dma_wait3A_390, %dma_wait3A_391] : memref<100000x1024xf32, #tpu.memory_space<hbm>> -> memref<100000x1024xf32, #tpu.memory_space<hbm>>
    %dma_wait3A_393 = tpu.memref_slice %arg11[%dma_wait3A_383] : memref<3x!tpu.dma_semaphore, #tpu.memory_space<semaphore_mem>> -> memref<1x!tpu.dma_semaphore, #tpu.memory_space<semaphore_mem>>
    %dma_wait3A_394 = tpu.memref_squeeze %dma_wait3A_393 : memref<1x!tpu.dma_semaphore, #tpu.memory_space<semaphore_mem>> -> memref<!tpu.dma_semaphore, #tpu.memory_space<semaphore_mem>>
    tpu.wait_indirect_dma semaphore(%dma_wait3A_394 : memref<!tpu.dma_semaphore, #tpu.memory_space<semaphore_mem>>) src(%dma_wait3A_392 : memref<100000x1024xf32, #tpu.memory_space<hbm>>) dst(%dma_wait3A_387 : memref<32x1024xf32, #tpu.memory_space<vmem>>)
    %add3A_395 = arith.constant 160 : i32
    %add3A_396 = arith.addi %mul3A_2, %add3A_395 : i32
    %dma_start3A_397 = arith.constant 2 : i32
    %dma_start3A_398 = arith.constant 2 : i32
    %dma_start3A_399 = arith.constant 0 : i32
    %dma_start3A_400 = arith.constant 0 : i32
    %dma_start3A_401 = tpu.memref_slice %arg10[%dma_start3A_397, %dma_start3A_399, %dma_start3A_400] : memref<3x32x1024xf32, #tpu.memory_space<vmem>> -> memref<1x32x1024xf32, #tpu.memory_space<vmem>>
    %dma_start3A_402 = tpu.memref_squeeze %dma_start3A_401 : memref<1x32x1024xf32, #tpu.memory_space<vmem>> -> memref<32x1024xf32, #tpu.memory_space<vmem>>
    %dma_start3A_403 = arith.constant 0 : i32
    %dma_start3A_404 = tpu.memref_slice %arg6[%add3A_396, %dma_start3A_403] : memref<16384x1024xf32, #tpu.memory_space<hbm>> -> memref<32x1024xf32, #tpu.memory_space<hbm>>
    %dma_start3A_405 = tpu.memref_slice %arg12[%dma_start3A_398] : memref<3x!tpu.dma_semaphore, #tpu.memory_space<semaphore_mem>> -> memref<1x!tpu.dma_semaphore, #tpu.memory_space<semaphore_mem>>
    %dma_start3A_406 = tpu.memref_squeeze %dma_start3A_405 : memref<1x!tpu.dma_semaphore, #tpu.memory_space<semaphore_mem>> -> memref<!tpu.dma_semaphore, #tpu.memory_space<semaphore_mem>>
    %dma_start3A_407 = arith.constant 0 : i32
    %dma_start3A_408 = tpu.memref_slice %arg6[%add3A_396, %dma_start3A_407] : memref<16384x1024xf32, #tpu.memory_space<hbm>> -> memref<32x1024xf32, #tpu.memory_space<hbm>>
    %dma_start3A_409 = arith.constant 0 : i32
    %dma_start3A_410 = arith.constant 0 : i32
    %dma_start3A_411 = tpu.memref_slice %arg10[%dma_start3A_397, %dma_start3A_409, %dma_start3A_410] : memref<3x32x1024xf32, #tpu.memory_space<vmem>> -> memref<1x32x1024xf32, #tpu.memory_space<vmem>>
    %dma_start3A_412 = tpu.memref_squeeze %dma_start3A_411 : memref<1x32x1024xf32, #tpu.memory_space<vmem>> -> memref<32x1024xf32, #tpu.memory_space<vmem>>
    tpu.enqueue_dma source(%dma_start3A_412 : memref<32x1024xf32, #tpu.memory_space<vmem>>) target(%dma_start3A_408 : memref<32x1024xf32, #tpu.memory_space<hbm>>) target_semaphore(%dma_start3A_406 : memref<!tpu.dma_semaphore, #tpu.memory_space<semaphore_mem>>)
    %dma_wait3A_413 = arith.constant 2 : i32
    %dma_wait3A_414 = arith.constant 2 : i32
    %dma_wait3A_415 = arith.constant 0 : i32
    %dma_wait3A_416 = arith.constant 0 : i32
    %dma_wait3A_417 = tpu.memref_slice %arg10[%dma_wait3A_413, %dma_wait3A_415, %dma_wait3A_416] : memref<3x32x1024xf32, #tpu.memory_space<vmem>> -> memref<1x32x1024xf32, #tpu.memory_space<vmem>>
    %dma_wait3A_418 = tpu.memref_squeeze %dma_wait3A_417 : memref<1x32x1024xf32, #tpu.memory_space<vmem>> -> memref<32x1024xf32, #tpu.memory_space<vmem>>
    %dma_wait3A_419 = arith.constant 0 : i32
    %dma_wait3A_420 = tpu.memref_slice %arg6[%add3A_396, %dma_wait3A_419] : memref<16384x1024xf32, #tpu.memory_space<hbm>> -> memref<32x1024xf32, #tpu.memory_space<hbm>>
    %dma_wait3A_421 = tpu.memref_slice %arg12[%dma_wait3A_414] : memref<3x!tpu.dma_semaphore, #tpu.memory_space<semaphore_mem>> -> memref<1x!tpu.dma_semaphore, #tpu.memory_space<semaphore_mem>>
    %dma_wait3A_422 = tpu.memref_squeeze %dma_wait3A_421 : memref<1x!tpu.dma_semaphore, #tpu.memory_space<semaphore_mem>> -> memref<!tpu.dma_semaphore, #tpu.memory_space<semaphore_mem>>
    %dma_wait3A_423 = arith.constant 0 : i32
    %dma_wait3A_424 = tpu.memref_slice %arg6[%add3A_396, %dma_wait3A_423] : memref<16384x1024xf32, #tpu.memory_space<hbm>> -> memref<32x1024xf32, #tpu.memory_space<hbm>>
    %dma_wait3A_425 = arith.constant 0 : i32
    %dma_wait3A_426 = arith.constant 0 : i32
    %dma_wait3A_427 = tpu.memref_slice %arg10[%dma_wait3A_413, %dma_wait3A_425, %dma_wait3A_426] : memref<3x32x1024xf32, #tpu.memory_space<vmem>> -> memref<1x32x1024xf32, #tpu.memory_space<vmem>>
    %dma_wait3A_428 = tpu.memref_squeeze %dma_wait3A_427 : memref<1x32x1024xf32, #tpu.memory_space<vmem>> -> memref<32x1024xf32, #tpu.memory_space<vmem>>
    tpu.wait_dma2 semaphore(%dma_wait3A_422 : memref<!tpu.dma_semaphore, #tpu.memory_space<semaphore_mem>>) src(%dma_wait3A_428 : memref<32x1024xf32, #tpu.memory_space<vmem>>) dst(%dma_wait3A_424 : memref<32x1024xf32, #tpu.memory_space<hbm>>)
    %dma_start3A_429 = arith.constant 2 : i32
    %dma_start3A_430 = arith.constant 2 : i32
    %dma_start3A_431 = arith.constant 0 : i32
    %dma_start3A_432 = arith.constant 0 : i32
    %dma_start3A_433 = tpu.memref_slice %arg10[%dma_start3A_429, %dma_start3A_431, %dma_start3A_432] : memref<3x32x1024xf32, #tpu.memory_space<vmem>> -> memref<1x32x1024xf32, #tpu.memory_space<vmem>>
    %dma_start3A_434 = tpu.memref_squeeze %dma_start3A_433 : memref<1x32x1024xf32, #tpu.memory_space<vmem>> -> memref<32x1024xf32, #tpu.memory_space<vmem>>
    %dma_start3A_435 = arith.constant 256 : i32
    %dma_start3A_436 = tpu.memref_slice %arg9[%dma_start3A_435] : memref<512xi32, #tpu.memory_space<vmem>> -> memref<32xi32, #tpu.memory_space<vmem>>
    %dma_start3A_437 = arith.constant 0 : i32
    %dma_start3A_438 = arith.constant 0 : i32
    %dma_start3A_439 = tpu.memref_slice %arg3[%dma_start3A_437, %dma_start3A_438] : memref<100000x1024xf32, #tpu.memory_space<hbm>> -> memref<100000x1024xf32, #tpu.memory_space<hbm>>
    %dma_start3A_440 = tpu.memref_slice %arg11[%dma_start3A_430] : memref<3x!tpu.dma_semaphore, #tpu.memory_space<semaphore_mem>> -> memref<1x!tpu.dma_semaphore, #tpu.memory_space<semaphore_mem>>
    %dma_start3A_441 = tpu.memref_squeeze %dma_start3A_440 : memref<1x!tpu.dma_semaphore, #tpu.memory_space<semaphore_mem>> -> memref<!tpu.dma_semaphore, #tpu.memory_space<semaphore_mem>>
    tpu.enqueue_indirect_dma source(%dma_start3A_439 : memref<100000x1024xf32, #tpu.memory_space<hbm>>) target(%dma_start3A_434 : memref<32x1024xf32, #tpu.memory_space<vmem>>) offsets(%dma_start3A_436 : memref<32xi32, #tpu.memory_space<vmem>>) semaphore(%dma_start3A_441 : memref<!tpu.dma_semaphore, #tpu.memory_space<semaphore_mem>>)
    %dma_wait3A_442 = arith.constant 0 : i32
    %dma_wait3A_443 = arith.constant 0 : i32
    %dma_wait3A_444 = arith.constant 0 : i32
    %dma_wait3A_445 = arith.constant 0 : i32
    %dma_wait3A_446 = tpu.memref_slice %arg10[%dma_wait3A_442, %dma_wait3A_444, %dma_wait3A_445] : memref<3x32x1024xf32, #tpu.memory_space<vmem>> -> memref<1x32x1024xf32, #tpu.memory_space<vmem>>
    %dma_wait3A_447 = tpu.memref_squeeze %dma_wait3A_446 : memref<1x32x1024xf32, #tpu.memory_space<vmem>> -> memref<32x1024xf32, #tpu.memory_space<vmem>>
    %dma_wait3A_448 = arith.constant 192 : i32
    %dma_wait3A_449 = tpu.memref_slice %arg9[%dma_wait3A_448] : memref<512xi32, #tpu.memory_space<vmem>> -> memref<32xi32, #tpu.memory_space<vmem>>
    %dma_wait3A_450 = arith.constant 0 : i32
    %dma_wait3A_451 = arith.constant 0 : i32
    %dma_wait3A_452 = tpu.memref_slice %arg3[%dma_wait3A_450, %dma_wait3A_451] : memref<100000x1024xf32, #tpu.memory_space<hbm>> -> memref<100000x1024xf32, #tpu.memory_space<hbm>>
    %dma_wait3A_453 = tpu.memref_slice %arg11[%dma_wait3A_443] : memref<3x!tpu.dma_semaphore, #tpu.memory_space<semaphore_mem>> -> memref<1x!tpu.dma_semaphore, #tpu.memory_space<semaphore_mem>>
    %dma_wait3A_454 = tpu.memref_squeeze %dma_wait3A_453 : memref<1x!tpu.dma_semaphore, #tpu.memory_space<semaphore_mem>> -> memref<!tpu.dma_semaphore, #tpu.memory_space<semaphore_mem>>
    tpu.wait_indirect_dma semaphore(%dma_wait3A_454 : memref<!tpu.dma_semaphore, #tpu.memory_space<semaphore_mem>>) src(%dma_wait3A_452 : memref<100000x1024xf32, #tpu.memory_space<hbm>>) dst(%dma_wait3A_447 : memref<32x1024xf32, #tpu.memory_space<vmem>>)
    %add3A_455 = arith.constant 192 : i32
    %add3A_456 = arith.addi %mul3A_2, %add3A_455 : i32
    %dma_start3A_457 = arith.constant 0 : i32
    %dma_start3A_458 = arith.constant 0 : i32
    %dma_start3A_459 = arith.constant 0 : i32
    %dma_start3A_460 = arith.constant 0 : i32
    %dma_start3A_461 = tpu.memref_slice %arg10[%dma_start3A_457, %dma_start3A_459, %dma_start3A_460] : memref<3x32x1024xf32, #tpu.memory_space<vmem>> -> memref<1x32x1024xf32, #tpu.memory_space<vmem>>
    %dma_start3A_462 = tpu.memref_squeeze %dma_start3A_461 : memref<1x32x1024xf32, #tpu.memory_space<vmem>> -> memref<32x1024xf32, #tpu.memory_space<vmem>>
    %dma_start3A_463 = arith.constant 0 : i32
    %dma_start3A_464 = tpu.memref_slice %arg6[%add3A_456, %dma_start3A_463] : memref<16384x1024xf32, #tpu.memory_space<hbm>> -> memref<32x1024xf32, #tpu.memory_space<hbm>>
    %dma_start3A_465 = tpu.memref_slice %arg12[%dma_start3A_458] : memref<3x!tpu.dma_semaphore, #tpu.memory_space<semaphore_mem>> -> memref<1x!tpu.dma_semaphore, #tpu.memory_space<semaphore_mem>>
    %dma_start3A_466 = tpu.memref_squeeze %dma_start3A_465 : memref<1x!tpu.dma_semaphore, #tpu.memory_space<semaphore_mem>> -> memref<!tpu.dma_semaphore, #tpu.memory_space<semaphore_mem>>
    %dma_start3A_467 = arith.constant 0 : i32
    %dma_start3A_468 = tpu.memref_slice %arg6[%add3A_456, %dma_start3A_467] : memref<16384x1024xf32, #tpu.memory_space<hbm>> -> memref<32x1024xf32, #tpu.memory_space<hbm>>
    %dma_start3A_469 = arith.constant 0 : i32
    %dma_start3A_470 = arith.constant 0 : i32
    %dma_start3A_471 = tpu.memref_slice %arg10[%dma_start3A_457, %dma_start3A_469, %dma_start3A_470] : memref<3x32x1024xf32, #tpu.memory_space<vmem>> -> memref<1x32x1024xf32, #tpu.memory_space<vmem>>
    %dma_start3A_472 = tpu.memref_squeeze %dma_start3A_471 : memref<1x32x1024xf32, #tpu.memory_space<vmem>> -> memref<32x1024xf32, #tpu.memory_space<vmem>>
    tpu.enqueue_dma source(%dma_start3A_472 : memref<32x1024xf32, #tpu.memory_space<vmem>>) target(%dma_start3A_468 : memref<32x1024xf32, #tpu.memory_space<hbm>>) target_semaphore(%dma_start3A_466 : memref<!tpu.dma_semaphore, #tpu.memory_space<semaphore_mem>>)
    %dma_wait3A_473 = arith.constant 0 : i32
    %dma_wait3A_474 = arith.constant 0 : i32
    %dma_wait3A_475 = arith.constant 0 : i32
    %dma_wait3A_476 = arith.constant 0 : i32
    %dma_wait3A_477 = tpu.memref_slice %arg10[%dma_wait3A_473, %dma_wait3A_475, %dma_wait3A_476] : memref<3x32x1024xf32, #tpu.memory_space<vmem>> -> memref<1x32x1024xf32, #tpu.memory_space<vmem>>
    %dma_wait3A_478 = tpu.memref_squeeze %dma_wait3A_477 : memref<1x32x1024xf32, #tpu.memory_space<vmem>> -> memref<32x1024xf32, #tpu.memory_space<vmem>>
    %dma_wait3A_479 = arith.constant 0 : i32
    %dma_wait3A_480 = tpu.memref_slice %arg6[%add3A_456, %dma_wait3A_479] : memref<16384x1024xf32, #tpu.memory_space<hbm>> -> memref<32x1024xf32, #tpu.memory_space<hbm>>
    %dma_wait3A_481 = tpu.memref_slice %arg12[%dma_wait3A_474] : memref<3x!tpu.dma_semaphore, #tpu.memory_space<semaphore_mem>> -> memref<1x!tpu.dma_semaphore, #tpu.memory_space<semaphore_mem>>
    %dma_wait3A_482 = tpu.memref_squeeze %dma_wait3A_481 : memref<1x!tpu.dma_semaphore, #tpu.memory_space<semaphore_mem>> -> memref<!tpu.dma_semaphore, #tpu.memory_space<semaphore_mem>>
    %dma_wait3A_483 = arith.constant 0 : i32
    %dma_wait3A_484 = tpu.memref_slice %arg6[%add3A_456, %dma_wait3A_483] : memref<16384x1024xf32, #tpu.memory_space<hbm>> -> memref<32x1024xf32, #tpu.memory_space<hbm>>
    %dma_wait3A_485 = arith.constant 0 : i32
    %dma_wait3A_486 = arith.constant 0 : i32
    %dma_wait3A_487 = tpu.memref_slice %arg10[%dma_wait3A_473, %dma_wait3A_485, %dma_wait3A_486] : memref<3x32x1024xf32, #tpu.memory_space<vmem>> -> memref<1x32x1024xf32, #tpu.memory_space<vmem>>
    %dma_wait3A_488 = tpu.memref_squeeze %dma_wait3A_487 : memref<1x32x1024xf32, #tpu.memory_space<vmem>> -> memref<32x1024xf32, #tpu.memory_space<vmem>>
    tpu.wait_dma2 semaphore(%dma_wait3A_482 : memref<!tpu.dma_semaphore, #tpu.memory_space<semaphore_mem>>) src(%dma_wait3A_488 : memref<32x1024xf32, #tpu.memory_space<vmem>>) dst(%dma_wait3A_484 : memref<32x1024xf32, #tpu.memory_space<hbm>>)
    %dma_start3A_489 = arith.constant 0 : i32
    %dma_start3A_490 = arith.constant 0 : i32
    %dma_start3A_491 = arith.constant 0 : i32
    %dma_start3A_492 = arith.constant 0 : i32
    %dma_start3A_493 = tpu.memref_slice %arg10[%dma_start3A_489, %dma_start3A_491, %dma_start3A_492] : memref<3x32x1024xf32, #tpu.memory_space<vmem>> -> memref<1x32x1024xf32, #tpu.memory_space<vmem>>
    %dma_start3A_494 = tpu.memref_squeeze %dma_start3A_493 : memref<1x32x1024xf32, #tpu.memory_space<vmem>> -> memref<32x1024xf32, #tpu.memory_space<vmem>>
    %dma_start3A_495 = arith.constant 288 : i32
    %dma_start3A_496 = tpu.memref_slice %arg9[%dma_start3A_495] : memref<512xi32, #tpu.memory_space<vmem>> -> memref<32xi32, #tpu.memory_space<vmem>>
    %dma_start3A_497 = arith.constant 0 : i32
    %dma_start3A_498 = arith.constant 0 : i32
    %dma_start3A_499 = tpu.memref_slice %arg3[%dma_start3A_497, %dma_start3A_498] : memref<100000x1024xf32, #tpu.memory_space<hbm>> -> memref<100000x1024xf32, #tpu.memory_space<hbm>>
    %dma_start3A_500 = tpu.memref_slice %arg11[%dma_start3A_490] : memref<3x!tpu.dma_semaphore, #tpu.memory_space<semaphore_mem>> -> memref<1x!tpu.dma_semaphore, #tpu.memory_space<semaphore_mem>>
    %dma_start3A_501 = tpu.memref_squeeze %dma_start3A_500 : memref<1x!tpu.dma_semaphore, #tpu.memory_space<semaphore_mem>> -> memref<!tpu.dma_semaphore, #tpu.memory_space<semaphore_mem>>
    tpu.enqueue_indirect_dma source(%dma_start3A_499 : memref<100000x1024xf32, #tpu.memory_space<hbm>>) target(%dma_start3A_494 : memref<32x1024xf32, #tpu.memory_space<vmem>>) offsets(%dma_start3A_496 : memref<32xi32, #tpu.memory_space<vmem>>) semaphore(%dma_start3A_501 : memref<!tpu.dma_semaphore, #tpu.memory_space<semaphore_mem>>)
    %dma_wait3A_502 = arith.constant 1 : i32
    %dma_wait3A_503 = arith.constant 1 : i32
    %dma_wait3A_504 = arith.constant 0 : i32
    %dma_wait3A_505 = arith.constant 0 : i32
    %dma_wait3A_506 = tpu.memref_slice %arg10[%dma_wait3A_502, %dma_wait3A_504, %dma_wait3A_505] : memref<3x32x1024xf32, #tpu.memory_space<vmem>> -> memref<1x32x1024xf32, #tpu.memory_space<vmem>>
    %dma_wait3A_507 = tpu.memref_squeeze %dma_wait3A_506 : memref<1x32x1024xf32, #tpu.memory_space<vmem>> -> memref<32x1024xf32, #tpu.memory_space<vmem>>
    %dma_wait3A_508 = arith.constant 224 : i32
    %dma_wait3A_509 = tpu.memref_slice %arg9[%dma_wait3A_508] : memref<512xi32, #tpu.memory_space<vmem>> -> memref<32xi32, #tpu.memory_space<vmem>>
    %dma_wait3A_510 = arith.constant 0 : i32
    %dma_wait3A_511 = arith.constant 0 : i32
    %dma_wait3A_512 = tpu.memref_slice %arg3[%dma_wait3A_510, %dma_wait3A_511] : memref<100000x1024xf32, #tpu.memory_space<hbm>> -> memref<100000x1024xf32, #tpu.memory_space<hbm>>
    %dma_wait3A_513 = tpu.memref_slice %arg11[%dma_wait3A_503] : memref<3x!tpu.dma_semaphore, #tpu.memory_space<semaphore_mem>> -> memref<1x!tpu.dma_semaphore, #tpu.memory_space<semaphore_mem>>
    %dma_wait3A_514 = tpu.memref_squeeze %dma_wait3A_513 : memref<1x!tpu.dma_semaphore, #tpu.memory_space<semaphore_mem>> -> memref<!tpu.dma_semaphore, #tpu.memory_space<semaphore_mem>>
    tpu.wait_indirect_dma semaphore(%dma_wait3A_514 : memref<!tpu.dma_semaphore, #tpu.memory_space<semaphore_mem>>) src(%dma_wait3A_512 : memref<100000x1024xf32, #tpu.memory_space<hbm>>) dst(%dma_wait3A_507 : memref<32x1024xf32, #tpu.memory_space<vmem>>)
    %add3A_515 = arith.constant 224 : i32
    %add3A_516 = arith.addi %mul3A_2, %add3A_515 : i32
    %dma_start3A_517 = arith.constant 1 : i32
    %dma_start3A_518 = arith.constant 1 : i32
    %dma_start3A_519 = arith.constant 0 : i32
    %dma_start3A_520 = arith.constant 0 : i32
    %dma_start3A_521 = tpu.memref_slice %arg10[%dma_start3A_517, %dma_start3A_519, %dma_start3A_520] : memref<3x32x1024xf32, #tpu.memory_space<vmem>> -> memref<1x32x1024xf32, #tpu.memory_space<vmem>>
    %dma_start3A_522 = tpu.memref_squeeze %dma_start3A_521 : memref<1x32x1024xf32, #tpu.memory_space<vmem>> -> memref<32x1024xf32, #tpu.memory_space<vmem>>
    %dma_start3A_523 = arith.constant 0 : i32
    %dma_start3A_524 = tpu.memref_slice %arg6[%add3A_516, %dma_start3A_523] : memref<16384x1024xf32, #tpu.memory_space<hbm>> -> memref<32x1024xf32, #tpu.memory_space<hbm>>
    %dma_start3A_525 = tpu.memref_slice %arg12[%dma_start3A_518] : memref<3x!tpu.dma_semaphore, #tpu.memory_space<semaphore_mem>> -> memref<1x!tpu.dma_semaphore, #tpu.memory_space<semaphore_mem>>
    %dma_start3A_526 = tpu.memref_squeeze %dma_start3A_525 : memref<1x!tpu.dma_semaphore, #tpu.memory_space<semaphore_mem>> -> memref<!tpu.dma_semaphore, #tpu.memory_space<semaphore_mem>>
    %dma_start3A_527 = arith.constant 0 : i32
    %dma_start3A_528 = tpu.memref_slice %arg6[%add3A_516, %dma_start3A_527] : memref<16384x1024xf32, #tpu.memory_space<hbm>> -> memref<32x1024xf32, #tpu.memory_space<hbm>>
    %dma_start3A_529 = arith.constant 0 : i32
    %dma_start3A_530 = arith.constant 0 : i32
    %dma_start3A_531 = tpu.memref_slice %arg10[%dma_start3A_517, %dma_start3A_529, %dma_start3A_530] : memref<3x32x1024xf32, #tpu.memory_space<vmem>> -> memref<1x32x1024xf32, #tpu.memory_space<vmem>>
    %dma_start3A_532 = tpu.memref_squeeze %dma_start3A_531 : memref<1x32x1024xf32, #tpu.memory_space<vmem>> -> memref<32x1024xf32, #tpu.memory_space<vmem>>
    tpu.enqueue_dma source(%dma_start3A_532 : memref<32x1024xf32, #tpu.memory_space<vmem>>) target(%dma_start3A_528 : memref<32x1024xf32, #tpu.memory_space<hbm>>) target_semaphore(%dma_start3A_526 : memref<!tpu.dma_semaphore, #tpu.memory_space<semaphore_mem>>)
    %dma_wait3A_533 = arith.constant 1 : i32
    %dma_wait3A_534 = arith.constant 1 : i32
    %dma_wait3A_535 = arith.constant 0 : i32
    %dma_wait3A_536 = arith.constant 0 : i32
    %dma_wait3A_537 = tpu.memref_slice %arg10[%dma_wait3A_533, %dma_wait3A_535, %dma_wait3A_536] : memref<3x32x1024xf32, #tpu.memory_space<vmem>> -> memref<1x32x1024xf32, #tpu.memory_space<vmem>>
    %dma_wait3A_538 = tpu.memref_squeeze %dma_wait3A_537 : memref<1x32x1024xf32, #tpu.memory_space<vmem>> -> memref<32x1024xf32, #tpu.memory_space<vmem>>
    %dma_wait3A_539 = arith.constant 0 : i32
    %dma_wait3A_540 = tpu.memref_slice %arg6[%add3A_516, %dma_wait3A_539] : memref<16384x1024xf32, #tpu.memory_space<hbm>> -> memref<32x1024xf32, #tpu.memory_space<hbm>>
    %dma_wait3A_541 = tpu.memref_slice %arg12[%dma_wait3A_534] : memref<3x!tpu.dma_semaphore, #tpu.memory_space<semaphore_mem>> -> memref<1x!tpu.dma_semaphore, #tpu.memory_space<semaphore_mem>>
    %dma_wait3A_542 = tpu.memref_squeeze %dma_wait3A_541 : memref<1x!tpu.dma_semaphore, #tpu.memory_space<semaphore_mem>> -> memref<!tpu.dma_semaphore, #tpu.memory_space<semaphore_mem>>
    %dma_wait3A_543 = arith.constant 0 : i32
    %dma_wait3A_544 = tpu.memref_slice %arg6[%add3A_516, %dma_wait3A_543] : memref<16384x1024xf32, #tpu.memory_space<hbm>> -> memref<32x1024xf32, #tpu.memory_space<hbm>>
    %dma_wait3A_545 = arith.constant 0 : i32
    %dma_wait3A_546 = arith.constant 0 : i32
    %dma_wait3A_547 = tpu.memref_slice %arg10[%dma_wait3A_533, %dma_wait3A_545, %dma_wait3A_546] : memref<3x32x1024xf32, #tpu.memory_space<vmem>> -> memref<1x32x1024xf32, #tpu.memory_space<vmem>>
    %dma_wait3A_548 = tpu.memref_squeeze %dma_wait3A_547 : memref<1x32x1024xf32, #tpu.memory_space<vmem>> -> memref<32x1024xf32, #tpu.memory_space<vmem>>
    tpu.wait_dma2 semaphore(%dma_wait3A_542 : memref<!tpu.dma_semaphore, #tpu.memory_space<semaphore_mem>>) src(%dma_wait3A_548 : memref<32x1024xf32, #tpu.memory_space<vmem>>) dst(%dma_wait3A_544 : memref<32x1024xf32, #tpu.memory_space<hbm>>)
    %dma_start3A_549 = arith.constant 1 : i32
    %dma_start3A_550 = arith.constant 1 : i32
    %dma_start3A_551 = arith.constant 0 : i32
    %dma_start3A_552 = arith.constant 0 : i32
    %dma_start3A_553 = tpu.memref_slice %arg10[%dma_start3A_549, %dma_start3A_551, %dma_start3A_552] : memref<3x32x1024xf32, #tpu.memory_space<vmem>> -> memref<1x32x1024xf32, #tpu.memory_space<vmem>>
    %dma_start3A_554 = tpu.memref_squeeze %dma_start3A_553 : memref<1x32x1024xf32, #tpu.memory_space<vmem>> -> memref<32x1024xf32, #tpu.memory_space<vmem>>
    %dma_start3A_555 = arith.constant 320 : i32
    %dma_start3A_556 = tpu.memref_slice %arg9[%dma_start3A_555] : memref<512xi32, #tpu.memory_space<vmem>> -> memref<32xi32, #tpu.memory_space<vmem>>
    %dma_start3A_557 = arith.constant 0 : i32
    %dma_start3A_558 = arith.constant 0 : i32
    %dma_start3A_559 = tpu.memref_slice %arg3[%dma_start3A_557, %dma_start3A_558] : memref<100000x1024xf32, #tpu.memory_space<hbm>> -> memref<100000x1024xf32, #tpu.memory_space<hbm>>
    %dma_start3A_560 = tpu.memref_slice %arg11[%dma_start3A_550] : memref<3x!tpu.dma_semaphore, #tpu.memory_space<semaphore_mem>> -> memref<1x!tpu.dma_semaphore, #tpu.memory_space<semaphore_mem>>
    %dma_start3A_561 = tpu.memref_squeeze %dma_start3A_560 : memref<1x!tpu.dma_semaphore, #tpu.memory_space<semaphore_mem>> -> memref<!tpu.dma_semaphore, #tpu.memory_space<semaphore_mem>>
    tpu.enqueue_indirect_dma source(%dma_start3A_559 : memref<100000x1024xf32, #tpu.memory_space<hbm>>) target(%dma_start3A_554 : memref<32x1024xf32, #tpu.memory_space<vmem>>) offsets(%dma_start3A_556 : memref<32xi32, #tpu.memory_space<vmem>>) semaphore(%dma_start3A_561 : memref<!tpu.dma_semaphore, #tpu.memory_space<semaphore_mem>>)
    %dma_wait3A_562 = arith.constant 2 : i32
    %dma_wait3A_563 = arith.constant 2 : i32
    %dma_wait3A_564 = arith.constant 0 : i32
    %dma_wait3A_565 = arith.constant 0 : i32
    %dma_wait3A_566 = tpu.memref_slice %arg10[%dma_wait3A_562, %dma_wait3A_564, %dma_wait3A_565] : memref<3x32x1024xf32, #tpu.memory_space<vmem>> -> memref<1x32x1024xf32, #tpu.memory_space<vmem>>
    %dma_wait3A_567 = tpu.memref_squeeze %dma_wait3A_566 : memref<1x32x1024xf32, #tpu.memory_space<vmem>> -> memref<32x1024xf32, #tpu.memory_space<vmem>>
    %dma_wait3A_568 = arith.constant 256 : i32
    %dma_wait3A_569 = tpu.memref_slice %arg9[%dma_wait3A_568] : memref<512xi32, #tpu.memory_space<vmem>> -> memref<32xi32, #tpu.memory_space<vmem>>
    %dma_wait3A_570 = arith.constant 0 : i32
    %dma_wait3A_571 = arith.constant 0 : i32
    %dma_wait3A_572 = tpu.memref_slice %arg3[%dma_wait3A_570, %dma_wait3A_571] : memref<100000x1024xf32, #tpu.memory_space<hbm>> -> memref<100000x1024xf32, #tpu.memory_space<hbm>>
    %dma_wait3A_573 = tpu.memref_slice %arg11[%dma_wait3A_563] : memref<3x!tpu.dma_semaphore, #tpu.memory_space<semaphore_mem>> -> memref<1x!tpu.dma_semaphore, #tpu.memory_space<semaphore_mem>>
    %dma_wait3A_574 = tpu.memref_squeeze %dma_wait3A_573 : memref<1x!tpu.dma_semaphore, #tpu.memory_space<semaphore_mem>> -> memref<!tpu.dma_semaphore, #tpu.memory_space<semaphore_mem>>
    tpu.wait_indirect_dma semaphore(%dma_wait3A_574 : memref<!tpu.dma_semaphore, #tpu.memory_space<semaphore_mem>>) src(%dma_wait3A_572 : memref<100000x1024xf32, #tpu.memory_space<hbm>>) dst(%dma_wait3A_567 : memref<32x1024xf32, #tpu.memory_space<vmem>>)
    %add3A_575 = arith.constant 256 : i32
    %add3A_576 = arith.addi %mul3A_2, %add3A_575 : i32
    %dma_start3A_577 = arith.constant 2 : i32
    %dma_start3A_578 = arith.constant 2 : i32
    %dma_start3A_579 = arith.constant 0 : i32
    %dma_start3A_580 = arith.constant 0 : i32
    %dma_start3A_581 = tpu.memref_slice %arg10[%dma_start3A_577, %dma_start3A_579, %dma_start3A_580] : memref<3x32x1024xf32, #tpu.memory_space<vmem>> -> memref<1x32x1024xf32, #tpu.memory_space<vmem>>
    %dma_start3A_582 = tpu.memref_squeeze %dma_start3A_581 : memref<1x32x1024xf32, #tpu.memory_space<vmem>> -> memref<32x1024xf32, #tpu.memory_space<vmem>>
    %dma_start3A_583 = arith.constant 0 : i32
    %dma_start3A_584 = tpu.memref_slice %arg6[%add3A_576, %dma_start3A_583] : memref<16384x1024xf32, #tpu.memory_space<hbm>> -> memref<32x1024xf32, #tpu.memory_space<hbm>>
    %dma_start3A_585 = tpu.memref_slice %arg12[%dma_start3A_578] : memref<3x!tpu.dma_semaphore, #tpu.memory_space<semaphore_mem>> -> memref<1x!tpu.dma_semaphore, #tpu.memory_space<semaphore_mem>>
    %dma_start3A_586 = tpu.memref_squeeze %dma_start3A_585 : memref<1x!tpu.dma_semaphore, #tpu.memory_space<semaphore_mem>> -> memref<!tpu.dma_semaphore, #tpu.memory_space<semaphore_mem>>
    %dma_start3A_587 = arith.constant 0 : i32
    %dma_start3A_588 = tpu.memref_slice %arg6[%add3A_576, %dma_start3A_587] : memref<16384x1024xf32, #tpu.memory_space<hbm>> -> memref<32x1024xf32, #tpu.memory_space<hbm>>
    %dma_start3A_589 = arith.constant 0 : i32
    %dma_start3A_590 = arith.constant 0 : i32
    %dma_start3A_591 = tpu.memref_slice %arg10[%dma_start3A_577, %dma_start3A_589, %dma_start3A_590] : memref<3x32x1024xf32, #tpu.memory_space<vmem>> -> memref<1x32x1024xf32, #tpu.memory_space<vmem>>
    %dma_start3A_592 = tpu.memref_squeeze %dma_start3A_591 : memref<1x32x1024xf32, #tpu.memory_space<vmem>> -> memref<32x1024xf32, #tpu.memory_space<vmem>>
    tpu.enqueue_dma source(%dma_start3A_592 : memref<32x1024xf32, #tpu.memory_space<vmem>>) target(%dma_start3A_588 : memref<32x1024xf32, #tpu.memory_space<hbm>>) target_semaphore(%dma_start3A_586 : memref<!tpu.dma_semaphore, #tpu.memory_space<semaphore_mem>>)
    %dma_wait3A_593 = arith.constant 2 : i32
    %dma_wait3A_594 = arith.constant 2 : i32
    %dma_wait3A_595 = arith.constant 0 : i32
    %dma_wait3A_596 = arith.constant 0 : i32
    %dma_wait3A_597 = tpu.memref_slice %arg10[%dma_wait3A_593, %dma_wait3A_595, %dma_wait3A_596] : memref<3x32x1024xf32, #tpu.memory_space<vmem>> -> memref<1x32x1024xf32, #tpu.memory_space<vmem>>
    %dma_wait3A_598 = tpu.memref_squeeze %dma_wait3A_597 : memref<1x32x1024xf32, #tpu.memory_space<vmem>> -> memref<32x1024xf32, #tpu.memory_space<vmem>>
    %dma_wait3A_599 = arith.constant 0 : i32
    %dma_wait3A_600 = tpu.memref_slice %arg6[%add3A_576, %dma_wait3A_599] : memref<16384x1024xf32, #tpu.memory_space<hbm>> -> memref<32x1024xf32, #tpu.memory_space<hbm>>
    %dma_wait3A_601 = tpu.memref_slice %arg12[%dma_wait3A_594] : memref<3x!tpu.dma_semaphore, #tpu.memory_space<semaphore_mem>> -> memref<1x!tpu.dma_semaphore, #tpu.memory_space<semaphore_mem>>
    %dma_wait3A_602 = tpu.memref_squeeze %dma_wait3A_601 : memref<1x!tpu.dma_semaphore, #tpu.memory_space<semaphore_mem>> -> memref<!tpu.dma_semaphore, #tpu.memory_space<semaphore_mem>>
    %dma_wait3A_603 = arith.constant 0 : i32
    %dma_wait3A_604 = tpu.memref_slice %arg6[%add3A_576, %dma_wait3A_603] : memref<16384x1024xf32, #tpu.memory_space<hbm>> -> memref<32x1024xf32, #tpu.memory_space<hbm>>
    %dma_wait3A_605 = arith.constant 0 : i32
    %dma_wait3A_606 = arith.constant 0 : i32
    %dma_wait3A_607 = tpu.memref_slice %arg10[%dma_wait3A_593, %dma_wait3A_605, %dma_wait3A_606] : memref<3x32x1024xf32, #tpu.memory_space<vmem>> -> memref<1x32x1024xf32, #tpu.memory_space<vmem>>
    %dma_wait3A_608 = tpu.memref_squeeze %dma_wait3A_607 : memref<1x32x1024xf32, #tpu.memory_space<vmem>> -> memref<32x1024xf32, #tpu.memory_space<vmem>>
    tpu.wait_dma2 semaphore(%dma_wait3A_602 : memref<!tpu.dma_semaphore, #tpu.memory_space<semaphore_mem>>) src(%dma_wait3A_608 : memref<32x1024xf32, #tpu.memory_space<vmem>>) dst(%dma_wait3A_604 : memref<32x1024xf32, #tpu.memory_space<hbm>>)
    %dma_start3A_609 = arith.constant 2 : i32
    %dma_start3A_610 = arith.constant 2 : i32
    %dma_start3A_611 = arith.constant 0 : i32
    %dma_start3A_612 = arith.constant 0 : i32
    %dma_start3A_613 = tpu.memref_slice %arg10[%dma_start3A_609, %dma_start3A_611, %dma_start3A_612] : memref<3x32x1024xf32, #tpu.memory_space<vmem>> -> memref<1x32x1024xf32, #tpu.memory_space<vmem>>
    %dma_start3A_614 = tpu.memref_squeeze %dma_start3A_613 : memref<1x32x1024xf32, #tpu.memory_space<vmem>> -> memref<32x1024xf32, #tpu.memory_space<vmem>>
    %dma_start3A_615 = arith.constant 352 : i32
    %dma_start3A_616 = tpu.memref_slice %arg9[%dma_start3A_615] : memref<512xi32, #tpu.memory_space<vmem>> -> memref<32xi32, #tpu.memory_space<vmem>>
    %dma_start3A_617 = arith.constant 0 : i32
    %dma_start3A_618 = arith.constant 0 : i32
    %dma_start3A_619 = tpu.memref_slice %arg3[%dma_start3A_617, %dma_start3A_618] : memref<100000x1024xf32, #tpu.memory_space<hbm>> -> memref<100000x1024xf32, #tpu.memory_space<hbm>>
    %dma_start3A_620 = tpu.memref_slice %arg11[%dma_start3A_610] : memref<3x!tpu.dma_semaphore, #tpu.memory_space<semaphore_mem>> -> memref<1x!tpu.dma_semaphore, #tpu.memory_space<semaphore_mem>>
    %dma_start3A_621 = tpu.memref_squeeze %dma_start3A_620 : memref<1x!tpu.dma_semaphore, #tpu.memory_space<semaphore_mem>> -> memref<!tpu.dma_semaphore, #tpu.memory_space<semaphore_mem>>
    tpu.enqueue_indirect_dma source(%dma_start3A_619 : memref<100000x1024xf32, #tpu.memory_space<hbm>>) target(%dma_start3A_614 : memref<32x1024xf32, #tpu.memory_space<vmem>>) offsets(%dma_start3A_616 : memref<32xi32, #tpu.memory_space<vmem>>) semaphore(%dma_start3A_621 : memref<!tpu.dma_semaphore, #tpu.memory_space<semaphore_mem>>)
    %dma_wait3A_622 = arith.constant 0 : i32
    %dma_wait3A_623 = arith.constant 0 : i32
    %dma_wait3A_624 = arith.constant 0 : i32
    %dma_wait3A_625 = arith.constant 0 : i32
    %dma_wait3A_626 = tpu.memref_slice %arg10[%dma_wait3A_622, %dma_wait3A_624, %dma_wait3A_625] : memref<3x32x1024xf32, #tpu.memory_space<vmem>> -> memref<1x32x1024xf32, #tpu.memory_space<vmem>>
    %dma_wait3A_627 = tpu.memref_squeeze %dma_wait3A_626 : memref<1x32x1024xf32, #tpu.memory_space<vmem>> -> memref<32x1024xf32, #tpu.memory_space<vmem>>
    %dma_wait3A_628 = arith.constant 288 : i32
    %dma_wait3A_629 = tpu.memref_slice %arg9[%dma_wait3A_628] : memref<512xi32, #tpu.memory_space<vmem>> -> memref<32xi32, #tpu.memory_space<vmem>>
    %dma_wait3A_630 = arith.constant 0 : i32
    %dma_wait3A_631 = arith.constant 0 : i32
    %dma_wait3A_632 = tpu.memref_slice %arg3[%dma_wait3A_630, %dma_wait3A_631] : memref<100000x1024xf32, #tpu.memory_space<hbm>> -> memref<100000x1024xf32, #tpu.memory_space<hbm>>
    %dma_wait3A_633 = tpu.memref_slice %arg11[%dma_wait3A_623] : memref<3x!tpu.dma_semaphore, #tpu.memory_space<semaphore_mem>> -> memref<1x!tpu.dma_semaphore, #tpu.memory_space<semaphore_mem>>
    %dma_wait3A_634 = tpu.memref_squeeze %dma_wait3A_633 : memref<1x!tpu.dma_semaphore, #tpu.memory_space<semaphore_mem>> -> memref<!tpu.dma_semaphore, #tpu.memory_space<semaphore_mem>>
    tpu.wait_indirect_dma semaphore(%dma_wait3A_634 : memref<!tpu.dma_semaphore, #tpu.memory_space<semaphore_mem>>) src(%dma_wait3A_632 : memref<100000x1024xf32, #tpu.memory_space<hbm>>) dst(%dma_wait3A_627 : memref<32x1024xf32, #tpu.memory_space<vmem>>)
    %add3A_635 = arith.constant 288 : i32
    %add3A_636 = arith.addi %mul3A_2, %add3A_635 : i32
    %dma_start3A_637 = arith.constant 0 : i32
    %dma_start3A_638 = arith.constant 0 : i32
    %dma_start3A_639 = arith.constant 0 : i32
    %dma_start3A_640 = arith.constant 0 : i32
    %dma_start3A_641 = tpu.memref_slice %arg10[%dma_start3A_637, %dma_start3A_639, %dma_start3A_640] : memref<3x32x1024xf32, #tpu.memory_space<vmem>> -> memref<1x32x1024xf32, #tpu.memory_space<vmem>>
    %dma_start3A_642 = tpu.memref_squeeze %dma_start3A_641 : memref<1x32x1024xf32, #tpu.memory_space<vmem>> -> memref<32x1024xf32, #tpu.memory_space<vmem>>
    %dma_start3A_643 = arith.constant 0 : i32
    %dma_start3A_644 = tpu.memref_slice %arg6[%add3A_636, %dma_start3A_643] : memref<16384x1024xf32, #tpu.memory_space<hbm>> -> memref<32x1024xf32, #tpu.memory_space<hbm>>
    %dma_start3A_645 = tpu.memref_slice %arg12[%dma_start3A_638] : memref<3x!tpu.dma_semaphore, #tpu.memory_space<semaphore_mem>> -> memref<1x!tpu.dma_semaphore, #tpu.memory_space<semaphore_mem>>
    %dma_start3A_646 = tpu.memref_squeeze %dma_start3A_645 : memref<1x!tpu.dma_semaphore, #tpu.memory_space<semaphore_mem>> -> memref<!tpu.dma_semaphore, #tpu.memory_space<semaphore_mem>>
    %dma_start3A_647 = arith.constant 0 : i32
    %dma_start3A_648 = tpu.memref_slice %arg6[%add3A_636, %dma_start3A_647] : memref<16384x1024xf32, #tpu.memory_space<hbm>> -> memref<32x1024xf32, #tpu.memory_space<hbm>>
    %dma_start3A_649 = arith.constant 0 : i32
    %dma_start3A_650 = arith.constant 0 : i32
    %dma_start3A_651 = tpu.memref_slice %arg10[%dma_start3A_637, %dma_start3A_649, %dma_start3A_650] : memref<3x32x1024xf32, #tpu.memory_space<vmem>> -> memref<1x32x1024xf32, #tpu.memory_space<vmem>>
    %dma_start3A_652 = tpu.memref_squeeze %dma_start3A_651 : memref<1x32x1024xf32, #tpu.memory_space<vmem>> -> memref<32x1024xf32, #tpu.memory_space<vmem>>
    tpu.enqueue_dma source(%dma_start3A_652 : memref<32x1024xf32, #tpu.memory_space<vmem>>) target(%dma_start3A_648 : memref<32x1024xf32, #tpu.memory_space<hbm>>) target_semaphore(%dma_start3A_646 : memref<!tpu.dma_semaphore, #tpu.memory_space<semaphore_mem>>)
    %dma_wait3A_653 = arith.constant 0 : i32
    %dma_wait3A_654 = arith.constant 0 : i32
    %dma_wait3A_655 = arith.constant 0 : i32
    %dma_wait3A_656 = arith.constant 0 : i32
    %dma_wait3A_657 = tpu.memref_slice %arg10[%dma_wait3A_653, %dma_wait3A_655, %dma_wait3A_656] : memref<3x32x1024xf32, #tpu.memory_space<vmem>> -> memref<1x32x1024xf32, #tpu.memory_space<vmem>>
    %dma_wait3A_658 = tpu.memref_squeeze %dma_wait3A_657 : memref<1x32x1024xf32, #tpu.memory_space<vmem>> -> memref<32x1024xf32, #tpu.memory_space<vmem>>
    %dma_wait3A_659 = arith.constant 0 : i32
    %dma_wait3A_660 = tpu.memref_slice %arg6[%add3A_636, %dma_wait3A_659] : memref<16384x1024xf32, #tpu.memory_space<hbm>> -> memref<32x1024xf32, #tpu.memory_space<hbm>>
    %dma_wait3A_661 = tpu.memref_slice %arg12[%dma_wait3A_654] : memref<3x!tpu.dma_semaphore, #tpu.memory_space<semaphore_mem>> -> memref<1x!tpu.dma_semaphore, #tpu.memory_space<semaphore_mem>>
    %dma_wait3A_662 = tpu.memref_squeeze %dma_wait3A_661 : memref<1x!tpu.dma_semaphore, #tpu.memory_space<semaphore_mem>> -> memref<!tpu.dma_semaphore, #tpu.memory_space<semaphore_mem>>
    %dma_wait3A_663 = arith.constant 0 : i32
    %dma_wait3A_664 = tpu.memref_slice %arg6[%add3A_636, %dma_wait3A_663] : memref<16384x1024xf32, #tpu.memory_space<hbm>> -> memref<32x1024xf32, #tpu.memory_space<hbm>>
    %dma_wait3A_665 = arith.constant 0 : i32
    %dma_wait3A_666 = arith.constant 0 : i32
    %dma_wait3A_667 = tpu.memref_slice %arg10[%dma_wait3A_653, %dma_wait3A_665, %dma_wait3A_666] : memref<3x32x1024xf32, #tpu.memory_space<vmem>> -> memref<1x32x1024xf32, #tpu.memory_space<vmem>>
    %dma_wait3A_668 = tpu.memref_squeeze %dma_wait3A_667 : memref<1x32x1024xf32, #tpu.memory_space<vmem>> -> memref<32x1024xf32, #tpu.memory_space<vmem>>
    tpu.wait_dma2 semaphore(%dma_wait3A_662 : memref<!tpu.dma_semaphore, #tpu.memory_space<semaphore_mem>>) src(%dma_wait3A_668 : memref<32x1024xf32, #tpu.memory_space<vmem>>) dst(%dma_wait3A_664 : memref<32x1024xf32, #tpu.memory_space<hbm>>)
    %dma_start3A_669 = arith.constant 0 : i32
    %dma_start3A_670 = arith.constant 0 : i32
    %dma_start3A_671 = arith.constant 0 : i32
    %dma_start3A_672 = arith.constant 0 : i32
    %dma_start3A_673 = tpu.memref_slice %arg10[%dma_start3A_669, %dma_start3A_671, %dma_start3A_672] : memref<3x32x1024xf32, #tpu.memory_space<vmem>> -> memref<1x32x1024xf32, #tpu.memory_space<vmem>>
    %dma_start3A_674 = tpu.memref_squeeze %dma_start3A_673 : memref<1x32x1024xf32, #tpu.memory_space<vmem>> -> memref<32x1024xf32, #tpu.memory_space<vmem>>
    %dma_start3A_675 = arith.constant 384 : i32
    %dma_start3A_676 = tpu.memref_slice %arg9[%dma_start3A_675] : memref<512xi32, #tpu.memory_space<vmem>> -> memref<32xi32, #tpu.memory_space<vmem>>
    %dma_start3A_677 = arith.constant 0 : i32
    %dma_start3A_678 = arith.constant 0 : i32
    %dma_start3A_679 = tpu.memref_slice %arg3[%dma_start3A_677, %dma_start3A_678] : memref<100000x1024xf32, #tpu.memory_space<hbm>> -> memref<100000x1024xf32, #tpu.memory_space<hbm>>
    %dma_start3A_680 = tpu.memref_slice %arg11[%dma_start3A_670] : memref<3x!tpu.dma_semaphore, #tpu.memory_space<semaphore_mem>> -> memref<1x!tpu.dma_semaphore, #tpu.memory_space<semaphore_mem>>
    %dma_start3A_681 = tpu.memref_squeeze %dma_start3A_680 : memref<1x!tpu.dma_semaphore, #tpu.memory_space<semaphore_mem>> -> memref<!tpu.dma_semaphore, #tpu.memory_space<semaphore_mem>>
    tpu.enqueue_indirect_dma source(%dma_start3A_679 : memref<100000x1024xf32, #tpu.memory_space<hbm>>) target(%dma_start3A_674 : memref<32x1024xf32, #tpu.memory_space<vmem>>) offsets(%dma_start3A_676 : memref<32xi32, #tpu.memory_space<vmem>>) semaphore(%dma_start3A_681 : memref<!tpu.dma_semaphore, #tpu.memory_space<semaphore_mem>>)
    %dma_wait3A_682 = arith.constant 1 : i32
    %dma_wait3A_683 = arith.constant 1 : i32
    %dma_wait3A_684 = arith.constant 0 : i32
    %dma_wait3A_685 = arith.constant 0 : i32
    %dma_wait3A_686 = tpu.memref_slice %arg10[%dma_wait3A_682, %dma_wait3A_684, %dma_wait3A_685] : memref<3x32x1024xf32, #tpu.memory_space<vmem>> -> memref<1x32x1024xf32, #tpu.memory_space<vmem>>
    %dma_wait3A_687 = tpu.memref_squeeze %dma_wait3A_686 : memref<1x32x1024xf32, #tpu.memory_space<vmem>> -> memref<32x1024xf32, #tpu.memory_space<vmem>>
    %dma_wait3A_688 = arith.constant 320 : i32
    %dma_wait3A_689 = tpu.memref_slice %arg9[%dma_wait3A_688] : memref<512xi32, #tpu.memory_space<vmem>> -> memref<32xi32, #tpu.memory_space<vmem>>
    %dma_wait3A_690 = arith.constant 0 : i32
    %dma_wait3A_691 = arith.constant 0 : i32
    %dma_wait3A_692 = tpu.memref_slice %arg3[%dma_wait3A_690, %dma_wait3A_691] : memref<100000x1024xf32, #tpu.memory_space<hbm>> -> memref<100000x1024xf32, #tpu.memory_space<hbm>>
    %dma_wait3A_693 = tpu.memref_slice %arg11[%dma_wait3A_683] : memref<3x!tpu.dma_semaphore, #tpu.memory_space<semaphore_mem>> -> memref<1x!tpu.dma_semaphore, #tpu.memory_space<semaphore_mem>>
    %dma_wait3A_694 = tpu.memref_squeeze %dma_wait3A_693 : memref<1x!tpu.dma_semaphore, #tpu.memory_space<semaphore_mem>> -> memref<!tpu.dma_semaphore, #tpu.memory_space<semaphore_mem>>
    tpu.wait_indirect_dma semaphore(%dma_wait3A_694 : memref<!tpu.dma_semaphore, #tpu.memory_space<semaphore_mem>>) src(%dma_wait3A_692 : memref<100000x1024xf32, #tpu.memory_space<hbm>>) dst(%dma_wait3A_687 : memref<32x1024xf32, #tpu.memory_space<vmem>>)
    %add3A_695 = arith.constant 320 : i32
    %add3A_696 = arith.addi %mul3A_2, %add3A_695 : i32
    %dma_start3A_697 = arith.constant 1 : i32
    %dma_start3A_698 = arith.constant 1 : i32
    %dma_start3A_699 = arith.constant 0 : i32
    %dma_start3A_700 = arith.constant 0 : i32
    %dma_start3A_701 = tpu.memref_slice %arg10[%dma_start3A_697, %dma_start3A_699, %dma_start3A_700] : memref<3x32x1024xf32, #tpu.memory_space<vmem>> -> memref<1x32x1024xf32, #tpu.memory_space<vmem>>
    %dma_start3A_702 = tpu.memref_squeeze %dma_start3A_701 : memref<1x32x1024xf32, #tpu.memory_space<vmem>> -> memref<32x1024xf32, #tpu.memory_space<vmem>>
    %dma_start3A_703 = arith.constant 0 : i32
    %dma_start3A_704 = tpu.memref_slice %arg6[%add3A_696, %dma_start3A_703] : memref<16384x1024xf32, #tpu.memory_space<hbm>> -> memref<32x1024xf32, #tpu.memory_space<hbm>>
    %dma_start3A_705 = tpu.memref_slice %arg12[%dma_start3A_698] : memref<3x!tpu.dma_semaphore, #tpu.memory_space<semaphore_mem>> -> memref<1x!tpu.dma_semaphore, #tpu.memory_space<semaphore_mem>>
    %dma_start3A_706 = tpu.memref_squeeze %dma_start3A_705 : memref<1x!tpu.dma_semaphore, #tpu.memory_space<semaphore_mem>> -> memref<!tpu.dma_semaphore, #tpu.memory_space<semaphore_mem>>
    %dma_start3A_707 = arith.constant 0 : i32
    %dma_start3A_708 = tpu.memref_slice %arg6[%add3A_696, %dma_start3A_707] : memref<16384x1024xf32, #tpu.memory_space<hbm>> -> memref<32x1024xf32, #tpu.memory_space<hbm>>
    %dma_start3A_709 = arith.constant 0 : i32
    %dma_start3A_710 = arith.constant 0 : i32
    %dma_start3A_711 = tpu.memref_slice %arg10[%dma_start3A_697, %dma_start3A_709, %dma_start3A_710] : memref<3x32x1024xf32, #tpu.memory_space<vmem>> -> memref<1x32x1024xf32, #tpu.memory_space<vmem>>
    %dma_start3A_712 = tpu.memref_squeeze %dma_start3A_711 : memref<1x32x1024xf32, #tpu.memory_space<vmem>> -> memref<32x1024xf32, #tpu.memory_space<vmem>>
    tpu.enqueue_dma source(%dma_start3A_712 : memref<32x1024xf32, #tpu.memory_space<vmem>>) target(%dma_start3A_708 : memref<32x1024xf32, #tpu.memory_space<hbm>>) target_semaphore(%dma_start3A_706 : memref<!tpu.dma_semaphore, #tpu.memory_space<semaphore_mem>>)
    %dma_wait3A_713 = arith.constant 1 : i32
    %dma_wait3A_714 = arith.constant 1 : i32
    %dma_wait3A_715 = arith.constant 0 : i32
    %dma_wait3A_716 = arith.constant 0 : i32
    %dma_wait3A_717 = tpu.memref_slice %arg10[%dma_wait3A_713, %dma_wait3A_715, %dma_wait3A_716] : memref<3x32x1024xf32, #tpu.memory_space<vmem>> -> memref<1x32x1024xf32, #tpu.memory_space<vmem>>
    %dma_wait3A_718 = tpu.memref_squeeze %dma_wait3A_717 : memref<1x32x1024xf32, #tpu.memory_space<vmem>> -> memref<32x1024xf32, #tpu.memory_space<vmem>>
    %dma_wait3A_719 = arith.constant 0 : i32
    %dma_wait3A_720 = tpu.memref_slice %arg6[%add3A_696, %dma_wait3A_719] : memref<16384x1024xf32, #tpu.memory_space<hbm>> -> memref<32x1024xf32, #tpu.memory_space<hbm>>
    %dma_wait3A_721 = tpu.memref_slice %arg12[%dma_wait3A_714] : memref<3x!tpu.dma_semaphore, #tpu.memory_space<semaphore_mem>> -> memref<1x!tpu.dma_semaphore, #tpu.memory_space<semaphore_mem>>
    %dma_wait3A_722 = tpu.memref_squeeze %dma_wait3A_721 : memref<1x!tpu.dma_semaphore, #tpu.memory_space<semaphore_mem>> -> memref<!tpu.dma_semaphore, #tpu.memory_space<semaphore_mem>>
    %dma_wait3A_723 = arith.constant 0 : i32
    %dma_wait3A_724 = tpu.memref_slice %arg6[%add3A_696, %dma_wait3A_723] : memref<16384x1024xf32, #tpu.memory_space<hbm>> -> memref<32x1024xf32, #tpu.memory_space<hbm>>
    %dma_wait3A_725 = arith.constant 0 : i32
    %dma_wait3A_726 = arith.constant 0 : i32
    %dma_wait3A_727 = tpu.memref_slice %arg10[%dma_wait3A_713, %dma_wait3A_725, %dma_wait3A_726] : memref<3x32x1024xf32, #tpu.memory_space<vmem>> -> memref<1x32x1024xf32, #tpu.memory_space<vmem>>
    %dma_wait3A_728 = tpu.memref_squeeze %dma_wait3A_727 : memref<1x32x1024xf32, #tpu.memory_space<vmem>> -> memref<32x1024xf32, #tpu.memory_space<vmem>>
    tpu.wait_dma2 semaphore(%dma_wait3A_722 : memref<!tpu.dma_semaphore, #tpu.memory_space<semaphore_mem>>) src(%dma_wait3A_728 : memref<32x1024xf32, #tpu.memory_space<vmem>>) dst(%dma_wait3A_724 : memref<32x1024xf32, #tpu.memory_space<hbm>>)
    %dma_start3A_729 = arith.constant 1 : i32
    %dma_start3A_730 = arith.constant 1 : i32
    %dma_start3A_731 = arith.constant 0 : i32
    %dma_start3A_732 = arith.constant 0 : i32
    %dma_start3A_733 = tpu.memref_slice %arg10[%dma_start3A_729, %dma_start3A_731, %dma_start3A_732] : memref<3x32x1024xf32, #tpu.memory_space<vmem>> -> memref<1x32x1024xf32, #tpu.memory_space<vmem>>
    %dma_start3A_734 = tpu.memref_squeeze %dma_start3A_733 : memref<1x32x1024xf32, #tpu.memory_space<vmem>> -> memref<32x1024xf32, #tpu.memory_space<vmem>>
    %dma_start3A_735 = arith.constant 416 : i32
    %dma_start3A_736 = tpu.memref_slice %arg9[%dma_start3A_735] : memref<512xi32, #tpu.memory_space<vmem>> -> memref<32xi32, #tpu.memory_space<vmem>>
    %dma_start3A_737 = arith.constant 0 : i32
    %dma_start3A_738 = arith.constant 0 : i32
    %dma_start3A_739 = tpu.memref_slice %arg3[%dma_start3A_737, %dma_start3A_738] : memref<100000x1024xf32, #tpu.memory_space<hbm>> -> memref<100000x1024xf32, #tpu.memory_space<hbm>>
    %dma_start3A_740 = tpu.memref_slice %arg11[%dma_start3A_730] : memref<3x!tpu.dma_semaphore, #tpu.memory_space<semaphore_mem>> -> memref<1x!tpu.dma_semaphore, #tpu.memory_space<semaphore_mem>>
    %dma_start3A_741 = tpu.memref_squeeze %dma_start3A_740 : memref<1x!tpu.dma_semaphore, #tpu.memory_space<semaphore_mem>> -> memref<!tpu.dma_semaphore, #tpu.memory_space<semaphore_mem>>
    tpu.enqueue_indirect_dma source(%dma_start3A_739 : memref<100000x1024xf32, #tpu.memory_space<hbm>>) target(%dma_start3A_734 : memref<32x1024xf32, #tpu.memory_space<vmem>>) offsets(%dma_start3A_736 : memref<32xi32, #tpu.memory_space<vmem>>) semaphore(%dma_start3A_741 : memref<!tpu.dma_semaphore, #tpu.memory_space<semaphore_mem>>)
    %dma_wait3A_742 = arith.constant 2 : i32
    %dma_wait3A_743 = arith.constant 2 : i32
    %dma_wait3A_744 = arith.constant 0 : i32
    %dma_wait3A_745 = arith.constant 0 : i32
    %dma_wait3A_746 = tpu.memref_slice %arg10[%dma_wait3A_742, %dma_wait3A_744, %dma_wait3A_745] : memref<3x32x1024xf32, #tpu.memory_space<vmem>> -> memref<1x32x1024xf32, #tpu.memory_space<vmem>>
    %dma_wait3A_747 = tpu.memref_squeeze %dma_wait3A_746 : memref<1x32x1024xf32, #tpu.memory_space<vmem>> -> memref<32x1024xf32, #tpu.memory_space<vmem>>
    %dma_wait3A_748 = arith.constant 352 : i32
    %dma_wait3A_749 = tpu.memref_slice %arg9[%dma_wait3A_748] : memref<512xi32, #tpu.memory_space<vmem>> -> memref<32xi32, #tpu.memory_space<vmem>>
    %dma_wait3A_750 = arith.constant 0 : i32
    %dma_wait3A_751 = arith.constant 0 : i32
    %dma_wait3A_752 = tpu.memref_slice %arg3[%dma_wait3A_750, %dma_wait3A_751] : memref<100000x1024xf32, #tpu.memory_space<hbm>> -> memref<100000x1024xf32, #tpu.memory_space<hbm>>
    %dma_wait3A_753 = tpu.memref_slice %arg11[%dma_wait3A_743] : memref<3x!tpu.dma_semaphore, #tpu.memory_space<semaphore_mem>> -> memref<1x!tpu.dma_semaphore, #tpu.memory_space<semaphore_mem>>
    %dma_wait3A_754 = tpu.memref_squeeze %dma_wait3A_753 : memref<1x!tpu.dma_semaphore, #tpu.memory_space<semaphore_mem>> -> memref<!tpu.dma_semaphore, #tpu.memory_space<semaphore_mem>>
    tpu.wait_indirect_dma semaphore(%dma_wait3A_754 : memref<!tpu.dma_semaphore, #tpu.memory_space<semaphore_mem>>) src(%dma_wait3A_752 : memref<100000x1024xf32, #tpu.memory_space<hbm>>) dst(%dma_wait3A_747 : memref<32x1024xf32, #tpu.memory_space<vmem>>)
    %add3A_755 = arith.constant 352 : i32
    %add3A_756 = arith.addi %mul3A_2, %add3A_755 : i32
    %dma_start3A_757 = arith.constant 2 : i32
    %dma_start3A_758 = arith.constant 2 : i32
    %dma_start3A_759 = arith.constant 0 : i32
    %dma_start3A_760 = arith.constant 0 : i32
    %dma_start3A_761 = tpu.memref_slice %arg10[%dma_start3A_757, %dma_start3A_759, %dma_start3A_760] : memref<3x32x1024xf32, #tpu.memory_space<vmem>> -> memref<1x32x1024xf32, #tpu.memory_space<vmem>>
    %dma_start3A_762 = tpu.memref_squeeze %dma_start3A_761 : memref<1x32x1024xf32, #tpu.memory_space<vmem>> -> memref<32x1024xf32, #tpu.memory_space<vmem>>
    %dma_start3A_763 = arith.constant 0 : i32
    %dma_start3A_764 = tpu.memref_slice %arg6[%add3A_756, %dma_start3A_763] : memref<16384x1024xf32, #tpu.memory_space<hbm>> -> memref<32x1024xf32, #tpu.memory_space<hbm>>
    %dma_start3A_765 = tpu.memref_slice %arg12[%dma_start3A_758] : memref<3x!tpu.dma_semaphore, #tpu.memory_space<semaphore_mem>> -> memref<1x!tpu.dma_semaphore, #tpu.memory_space<semaphore_mem>>
    %dma_start3A_766 = tpu.memref_squeeze %dma_start3A_765 : memref<1x!tpu.dma_semaphore, #tpu.memory_space<semaphore_mem>> -> memref<!tpu.dma_semaphore, #tpu.memory_space<semaphore_mem>>
    %dma_start3A_767 = arith.constant 0 : i32
    %dma_start3A_768 = tpu.memref_slice %arg6[%add3A_756, %dma_start3A_767] : memref<16384x1024xf32, #tpu.memory_space<hbm>> -> memref<32x1024xf32, #tpu.memory_space<hbm>>
    %dma_start3A_769 = arith.constant 0 : i32
    %dma_start3A_770 = arith.constant 0 : i32
    %dma_start3A_771 = tpu.memref_slice %arg10[%dma_start3A_757, %dma_start3A_769, %dma_start3A_770] : memref<3x32x1024xf32, #tpu.memory_space<vmem>> -> memref<1x32x1024xf32, #tpu.memory_space<vmem>>
    %dma_start3A_772 = tpu.memref_squeeze %dma_start3A_771 : memref<1x32x1024xf32, #tpu.memory_space<vmem>> -> memref<32x1024xf32, #tpu.memory_space<vmem>>
    tpu.enqueue_dma source(%dma_start3A_772 : memref<32x1024xf32, #tpu.memory_space<vmem>>) target(%dma_start3A_768 : memref<32x1024xf32, #tpu.memory_space<hbm>>) target_semaphore(%dma_start3A_766 : memref<!tpu.dma_semaphore, #tpu.memory_space<semaphore_mem>>)
    %dma_wait3A_773 = arith.constant 2 : i32
    %dma_wait3A_774 = arith.constant 2 : i32
    %dma_wait3A_775 = arith.constant 0 : i32
    %dma_wait3A_776 = arith.constant 0 : i32
    %dma_wait3A_777 = tpu.memref_slice %arg10[%dma_wait3A_773, %dma_wait3A_775, %dma_wait3A_776] : memref<3x32x1024xf32, #tpu.memory_space<vmem>> -> memref<1x32x1024xf32, #tpu.memory_space<vmem>>
    %dma_wait3A_778 = tpu.memref_squeeze %dma_wait3A_777 : memref<1x32x1024xf32, #tpu.memory_space<vmem>> -> memref<32x1024xf32, #tpu.memory_space<vmem>>
    %dma_wait3A_779 = arith.constant 0 : i32
    %dma_wait3A_780 = tpu.memref_slice %arg6[%add3A_756, %dma_wait3A_779] : memref<16384x1024xf32, #tpu.memory_space<hbm>> -> memref<32x1024xf32, #tpu.memory_space<hbm>>
    %dma_wait3A_781 = tpu.memref_slice %arg12[%dma_wait3A_774] : memref<3x!tpu.dma_semaphore, #tpu.memory_space<semaphore_mem>> -> memref<1x!tpu.dma_semaphore, #tpu.memory_space<semaphore_mem>>
    %dma_wait3A_782 = tpu.memref_squeeze %dma_wait3A_781 : memref<1x!tpu.dma_semaphore, #tpu.memory_space<semaphore_mem>> -> memref<!tpu.dma_semaphore, #tpu.memory_space<semaphore_mem>>
    %dma_wait3A_783 = arith.constant 0 : i32
    %dma_wait3A_784 = tpu.memref_slice %arg6[%add3A_756, %dma_wait3A_783] : memref<16384x1024xf32, #tpu.memory_space<hbm>> -> memref<32x1024xf32, #tpu.memory_space<hbm>>
    %dma_wait3A_785 = arith.constant 0 : i32
    %dma_wait3A_786 = arith.constant 0 : i32
    %dma_wait3A_787 = tpu.memref_slice %arg10[%dma_wait3A_773, %dma_wait3A_785, %dma_wait3A_786] : memref<3x32x1024xf32, #tpu.memory_space<vmem>> -> memref<1x32x1024xf32, #tpu.memory_space<vmem>>
    %dma_wait3A_788 = tpu.memref_squeeze %dma_wait3A_787 : memref<1x32x1024xf32, #tpu.memory_space<vmem>> -> memref<32x1024xf32, #tpu.memory_space<vmem>>
    tpu.wait_dma2 semaphore(%dma_wait3A_782 : memref<!tpu.dma_semaphore, #tpu.memory_space<semaphore_mem>>) src(%dma_wait3A_788 : memref<32x1024xf32, #tpu.memory_space<vmem>>) dst(%dma_wait3A_784 : memref<32x1024xf32, #tpu.memory_space<hbm>>)
    %dma_start3A_789 = arith.constant 2 : i32
    %dma_start3A_790 = arith.constant 2 : i32
    %dma_start3A_791 = arith.constant 0 : i32
    %dma_start3A_792 = arith.constant 0 : i32
    %dma_start3A_793 = tpu.memref_slice %arg10[%dma_start3A_789, %dma_start3A_791, %dma_start3A_792] : memref<3x32x1024xf32, #tpu.memory_space<vmem>> -> memref<1x32x1024xf32, #tpu.memory_space<vmem>>
    %dma_start3A_794 = tpu.memref_squeeze %dma_start3A_793 : memref<1x32x1024xf32, #tpu.memory_space<vmem>> -> memref<32x1024xf32, #tpu.memory_space<vmem>>
    %dma_start3A_795 = arith.constant 448 : i32
    %dma_start3A_796 = tpu.memref_slice %arg9[%dma_start3A_795] : memref<512xi32, #tpu.memory_space<vmem>> -> memref<32xi32, #tpu.memory_space<vmem>>
    %dma_start3A_797 = arith.constant 0 : i32
    %dma_start3A_798 = arith.constant 0 : i32
    %dma_start3A_799 = tpu.memref_slice %arg3[%dma_start3A_797, %dma_start3A_798] : memref<100000x1024xf32, #tpu.memory_space<hbm>> -> memref<100000x1024xf32, #tpu.memory_space<hbm>>
    %dma_start3A_800 = tpu.memref_slice %arg11[%dma_start3A_790] : memref<3x!tpu.dma_semaphore, #tpu.memory_space<semaphore_mem>> -> memref<1x!tpu.dma_semaphore, #tpu.memory_space<semaphore_mem>>
    %dma_start3A_801 = tpu.memref_squeeze %dma_start3A_800 : memref<1x!tpu.dma_semaphore, #tpu.memory_space<semaphore_mem>> -> memref<!tpu.dma_semaphore, #tpu.memory_space<semaphore_mem>>
    tpu.enqueue_indirect_dma source(%dma_start3A_799 : memref<100000x1024xf32, #tpu.memory_space<hbm>>) target(%dma_start3A_794 : memref<32x1024xf32, #tpu.memory_space<vmem>>) offsets(%dma_start3A_796 : memref<32xi32, #tpu.memory_space<vmem>>) semaphore(%dma_start3A_801 : memref<!tpu.dma_semaphore, #tpu.memory_space<semaphore_mem>>)
    %dma_wait3A_802 = arith.constant 0 : i32
    %dma_wait3A_803 = arith.constant 0 : i32
    %dma_wait3A_804 = arith.constant 0 : i32
    %dma_wait3A_805 = arith.constant 0 : i32
    %dma_wait3A_806 = tpu.memref_slice %arg10[%dma_wait3A_802, %dma_wait3A_804, %dma_wait3A_805] : memref<3x32x1024xf32, #tpu.memory_space<vmem>> -> memref<1x32x1024xf32, #tpu.memory_space<vmem>>
    %dma_wait3A_807 = tpu.memref_squeeze %dma_wait3A_806 : memref<1x32x1024xf32, #tpu.memory_space<vmem>> -> memref<32x1024xf32, #tpu.memory_space<vmem>>
    %dma_wait3A_808 = arith.constant 384 : i32
    %dma_wait3A_809 = tpu.memref_slice %arg9[%dma_wait3A_808] : memref<512xi32, #tpu.memory_space<vmem>> -> memref<32xi32, #tpu.memory_space<vmem>>
    %dma_wait3A_810 = arith.constant 0 : i32
    %dma_wait3A_811 = arith.constant 0 : i32
    %dma_wait3A_812 = tpu.memref_slice %arg3[%dma_wait3A_810, %dma_wait3A_811] : memref<100000x1024xf32, #tpu.memory_space<hbm>> -> memref<100000x1024xf32, #tpu.memory_space<hbm>>
    %dma_wait3A_813 = tpu.memref_slice %arg11[%dma_wait3A_803] : memref<3x!tpu.dma_semaphore, #tpu.memory_space<semaphore_mem>> -> memref<1x!tpu.dma_semaphore, #tpu.memory_space<semaphore_mem>>
    %dma_wait3A_814 = tpu.memref_squeeze %dma_wait3A_813 : memref<1x!tpu.dma_semaphore, #tpu.memory_space<semaphore_mem>> -> memref<!tpu.dma_semaphore, #tpu.memory_space<semaphore_mem>>
    tpu.wait_indirect_dma semaphore(%dma_wait3A_814 : memref<!tpu.dma_semaphore, #tpu.memory_space<semaphore_mem>>) src(%dma_wait3A_812 : memref<100000x1024xf32, #tpu.memory_space<hbm>>) dst(%dma_wait3A_807 : memref<32x1024xf32, #tpu.memory_space<vmem>>)
    %add3A_815 = arith.constant 384 : i32
    %add3A_816 = arith.addi %mul3A_2, %add3A_815 : i32
    %dma_start3A_817 = arith.constant 0 : i32
    %dma_start3A_818 = arith.constant 0 : i32
    %dma_start3A_819 = arith.constant 0 : i32
    %dma_start3A_820 = arith.constant 0 : i32
    %dma_start3A_821 = tpu.memref_slice %arg10[%dma_start3A_817, %dma_start3A_819, %dma_start3A_820] : memref<3x32x1024xf32, #tpu.memory_space<vmem>> -> memref<1x32x1024xf32, #tpu.memory_space<vmem>>
    %dma_start3A_822 = tpu.memref_squeeze %dma_start3A_821 : memref<1x32x1024xf32, #tpu.memory_space<vmem>> -> memref<32x1024xf32, #tpu.memory_space<vmem>>
    %dma_start3A_823 = arith.constant 0 : i32
    %dma_start3A_824 = tpu.memref_slice %arg6[%add3A_816, %dma_start3A_823] : memref<16384x1024xf32, #tpu.memory_space<hbm>> -> memref<32x1024xf32, #tpu.memory_space<hbm>>
    %dma_start3A_825 = tpu.memref_slice %arg12[%dma_start3A_818] : memref<3x!tpu.dma_semaphore, #tpu.memory_space<semaphore_mem>> -> memref<1x!tpu.dma_semaphore, #tpu.memory_space<semaphore_mem>>
    %dma_start3A_826 = tpu.memref_squeeze %dma_start3A_825 : memref<1x!tpu.dma_semaphore, #tpu.memory_space<semaphore_mem>> -> memref<!tpu.dma_semaphore, #tpu.memory_space<semaphore_mem>>
    %dma_start3A_827 = arith.constant 0 : i32
    %dma_start3A_828 = tpu.memref_slice %arg6[%add3A_816, %dma_start3A_827] : memref<16384x1024xf32, #tpu.memory_space<hbm>> -> memref<32x1024xf32, #tpu.memory_space<hbm>>
    %dma_start3A_829 = arith.constant 0 : i32
    %dma_start3A_830 = arith.constant 0 : i32
    %dma_start3A_831 = tpu.memref_slice %arg10[%dma_start3A_817, %dma_start3A_829, %dma_start3A_830] : memref<3x32x1024xf32, #tpu.memory_space<vmem>> -> memref<1x32x1024xf32, #tpu.memory_space<vmem>>
    %dma_start3A_832 = tpu.memref_squeeze %dma_start3A_831 : memref<1x32x1024xf32, #tpu.memory_space<vmem>> -> memref<32x1024xf32, #tpu.memory_space<vmem>>
    tpu.enqueue_dma source(%dma_start3A_832 : memref<32x1024xf32, #tpu.memory_space<vmem>>) target(%dma_start3A_828 : memref<32x1024xf32, #tpu.memory_space<hbm>>) target_semaphore(%dma_start3A_826 : memref<!tpu.dma_semaphore, #tpu.memory_space<semaphore_mem>>)
    %dma_wait3A_833 = arith.constant 0 : i32
    %dma_wait3A_834 = arith.constant 0 : i32
    %dma_wait3A_835 = arith.constant 0 : i32
    %dma_wait3A_836 = arith.constant 0 : i32
    %dma_wait3A_837 = tpu.memref_slice %arg10[%dma_wait3A_833, %dma_wait3A_835, %dma_wait3A_836] : memref<3x32x1024xf32, #tpu.memory_space<vmem>> -> memref<1x32x1024xf32, #tpu.memory_space<vmem>>
    %dma_wait3A_838 = tpu.memref_squeeze %dma_wait3A_837 : memref<1x32x1024xf32, #tpu.memory_space<vmem>> -> memref<32x1024xf32, #tpu.memory_space<vmem>>
    %dma_wait3A_839 = arith.constant 0 : i32
    %dma_wait3A_840 = tpu.memref_slice %arg6[%add3A_816, %dma_wait3A_839] : memref<16384x1024xf32, #tpu.memory_space<hbm>> -> memref<32x1024xf32, #tpu.memory_space<hbm>>
    %dma_wait3A_841 = tpu.memref_slice %arg12[%dma_wait3A_834] : memref<3x!tpu.dma_semaphore, #tpu.memory_space<semaphore_mem>> -> memref<1x!tpu.dma_semaphore, #tpu.memory_space<semaphore_mem>>
    %dma_wait3A_842 = tpu.memref_squeeze %dma_wait3A_841 : memref<1x!tpu.dma_semaphore, #tpu.memory_space<semaphore_mem>> -> memref<!tpu.dma_semaphore, #tpu.memory_space<semaphore_mem>>
    %dma_wait3A_843 = arith.constant 0 : i32
    %dma_wait3A_844 = tpu.memref_slice %arg6[%add3A_816, %dma_wait3A_843] : memref<16384x1024xf32, #tpu.memory_space<hbm>> -> memref<32x1024xf32, #tpu.memory_space<hbm>>
    %dma_wait3A_845 = arith.constant 0 : i32
    %dma_wait3A_846 = arith.constant 0 : i32
    %dma_wait3A_847 = tpu.memref_slice %arg10[%dma_wait3A_833, %dma_wait3A_845, %dma_wait3A_846] : memref<3x32x1024xf32, #tpu.memory_space<vmem>> -> memref<1x32x1024xf32, #tpu.memory_space<vmem>>
    %dma_wait3A_848 = tpu.memref_squeeze %dma_wait3A_847 : memref<1x32x1024xf32, #tpu.memory_space<vmem>> -> memref<32x1024xf32, #tpu.memory_space<vmem>>
    tpu.wait_dma2 semaphore(%dma_wait3A_842 : memref<!tpu.dma_semaphore, #tpu.memory_space<semaphore_mem>>) src(%dma_wait3A_848 : memref<32x1024xf32, #tpu.memory_space<vmem>>) dst(%dma_wait3A_844 : memref<32x1024xf32, #tpu.memory_space<hbm>>)
    %dma_start3A_849 = arith.constant 0 : i32
    %dma_start3A_850 = arith.constant 0 : i32
    %dma_start3A_851 = arith.constant 0 : i32
    %dma_start3A_852 = arith.constant 0 : i32
    %dma_start3A_853 = tpu.memref_slice %arg10[%dma_start3A_849, %dma_start3A_851, %dma_start3A_852] : memref<3x32x1024xf32, #tpu.memory_space<vmem>> -> memref<1x32x1024xf32, #tpu.memory_space<vmem>>
    %dma_start3A_854 = tpu.memref_squeeze %dma_start3A_853 : memref<1x32x1024xf32, #tpu.memory_space<vmem>> -> memref<32x1024xf32, #tpu.memory_space<vmem>>
    %dma_start3A_855 = arith.constant 480 : i32
    %dma_start3A_856 = tpu.memref_slice %arg9[%dma_start3A_855] : memref<512xi32, #tpu.memory_space<vmem>> -> memref<32xi32, #tpu.memory_space<vmem>>
    %dma_start3A_857 = arith.constant 0 : i32
    %dma_start3A_858 = arith.constant 0 : i32
    %dma_start3A_859 = tpu.memref_slice %arg3[%dma_start3A_857, %dma_start3A_858] : memref<100000x1024xf32, #tpu.memory_space<hbm>> -> memref<100000x1024xf32, #tpu.memory_space<hbm>>
    %dma_start3A_860 = tpu.memref_slice %arg11[%dma_start3A_850] : memref<3x!tpu.dma_semaphore, #tpu.memory_space<semaphore_mem>> -> memref<1x!tpu.dma_semaphore, #tpu.memory_space<semaphore_mem>>
    %dma_start3A_861 = tpu.memref_squeeze %dma_start3A_860 : memref<1x!tpu.dma_semaphore, #tpu.memory_space<semaphore_mem>> -> memref<!tpu.dma_semaphore, #tpu.memory_space<semaphore_mem>>
    tpu.enqueue_indirect_dma source(%dma_start3A_859 : memref<100000x1024xf32, #tpu.memory_space<hbm>>) target(%dma_start3A_854 : memref<32x1024xf32, #tpu.memory_space<vmem>>) offsets(%dma_start3A_856 : memref<32xi32, #tpu.memory_space<vmem>>) semaphore(%dma_start3A_861 : memref<!tpu.dma_semaphore, #tpu.memory_space<semaphore_mem>>)
    %dma_wait3A_862 = arith.constant 1 : i32
    %dma_wait3A_863 = arith.constant 1 : i32
    %dma_wait3A_864 = arith.constant 0 : i32
    %dma_wait3A_865 = arith.constant 0 : i32
    %dma_wait3A_866 = tpu.memref_slice %arg10[%dma_wait3A_862, %dma_wait3A_864, %dma_wait3A_865] : memref<3x32x1024xf32, #tpu.memory_space<vmem>> -> memref<1x32x1024xf32, #tpu.memory_space<vmem>>
    %dma_wait3A_867 = tpu.memref_squeeze %dma_wait3A_866 : memref<1x32x1024xf32, #tpu.memory_space<vmem>> -> memref<32x1024xf32, #tpu.memory_space<vmem>>
    %dma_wait3A_868 = arith.constant 416 : i32
    %dma_wait3A_869 = tpu.memref_slice %arg9[%dma_wait3A_868] : memref<512xi32, #tpu.memory_space<vmem>> -> memref<32xi32, #tpu.memory_space<vmem>>
    %dma_wait3A_870 = arith.constant 0 : i32
    %dma_wait3A_871 = arith.constant 0 : i32
    %dma_wait3A_872 = tpu.memref_slice %arg3[%dma_wait3A_870, %dma_wait3A_871] : memref<100000x1024xf32, #tpu.memory_space<hbm>> -> memref<100000x1024xf32, #tpu.memory_space<hbm>>
    %dma_wait3A_873 = tpu.memref_slice %arg11[%dma_wait3A_863] : memref<3x!tpu.dma_semaphore, #tpu.memory_space<semaphore_mem>> -> memref<1x!tpu.dma_semaphore, #tpu.memory_space<semaphore_mem>>
    %dma_wait3A_874 = tpu.memref_squeeze %dma_wait3A_873 : memref<1x!tpu.dma_semaphore, #tpu.memory_space<semaphore_mem>> -> memref<!tpu.dma_semaphore, #tpu.memory_space<semaphore_mem>>
    tpu.wait_indirect_dma semaphore(%dma_wait3A_874 : memref<!tpu.dma_semaphore, #tpu.memory_space<semaphore_mem>>) src(%dma_wait3A_872 : memref<100000x1024xf32, #tpu.memory_space<hbm>>) dst(%dma_wait3A_867 : memref<32x1024xf32, #tpu.memory_space<vmem>>)
    %add3A_875 = arith.constant 416 : i32
    %add3A_876 = arith.addi %mul3A_2, %add3A_875 : i32
    %dma_start3A_877 = arith.constant 1 : i32
    %dma_start3A_878 = arith.constant 1 : i32
    %dma_start3A_879 = arith.constant 0 : i32
    %dma_start3A_880 = arith.constant 0 : i32
    %dma_start3A_881 = tpu.memref_slice %arg10[%dma_start3A_877, %dma_start3A_879, %dma_start3A_880] : memref<3x32x1024xf32, #tpu.memory_space<vmem>> -> memref<1x32x1024xf32, #tpu.memory_space<vmem>>
    %dma_start3A_882 = tpu.memref_squeeze %dma_start3A_881 : memref<1x32x1024xf32, #tpu.memory_space<vmem>> -> memref<32x1024xf32, #tpu.memory_space<vmem>>
    %dma_start3A_883 = arith.constant 0 : i32
    %dma_start3A_884 = tpu.memref_slice %arg6[%add3A_876, %dma_start3A_883] : memref<16384x1024xf32, #tpu.memory_space<hbm>> -> memref<32x1024xf32, #tpu.memory_space<hbm>>
    %dma_start3A_885 = tpu.memref_slice %arg12[%dma_start3A_878] : memref<3x!tpu.dma_semaphore, #tpu.memory_space<semaphore_mem>> -> memref<1x!tpu.dma_semaphore, #tpu.memory_space<semaphore_mem>>
    %dma_start3A_886 = tpu.memref_squeeze %dma_start3A_885 : memref<1x!tpu.dma_semaphore, #tpu.memory_space<semaphore_mem>> -> memref<!tpu.dma_semaphore, #tpu.memory_space<semaphore_mem>>
    %dma_start3A_887 = arith.constant 0 : i32
    %dma_start3A_888 = tpu.memref_slice %arg6[%add3A_876, %dma_start3A_887] : memref<16384x1024xf32, #tpu.memory_space<hbm>> -> memref<32x1024xf32, #tpu.memory_space<hbm>>
    %dma_start3A_889 = arith.constant 0 : i32
    %dma_start3A_890 = arith.constant 0 : i32
    %dma_start3A_891 = tpu.memref_slice %arg10[%dma_start3A_877, %dma_start3A_889, %dma_start3A_890] : memref<3x32x1024xf32, #tpu.memory_space<vmem>> -> memref<1x32x1024xf32, #tpu.memory_space<vmem>>
    %dma_start3A_892 = tpu.memref_squeeze %dma_start3A_891 : memref<1x32x1024xf32, #tpu.memory_space<vmem>> -> memref<32x1024xf32, #tpu.memory_space<vmem>>
    tpu.enqueue_dma source(%dma_start3A_892 : memref<32x1024xf32, #tpu.memory_space<vmem>>) target(%dma_start3A_888 : memref<32x1024xf32, #tpu.memory_space<hbm>>) target_semaphore(%dma_start3A_886 : memref<!tpu.dma_semaphore, #tpu.memory_space<semaphore_mem>>)
    %dma_wait3A_893 = arith.constant 2 : i32
    %dma_wait3A_894 = arith.constant 2 : i32
    %dma_wait3A_895 = arith.constant 0 : i32
    %dma_wait3A_896 = arith.constant 0 : i32
    %dma_wait3A_897 = tpu.memref_slice %arg10[%dma_wait3A_893, %dma_wait3A_895, %dma_wait3A_896] : memref<3x32x1024xf32, #tpu.memory_space<vmem>> -> memref<1x32x1024xf32, #tpu.memory_space<vmem>>
    %dma_wait3A_898 = tpu.memref_squeeze %dma_wait3A_897 : memref<1x32x1024xf32, #tpu.memory_space<vmem>> -> memref<32x1024xf32, #tpu.memory_space<vmem>>
    %dma_wait3A_899 = arith.constant 448 : i32
    %dma_wait3A_900 = tpu.memref_slice %arg9[%dma_wait3A_899] : memref<512xi32, #tpu.memory_space<vmem>> -> memref<32xi32, #tpu.memory_space<vmem>>
    %dma_wait3A_901 = arith.constant 0 : i32
    %dma_wait3A_902 = arith.constant 0 : i32
    %dma_wait3A_903 = tpu.memref_slice %arg3[%dma_wait3A_901, %dma_wait3A_902] : memref<100000x1024xf32, #tpu.memory_space<hbm>> -> memref<100000x1024xf32, #tpu.memory_space<hbm>>
    %dma_wait3A_904 = tpu.memref_slice %arg11[%dma_wait3A_894] : memref<3x!tpu.dma_semaphore, #tpu.memory_space<semaphore_mem>> -> memref<1x!tpu.dma_semaphore, #tpu.memory_space<semaphore_mem>>
    %dma_wait3A_905 = tpu.memref_squeeze %dma_wait3A_904 : memref<1x!tpu.dma_semaphore, #tpu.memory_space<semaphore_mem>> -> memref<!tpu.dma_semaphore, #tpu.memory_space<semaphore_mem>>
    tpu.wait_indirect_dma semaphore(%dma_wait3A_905 : memref<!tpu.dma_semaphore, #tpu.memory_space<semaphore_mem>>) src(%dma_wait3A_903 : memref<100000x1024xf32, #tpu.memory_space<hbm>>) dst(%dma_wait3A_898 : memref<32x1024xf32, #tpu.memory_space<vmem>>)
    %add3A_906 = arith.constant 448 : i32
    %add3A_907 = arith.addi %mul3A_2, %add3A_906 : i32
    %dma_start3A_908 = arith.constant 2 : i32
    %dma_start3A_909 = arith.constant 2 : i32
    %dma_start3A_910 = arith.constant 0 : i32
    %dma_start3A_911 = arith.constant 0 : i32
    %dma_start3A_912 = tpu.memref_slice %arg10[%dma_start3A_908, %dma_start3A_910, %dma_start3A_911] : memref<3x32x1024xf32, #tpu.memory_space<vmem>> -> memref<1x32x1024xf32, #tpu.memory_space<vmem>>
    %dma_start3A_913 = tpu.memref_squeeze %dma_start3A_912 : memref<1x32x1024xf32, #tpu.memory_space<vmem>> -> memref<32x1024xf32, #tpu.memory_space<vmem>>
    %dma_start3A_914 = arith.constant 0 : i32
    %dma_start3A_915 = tpu.memref_slice %arg6[%add3A_907, %dma_start3A_914] : memref<16384x1024xf32, #tpu.memory_space<hbm>> -> memref<32x1024xf32, #tpu.memory_space<hbm>>
    %dma_start3A_916 = tpu.memref_slice %arg12[%dma_start3A_909] : memref<3x!tpu.dma_semaphore, #tpu.memory_space<semaphore_mem>> -> memref<1x!tpu.dma_semaphore, #tpu.memory_space<semaphore_mem>>
    %dma_start3A_917 = tpu.memref_squeeze %dma_start3A_916 : memref<1x!tpu.dma_semaphore, #tpu.memory_space<semaphore_mem>> -> memref<!tpu.dma_semaphore, #tpu.memory_space<semaphore_mem>>
    %dma_start3A_918 = arith.constant 0 : i32
    %dma_start3A_919 = tpu.memref_slice %arg6[%add3A_907, %dma_start3A_918] : memref<16384x1024xf32, #tpu.memory_space<hbm>> -> memref<32x1024xf32, #tpu.memory_space<hbm>>
    %dma_start3A_920 = arith.constant 0 : i32
    %dma_start3A_921 = arith.constant 0 : i32
    %dma_start3A_922 = tpu.memref_slice %arg10[%dma_start3A_908, %dma_start3A_920, %dma_start3A_921] : memref<3x32x1024xf32, #tpu.memory_space<vmem>> -> memref<1x32x1024xf32, #tpu.memory_space<vmem>>
    %dma_start3A_923 = tpu.memref_squeeze %dma_start3A_922 : memref<1x32x1024xf32, #tpu.memory_space<vmem>> -> memref<32x1024xf32, #tpu.memory_space<vmem>>
    tpu.enqueue_dma source(%dma_start3A_923 : memref<32x1024xf32, #tpu.memory_space<vmem>>) target(%dma_start3A_919 : memref<32x1024xf32, #tpu.memory_space<hbm>>) target_semaphore(%dma_start3A_917 : memref<!tpu.dma_semaphore, #tpu.memory_space<semaphore_mem>>)
    %dma_wait3A_924 = arith.constant 0 : i32
    %dma_wait3A_925 = arith.constant 0 : i32
    %dma_wait3A_926 = arith.constant 0 : i32
    %dma_wait3A_927 = arith.constant 0 : i32
    %dma_wait3A_928 = tpu.memref_slice %arg10[%dma_wait3A_924, %dma_wait3A_926, %dma_wait3A_927] : memref<3x32x1024xf32, #tpu.memory_space<vmem>> -> memref<1x32x1024xf32, #tpu.memory_space<vmem>>
    %dma_wait3A_929 = tpu.memref_squeeze %dma_wait3A_928 : memref<1x32x1024xf32, #tpu.memory_space<vmem>> -> memref<32x1024xf32, #tpu.memory_space<vmem>>
    %dma_wait3A_930 = arith.constant 480 : i32
    %dma_wait3A_931 = tpu.memref_slice %arg9[%dma_wait3A_930] : memref<512xi32, #tpu.memory_space<vmem>> -> memref<32xi32, #tpu.memory_space<vmem>>
    %dma_wait3A_932 = arith.constant 0 : i32
    %dma_wait3A_933 = arith.constant 0 : i32
    %dma_wait3A_934 = tpu.memref_slice %arg3[%dma_wait3A_932, %dma_wait3A_933] : memref<100000x1024xf32, #tpu.memory_space<hbm>> -> memref<100000x1024xf32, #tpu.memory_space<hbm>>
    %dma_wait3A_935 = tpu.memref_slice %arg11[%dma_wait3A_925] : memref<3x!tpu.dma_semaphore, #tpu.memory_space<semaphore_mem>> -> memref<1x!tpu.dma_semaphore, #tpu.memory_space<semaphore_mem>>
    %dma_wait3A_936 = tpu.memref_squeeze %dma_wait3A_935 : memref<1x!tpu.dma_semaphore, #tpu.memory_space<semaphore_mem>> -> memref<!tpu.dma_semaphore, #tpu.memory_space<semaphore_mem>>
    tpu.wait_indirect_dma semaphore(%dma_wait3A_936 : memref<!tpu.dma_semaphore, #tpu.memory_space<semaphore_mem>>) src(%dma_wait3A_934 : memref<100000x1024xf32, #tpu.memory_space<hbm>>) dst(%dma_wait3A_929 : memref<32x1024xf32, #tpu.memory_space<vmem>>)
    %add3A_937 = arith.constant 480 : i32
    %add3A_938 = arith.addi %mul3A_2, %add3A_937 : i32
    %dma_start3A_939 = arith.constant 0 : i32
    %dma_start3A_940 = arith.constant 0 : i32
    %dma_start3A_941 = arith.constant 0 : i32
    %dma_start3A_942 = arith.constant 0 : i32
    %dma_start3A_943 = tpu.memref_slice %arg10[%dma_start3A_939, %dma_start3A_941, %dma_start3A_942] : memref<3x32x1024xf32, #tpu.memory_space<vmem>> -> memref<1x32x1024xf32, #tpu.memory_space<vmem>>
    %dma_start3A_944 = tpu.memref_squeeze %dma_start3A_943 : memref<1x32x1024xf32, #tpu.memory_space<vmem>> -> memref<32x1024xf32, #tpu.memory_space<vmem>>
    %dma_start3A_945 = arith.constant 0 : i32
    %dma_start3A_946 = tpu.memref_slice %arg6[%add3A_938, %dma_start3A_945] : memref<16384x1024xf32, #tpu.memory_space<hbm>> -> memref<32x1024xf32, #tpu.memory_space<hbm>>
    %dma_start3A_947 = tpu.memref_slice %arg12[%dma_start3A_940] : memref<3x!tpu.dma_semaphore, #tpu.memory_space<semaphore_mem>> -> memref<1x!tpu.dma_semaphore, #tpu.memory_space<semaphore_mem>>
    %dma_start3A_948 = tpu.memref_squeeze %dma_start3A_947 : memref<1x!tpu.dma_semaphore, #tpu.memory_space<semaphore_mem>> -> memref<!tpu.dma_semaphore, #tpu.memory_space<semaphore_mem>>
    %dma_start3A_949 = arith.constant 0 : i32
    %dma_start3A_950 = tpu.memref_slice %arg6[%add3A_938, %dma_start3A_949] : memref<16384x1024xf32, #tpu.memory_space<hbm>> -> memref<32x1024xf32, #tpu.memory_space<hbm>>
    %dma_start3A_951 = arith.constant 0 : i32
    %dma_start3A_952 = arith.constant 0 : i32
    %dma_start3A_953 = tpu.memref_slice %arg10[%dma_start3A_939, %dma_start3A_951, %dma_start3A_952] : memref<3x32x1024xf32, #tpu.memory_space<vmem>> -> memref<1x32x1024xf32, #tpu.memory_space<vmem>>
    %dma_start3A_954 = tpu.memref_squeeze %dma_start3A_953 : memref<1x32x1024xf32, #tpu.memory_space<vmem>> -> memref<32x1024xf32, #tpu.memory_space<vmem>>
    tpu.enqueue_dma source(%dma_start3A_954 : memref<32x1024xf32, #tpu.memory_space<vmem>>) target(%dma_start3A_950 : memref<32x1024xf32, #tpu.memory_space<hbm>>) target_semaphore(%dma_start3A_948 : memref<!tpu.dma_semaphore, #tpu.memory_space<semaphore_mem>>)
    %dma_wait3A_955 = arith.constant 1 : i32
    %dma_wait3A_956 = arith.constant 1 : i32
    %dma_wait3A_957 = arith.constant 0 : i32
    %dma_wait3A_958 = arith.constant 0 : i32
    %dma_wait3A_959 = tpu.memref_slice %arg10[%dma_wait3A_955, %dma_wait3A_957, %dma_wait3A_958] : memref<3x32x1024xf32, #tpu.memory_space<vmem>> -> memref<1x32x1024xf32, #tpu.memory_space<vmem>>
    %dma_wait3A_960 = tpu.memref_squeeze %dma_wait3A_959 : memref<1x32x1024xf32, #tpu.memory_space<vmem>> -> memref<32x1024xf32, #tpu.memory_space<vmem>>
    %dma_wait3A_961 = arith.constant 0 : i32
    %dma_wait3A_962 = tpu.memref_slice %arg6[%add3A_876, %dma_wait3A_961] : memref<16384x1024xf32, #tpu.memory_space<hbm>> -> memref<32x1024xf32, #tpu.memory_space<hbm>>
    %dma_wait3A_963 = tpu.memref_slice %arg12[%dma_wait3A_956] : memref<3x!tpu.dma_semaphore, #tpu.memory_space<semaphore_mem>> -> memref<1x!tpu.dma_semaphore, #tpu.memory_space<semaphore_mem>>
    %dma_wait3A_964 = tpu.memref_squeeze %dma_wait3A_963 : memref<1x!tpu.dma_semaphore, #tpu.memory_space<semaphore_mem>> -> memref<!tpu.dma_semaphore, #tpu.memory_space<semaphore_mem>>
    %dma_wait3A_965 = arith.constant 0 : i32
    %dma_wait3A_966 = tpu.memref_slice %arg6[%add3A_876, %dma_wait3A_965] : memref<16384x1024xf32, #tpu.memory_space<hbm>> -> memref<32x1024xf32, #tpu.memory_space<hbm>>
    %dma_wait3A_967 = arith.constant 0 : i32
    %dma_wait3A_968 = arith.constant 0 : i32
    %dma_wait3A_969 = tpu.memref_slice %arg10[%dma_wait3A_955, %dma_wait3A_967, %dma_wait3A_968] : memref<3x32x1024xf32, #tpu.memory_space<vmem>> -> memref<1x32x1024xf32, #tpu.memory_space<vmem>>
    %dma_wait3A_970 = tpu.memref_squeeze %dma_wait3A_969 : memref<1x32x1024xf32, #tpu.memory_space<vmem>> -> memref<32x1024xf32, #tpu.memory_space<vmem>>
    tpu.wait_dma2 semaphore(%dma_wait3A_964 : memref<!tpu.dma_semaphore, #tpu.memory_space<semaphore_mem>>) src(%dma_wait3A_970 : memref<32x1024xf32, #tpu.memory_space<vmem>>) dst(%dma_wait3A_966 : memref<32x1024xf32, #tpu.memory_space<hbm>>)
    %dma_wait3A_971 = arith.constant 2 : i32
    %dma_wait3A_972 = arith.constant 2 : i32
    %dma_wait3A_973 = arith.constant 0 : i32
    %dma_wait3A_974 = arith.constant 0 : i32
    %dma_wait3A_975 = tpu.memref_slice %arg10[%dma_wait3A_971, %dma_wait3A_973, %dma_wait3A_974] : memref<3x32x1024xf32, #tpu.memory_space<vmem>> -> memref<1x32x1024xf32, #tpu.memory_space<vmem>>
    %dma_wait3A_976 = tpu.memref_squeeze %dma_wait3A_975 : memref<1x32x1024xf32, #tpu.memory_space<vmem>> -> memref<32x1024xf32, #tpu.memory_space<vmem>>
    %dma_wait3A_977 = arith.constant 0 : i32
    %dma_wait3A_978 = tpu.memref_slice %arg6[%add3A_907, %dma_wait3A_977] : memref<16384x1024xf32, #tpu.memory_space<hbm>> -> memref<32x1024xf32, #tpu.memory_space<hbm>>
    %dma_wait3A_979 = tpu.memref_slice %arg12[%dma_wait3A_972] : memref<3x!tpu.dma_semaphore, #tpu.memory_space<semaphore_mem>> -> memref<1x!tpu.dma_semaphore, #tpu.memory_space<semaphore_mem>>
    %dma_wait3A_980 = tpu.memref_squeeze %dma_wait3A_979 : memref<1x!tpu.dma_semaphore, #tpu.memory_space<semaphore_mem>> -> memref<!tpu.dma_semaphore, #tpu.memory_space<semaphore_mem>>
    %dma_wait3A_981 = arith.constant 0 : i32
    %dma_wait3A_982 = tpu.memref_slice %arg6[%add3A_907, %dma_wait3A_981] : memref<16384x1024xf32, #tpu.memory_space<hbm>> -> memref<32x1024xf32, #tpu.memory_space<hbm>>
    %dma_wait3A_983 = arith.constant 0 : i32
    %dma_wait3A_984 = arith.constant 0 : i32
    %dma_wait3A_985 = tpu.memref_slice %arg10[%dma_wait3A_971, %dma_wait3A_983, %dma_wait3A_984] : memref<3x32x1024xf32, #tpu.memory_space<vmem>> -> memref<1x32x1024xf32, #tpu.memory_space<vmem>>
    %dma_wait3A_986 = tpu.memref_squeeze %dma_wait3A_985 : memref<1x32x1024xf32, #tpu.memory_space<vmem>> -> memref<32x1024xf32, #tpu.memory_space<vmem>>
    tpu.wait_dma2 semaphore(%dma_wait3A_980 : memref<!tpu.dma_semaphore, #tpu.memory_space<semaphore_mem>>) src(%dma_wait3A_986 : memref<32x1024xf32, #tpu.memory_space<vmem>>) dst(%dma_wait3A_982 : memref<32x1024xf32, #tpu.memory_space<hbm>>)
    %dma_wait3A_987 = arith.constant 0 : i32
    %dma_wait3A_988 = arith.constant 0 : i32
    %dma_wait3A_989 = arith.constant 0 : i32
    %dma_wait3A_990 = arith.constant 0 : i32
    %dma_wait3A_991 = tpu.memref_slice %arg10[%dma_wait3A_987, %dma_wait3A_989, %dma_wait3A_990] : memref<3x32x1024xf32, #tpu.memory_space<vmem>> -> memref<1x32x1024xf32, #tpu.memory_space<vmem>>
    %dma_wait3A_992 = tpu.memref_squeeze %dma_wait3A_991 : memref<1x32x1024xf32, #tpu.memory_space<vmem>> -> memref<32x1024xf32, #tpu.memory_space<vmem>>
    %dma_wait3A_993 = arith.constant 0 : i32
    %dma_wait3A_994 = tpu.memref_slice %arg6[%add3A_938, %dma_wait3A_993] : memref<16384x1024xf32, #tpu.memory_space<hbm>> -> memref<32x1024xf32, #tpu.memory_space<hbm>>
    %dma_wait3A_995 = tpu.memref_slice %arg12[%dma_wait3A_988] : memref<3x!tpu.dma_semaphore, #tpu.memory_space<semaphore_mem>> -> memref<1x!tpu.dma_semaphore, #tpu.memory_space<semaphore_mem>>
    %dma_wait3A_996 = tpu.memref_squeeze %dma_wait3A_995 : memref<1x!tpu.dma_semaphore, #tpu.memory_space<semaphore_mem>> -> memref<!tpu.dma_semaphore, #tpu.memory_space<semaphore_mem>>
    %dma_wait3A_997 = arith.constant 0 : i32
    %dma_wait3A_998 = tpu.memref_slice %arg6[%add3A_938, %dma_wait3A_997] : memref<16384x1024xf32, #tpu.memory_space<hbm>> -> memref<32x1024xf32, #tpu.memory_space<hbm>>
    %dma_wait3A_999 = arith.constant 0 : i32
    %dma_wait3A_1000 = arith.constant 0 : i32
    %dma_wait3A_1001 = tpu.memref_slice %arg10[%dma_wait3A_987, %dma_wait3A_999, %dma_wait3A_1000] : memref<3x32x1024xf32, #tpu.memory_space<vmem>> -> memref<1x32x1024xf32, #tpu.memory_space<vmem>>
    %dma_wait3A_1002 = tpu.memref_squeeze %dma_wait3A_1001 : memref<1x32x1024xf32, #tpu.memory_space<vmem>> -> memref<32x1024xf32, #tpu.memory_space<vmem>>
    tpu.wait_dma2 semaphore(%dma_wait3A_996 : memref<!tpu.dma_semaphore, #tpu.memory_space<semaphore_mem>>) src(%dma_wait3A_1002 : memref<32x1024xf32, #tpu.memory_space<vmem>>) dst(%dma_wait3A_998 : memref<32x1024xf32, #tpu.memory_space<hbm>>)
    %eq3A_1003 = arith.constant 0 : i32
    %eq3A_1004 = arith.cmpi eq, %add3A, %eq3A_1003 : i32
    %convert_element_type3A_1005 = arith.extui %eq3A_1004 : i1 to i32
    %cond3A_1006 = arith.constant 0 : i32
    %cond3A_1007 = arith.constant 0 : i32
    %cond3A_1008 = arith.cmpi ne, %convert_element_type3A_1005, %cond3A_1007 : i32
    scf.if %cond3A_1008 {
      %dma_wait3A_1015 = tpu.memref_slice %arg13[%cond3A_1006] : memref<2x!tpu.dma_semaphore, #tpu.memory_space<semaphore_mem>> -> memref<1x!tpu.dma_semaphore, #tpu.memory_space<semaphore_mem>>
      %dma_wait3A_1016 = tpu.memref_squeeze %dma_wait3A_1015 : memref<1x!tpu.dma_semaphore, #tpu.memory_space<semaphore_mem>> -> memref<!tpu.dma_semaphore, #tpu.memory_space<semaphore_mem>>
      tpu.wait_dma2 semaphore(%dma_wait3A_1016 : memref<!tpu.dma_semaphore, #tpu.memory_space<semaphore_mem>>) src(%arg4 : memref<4x4096xi32, #tpu.memory_space<hbm>>) dst(%arg7 : memref<4x4096xi32, #tpu.memory_space<hbm>>)
    } else {
    }
    %eq3A_1009 = arith.constant 1 : i32
    %eq3A_1010 = arith.cmpi eq, %add3A, %eq3A_1009 : i32
    %convert_element_type3A_1011 = arith.extui %eq3A_1010 : i1 to i32
    %cond3A_1012 = arith.constant 1 : i32
    %cond3A_1013 = arith.constant 0 : i32
    %cond3A_1014 = arith.cmpi ne, %convert_element_type3A_1011, %cond3A_1013 : i32
    scf.if %cond3A_1014 {
      %dma_wait3A_1015 = tpu.memref_slice %arg13[%cond3A_1012] : memref<2x!tpu.dma_semaphore, #tpu.memory_space<semaphore_mem>> -> memref<1x!tpu.dma_semaphore, #tpu.memory_space<semaphore_mem>>
      %dma_wait3A_1016 = tpu.memref_squeeze %dma_wait3A_1015 : memref<1x!tpu.dma_semaphore, #tpu.memory_space<semaphore_mem>> -> memref<!tpu.dma_semaphore, #tpu.memory_space<semaphore_mem>>
      tpu.wait_dma2 semaphore(%dma_wait3A_1016 : memref<!tpu.dma_semaphore, #tpu.memory_space<semaphore_mem>>) src(%arg5 : memref<4x4096xi32, #tpu.memory_space<hbm>>) dst(%arg8 : memref<4x4096xi32, #tpu.memory_space<hbm>>)
    } else {
    }
    return
  }
}

</mosaic_0001>

<sc_bundles>
// kernel: kernel.3.cloned.1.call-start
scs
__scs_entry_jumppad:
0x0: {  	(pc) =	sbr.rel $0x88, $3  }
0x1: {  	(tag) =	ssettag $0x0;
	lr =	simm.s32 $0x1  }
0x2: {  	[smem:$0x3F9D] =	sst lr;
	_ =	strace $0xD0000000  }
0x3: {  	_ = 	snop  }
0x4: {  	_ = 	snop  }
0x5: {  	_ = 	snop  }
0x6: {  	_ = 	snop  }
0x7: {  	_ = 	snop  }
__scs_overlays_trampoline_lowered:
0x8: {  	[smem:$0x3FAC] =	sst s0  }
0x9: {  	[smem:$0x3FAD] =	sst s1  }
0xa: {  	[smem:$0x3FAE] =	sst s2  }
0xb: {  	[smem:$0x3FAF] =	sst s3  }
0xc: {  	[smem:$0x3FB0] =	sst s4  }
0xd: {  	[smem:$0x3FB1] =	sst s5  }
0xe: {  	[smem:$0x3FB2] =	sst s6  }
0xf: {  	[smem:$0x3FB3] =	sst s7  }
0x10: {  	[smem:$0x3FB4] =	sst s8  }
0x11: {  	[smem:$0x3FB5] =	sst s9;
	s0 =	simm.s32 @!p0 $0x0  }
0x12: {  	s1 =	sld [smem:$0x3F9B];
	s0 =	simm.s32 @p0 $0x1  }
0x13: {  	[smem:$0x3FB6] =	sst s0;
	s0 =	simm.s32 @!p1 $0x0  }
0x14: {  	s2 =	sld [smem:$0x3F9A];
	s0 =	simm.s32 @p1 $0x1  }
0x15: {  	[smem:$0x3FB7] =	sst s0;
	s0 =	simm.s32 @!p2 $0x0  }
0x16: {  	s3 =	sld [smem:$0x3FDB];
	s0 =	simm.s32 @p2 $0x1  }
0x17: {  	s4 =	simm.s32 $0x1BF5;
	[smem:$0x3FB9] =	sst s0  }
0x18: {  	s0 =	sld [smem:$0x3F9C];
	_ =	swait.ge [sflag:s4], $0x0  }
0x19: {  	s7 =	sld [smem:$0x3F9D]  }
0x1a: {  	s8 =	sadd.s32 $0xFFFFE003, lr  }
0x1b: {  	s9 =	sadd.s32 $0xFFFFFEF7, lr;
	s5 =	simm.s32 $0xFFFFFFFF;
	p2 =	slt.u32 s8, $0xFFFFF086  }
0x1c: {  	p1 =	slt.u32 s9, $0xF7A;
	s5 =	simm.s32 @!p2 $0x0  }
0x1d: {  	s5 =	simm.s32 @p1 $0x1;
	p0 =	seq.s32 s7, s2  }
0x1e: {  	s7 =	smul.u32 @!p0 $0xF7A, s2;
	p2 =	seq.s32 @!p0 s5, $0x0  }
0x1f: {  	s9 =	smul.u32 $0xF7A, s1;
	s8 =	simm.s32 @!p0 $0x1BF5;
	p2 =	por !p2, p0  }
0x20: {  	[sflag:s8] =	ssyncset.s32 @!p0 $0xFFFFF086;
	s6 =	sadd.s32 @!p0 s3, s7;
	s7 =	simm.s32 @!p0 $0x108  }
0x21: {  	s3 =	sadd.s32 s3, s9;
	s6 =	sadd.s32 @!p0 $0x88, s6;
	s7 =	simm.s32 @p2 $0x1082  }
0x22: {  	[simem:s7], [sflag:s8] =	dma.local @!p0 [hbm:s6], $0xF7A  }
0x23: {  	s9 =	sor.u32 $0xD0000000, s2;
	s6 =	simm.s32 $0x108;
	_ =	swait.ge @!p0 [sflag:s8], $0x0  }
0x24: {  	s3 =	sadd.s32 $0x88, s3;
	s6 =	simm.s32 @!p1 $0x1082;
	[sflag:s4] =	ssyncset.s32 $0xFFFFF086  }
0x25: {  	[simem:s6], [sflag:s4] =	dma.local [hbm:s3], $0xF7A  }
0x26: {  	[smem:$0x3F9D] =	sst s1;
	(tag) =	ssettag s2;
	_ =	strace s9  }
0x27: {  	s1 =	sld [smem:$0x3FAD]  }
0x28: {  	s2 =	sld [smem:$0x3FAE]  }
0x29: {  	s4 =	sld [smem:$0x3FB0]  }
0x2a: {  	p0 =	seq.s32 s5, $0x0;
	s5 =	sld [smem:$0x3FB1]  }
0x2b: {  	s6 =	sld [smem:$0x3FB2]  }
0x2c: {  	s7 =	sld [smem:$0x3FB3]  }
0x2d: {  	s3 =	simm.s32 $0x108;
	s8 =	sld [smem:$0x3FB4]  }
0x2e: {  	s3 =	simm.s32 @!p0 $0x1082;
	s9 =	sld [smem:$0x3FB5]  }
0x2f: {  	lr =	sadd.s32 s0, s3;
	s0 =	sld [smem:$0x3FAC]  }
0x30: {  	s3 =	sld [smem:$0x3FAF]  }
0x31: {  	[smem:$0x3FB8] =	sst s10  }
0x32: {  	s10 =	sld [smem:$0x3FB6];
	_ =	sdelay $0x3  }
0x33: {  	p0 =	seq.s32 s10, $0x1;
	s10 =	sld [smem:$0x3FB8];
	_ =	sdelay $0x3  }
0x34: {  	[smem:$0x3FB8] =	sst s10  }
0x35: {  	s10 =	sld [smem:$0x3FB7];
	_ =	sdelay $0x3  }
0x36: {  	p1 =	seq.s32 s10, $0x1;
	s10 =	sld [smem:$0x3FB8];
	_ =	sdelay $0x3  }
0x37: {  	[smem:$0x3FB8] =	sst s10  }
0x38: {  	s10 =	sld [smem:$0x3FB9]  }
0x39: {  	_ = 	snop;
	(pc) =	sbr.ind lr, $3  }
0x3a: {  	_ = 	snop  }
0x3b: {  	_ = 	snop  }
0x3c: {  	p2 =	seq.s32 s10, $0x1;
	s10 =	sld [smem:$0x3FB8]  }
0x3d: {  	_ =	shalt  }
0x3e: {  	_ =	shalt  }
0x3f: {  	_ =	shalt  }
0x40: {  	_ =	shalt  }
0x41: {  	_ =	shalt  }
0x42: {  	_ =	shalt  }
0x43: {  	_ =	shalt  }
0x44: {  	_ =	shalt  }
0x45: {  	_ =	shalt  }
0x46: {  	_ =	shalt  }
0x47: {  	_ =	shalt  }
0x48: {  	_ =	shalt  }
0x49: {  	_ =	shalt  }
0x4a: {  	_ =	shalt  }
0x4b: {  	_ =	shalt  }
0x4c: {  	_ =	shalt  }
0x4d: {  	_ =	shalt  }
0x4e: {  	_ =	shalt  }
0x4f: {  	_ =	shalt  }
0x50: {  	_ =	shalt  }
0x51: {  	_ =	shalt  }
0x52: {  	_ =	shalt  }
0x53: {  	_ =	shalt  }
0x54: {  	_ =	shalt  }
0x55: {  	_ =	shalt  }
0x56: {  	_ =	shalt  }
0x57: {  	_ =	shalt  }
0x58: {  	_ =	shalt  }
0x59: {  	_ =	shalt  }
0x5a: {  	_ =	shalt  }
0x5b: {  	_ =	shalt  }
0x5c: {  	_ =	shalt  }
0x5d: {  	_ =	shalt  }
0x5e: {  	_ =	shalt  }
0x5f: {  	_ =	shalt  }
0x60: {  	_ =	shalt  }
0x61: {  	_ =	shalt  }
0x62: {  	_ =	shalt  }
0x63: {  	_ =	shalt  }
0x64: {  	_ =	shalt  }
0x65: {  	_ =	shalt  }
0x66: {  	_ =	shalt  }
0x67: {  	_ =	shalt  }
0x68: {  	_ =	shalt  }
0x69: {  	_ =	shalt  }
0x6a: {  	_ =	shalt  }
0x6b: {  	_ =	shalt  }
0x6c: {  	_ =	shalt  }
0x6d: {  	_ =	shalt  }
0x6e: {  	_ =	shalt  }
0x6f: {  	_ =	shalt  }
0x70: {  	_ =	shalt  }
0x71: {  	_ =	shalt  }
0x72: {  	_ =	shalt  }
0x73: {  	_ =	shalt  }
0x74: {  	_ =	shalt  }
0x75: {  	_ =	shalt  }
0x76: {  	_ =	shalt  }
0x77: {  	_ =	shalt  }
0x78: {  	_ =	shalt  }
0x79: {  	_ =	shalt  }
0x7a: {  	_ =	shalt  }
0x7b: {  	_ =	shalt  }
0x7c: {  	_ =	shalt  }
0x7d: {  	_ =	shalt  }
0x7e: {  	_ =	shalt  }
0x7f: {  	_ =	shalt  }
0x80: {  	_ =	shalt  }
0x81: {  	_ =	shalt  }
0x82: {  	_ =	shalt  }
0x83: {  	_ =	shalt  }
0x84: {  	_ =	shalt  }
0x85: {  	_ =	shalt  }
0x86: {  	_ =	shalt  }
0x87: {  	_ =	shalt  }
.Lfunc_end0:
.L_simem_size_0:
called_computation_lowered:
.L_overlay_start_0:
0x88: {  	s2 =	sld [smem:$0x3FD9]  }
0x89: {  	s3 =	sld [smem:$0x3FFE];
	_ =	sdelay $0x1  }
0x8a: {  	s1 =	srdreg.scid  }
0x8b: {  	s0 =	sand.u32 $0x1, s1  }
0x8c: {  	s15 =	sshll.u32 s0, $0xA;
	s2 =	sadd.s32 s3, s2  }
0x8d: {  	s2 =	sadd.s32 s2, s15  }
0x8e: {  	[smem:$0x3FC4] =	sst s2  }
0x8f: {  	_ = 	snop  }
0x90: {  	s2 =	sld [smem:$0x3FC9]  }
0x91: {  	s16 =	sld [smem:$0x3FD0]  }
0x92: {  	s4 =	sld [smem:$0x3FC8]  }
0x93: {  	s5 =	sld [smem:$0x3FC7]  }
0x94: {  	s7 =	simm.s32 $0xA;
	s8 =	simm.s32 $0x10;
	s6 =	sld [smem:$0x3FC6]  }
0x95: {  	[smem:s8], [sflag:s7] =	dma.local [hbm:s16], $0x1  }
0x96: {  	_ =	swait.eq [sflag:s7], $0x1  }
0x97: {  	s17 =	sld [smem:$0x10];
	[sflag:s7] =	ssyncset.done $0x0  }
0x98: {  	s18 =	sld [smem:$0x11];
	[sflag:s7] =	ssyncadd.s32 $0xFFFFFFFF  }
0x99: {  	s19 =	sld [smem:$0x12];
	(tm) =	ssettm $0x1  }
0x9a: {  	s9 =	sld [smem:$0x3FFB];
	_ =	sdelay $0x3  }
0x9b: {  	_ =	strace s9  }
0x9c: {  	s9 =	sld [smem:$0x3FFC];
	_ =	sdelay $0x3  }
0x9d: {  	_ =	strace s9  }
0x9e: {  	s9 =	sld [smem:$0x3FFD];
	_ =	sdelay $0x3  }
0x9f: {  	_ =	strace s9  }
0xa0: {  	_ =	strace $0x8FFFFFFF  }
0xa1: {  	s20 =	sld [smem:$0x3FDB];
	_ =	sdelay $0x1  }
0xa2: {  	s10 =	simm.s32 $_scs_section_size  }
0xa3: {  	s11 =	simm.s32 $_size__tile_overlayer_lowered;
	s12 =	simm.s32 $_tile_overlayer_lowered  }
0xa4: {  	s23 =	simm.s32 $0x1BFF;
	s22 =	sshll.u32 s12, $0x1;
	s9 =	sadd.s32 s10, s20  }
0xa5: {  	s13 =	simm.s32 $0x0;
	s21 =	sshll.u32 s11, $0x1;
	s11 =	sadd.s32 s22, s9  }
0xa6: {  	[timem:s13], [sflag:s23] =	dma.local [hbm:s11], s21  }
0xa7: {  	_ =	swait.ge [sflag:s23], s21  }
0xa8: {  	s10 =	ssub.s32 $0x0, s21;
	[sflag:s23] =	ssyncset.done $0x0  }
0xa9: {  	[sflag:s23] =	ssyncadd.s32 s10;
	_ =	sdelay $0x1  }
0xaa: {  	s24 =	simm.s32 $0x1B8B  }
0xab: {  	_ =	swait.ge [sflag:s24], $0x1  }
0xac: {  	[sflag:s24] =	ssyncset.done $0x0  }
0xad: {  	s25 =	simm.s32 $0x1B8E;
	[sflag:s24] =	ssyncadd.s32 $0xFFFFFFFF  }
0xae: {  	s26 =	simm.s32 $execute0_lowered;
	[smem:$0x3FD2] =	sst s25  }
0xaf: {  	s10 =	sshll.u32 s26, $0x1;
	_ =	strace $0x80000046;
	[dreg:$0x1] =	wrdreg $0xFFFFFFFF  }
0xb0: {  	s28 =	simm.s32 $_size_execute0_lowered;
	s9 =	sadd.s32 s9, s10;
	[dreg:$0x0] =	wrdreg $0x0  }
0xb1: {  	s10 =	sshll.u32 s28, $0x1;
	[dreg:$0x2] =	wrdreg s9  }
0xb2: {  	[dreg:$0x3] =	wrdreg s10  }
0xb3: {  	[dreg:$0x4] =	wrdreg $0xC0  }
0xb4: {  	_ =	task [dreg:s13], $0x5FFFF  }
0xb5: {  	[dreg:$0x1] =	wrdreg $0xFFFFFFFF  }
0xb6: {  	[dreg:$0x0] =	wrdreg $0x60  }
0xb7: {  	[dreg:$0x2] =	wrdreg s2  }
0xb8: {  	[dreg:$0x3] =	wrdreg s6  }
0xb9: {  	[dreg:$0x4] =	wrdreg s4  }
0xba: {  	[dreg:$0x5] =	wrdreg s5  }
0xbb: {  	[dreg:$0x6] =	wrdreg s17  }
0xbc: {  	[dreg:$0x7] =	wrdreg s18  }
0xbd: {  	[dreg:$0x8] =	wrdreg s19  }
0xbe: {  	[dreg:$0x9] =	wrdreg $0x9  }
0xbf: {  	_ =	task.clear_ibuf [dreg:s13], $0xAFFFF;
	_ =	strace $0x90000046  }
0xc0: {  	s29 =	simm.s32 $0x9;
	_ =	strace $0x80000048  }
0xc1: {  	_ =	swait.ge [sflag:s29], $0x1  }
0xc2: {  	[sflag:s29] =	ssyncadd.s32 $0xFFFFFFFF  }
0xc3: {  	_ =	strace $0x90000048  }
0xc4: {  	_ =	sfence  }
0xc5: {  	s30 =	sld [smem:$0x0];
	_ =	sdelay $0x2  }
0xc6: {  	s31 =	sshll.u32 s1, $0xD;
	s1 =	sshrl.u32 s1, $0x2  }
0xc7: {  	s3 =	sand.u32 $0x4000, s31;
	s1 =	sadd.s32 s1, s30  }
0xc8: {  	s0 =	sor.u32 s3, s0;
	s1 =	sshll.u32 s1, $0x11  }
0xc9: {  	s0 =	sor.u32 s1, s0  }
0xca: {  	s0 =	sadd.s32 $0x8F2B, s0  }
0xcb: {  	[sflag:s0] =	ssyncadd.remote.s32 $0x1  }
0xcc: {  	_ =	sfence.sel $0xFFFF  }
0xcd: {  	[dreg:$0x0] =	wrdreg $0xFFFFFFFF;
	(pc) =	sbr.abs _section_cstart, $3  }
0xce: {  	[dreg:$0x1] =	wrdreg $0xFFFFFFFF  }
0xcf: {  	_ =	task.clear_ibuf [dreg:s13], $0x2FFFF;
	_ =	strace $0x9FFFFFFF  }
0xd0: {  	(tm) =	ssettm $0x7FFFFFFF  }
0xd1: {  	_ =	shalt  }
tec
execute0_lowered:
.L_overlay_start_1:
0x0: {  	(tag) =	ssettag $0x1  }
0x1: {  	s1 =	rddreg [dreg:$0x0]  }
0x2: {  	s0 =	rddreg [dreg:$0x1]  }
0x3: {  	s2 =	rddreg [dreg:$0x2]  }
0x4: {  	s26 =	rddreg [dreg:$0x3]  }
0x5: {  	s28 =	rddreg [dreg:$0x4]  }
0x6: {  	s3 =	rddreg [dreg:$0x5]  }
0x7: {  	s4 =	rddreg [dreg:$0x6]  }
0x8: {  	[dreg:$0x8] =	wrdreg s2  }
0x9: {  	s5 =	srdreg.scid;
	[dreg:$0x9] =	wrdreg s26  }
0xa: {  	s6 =	stileid.u32;
	[dreg:$0xa] =	wrdreg s3  }
0xb: {  	p1 =	por $0x0, $0x0;
	s29 =	simm.s32 $0x1;
	[dreg:$0xb] =	wrdreg s4  }
0xc: {  	s4 =	sand.u32 $0x1, s5;
	s5 =	sshll.u32 s6, $0x1;
	s3 =	simm.s32 $0x0  }
0xd: {  	s7 =	sshll.u32 s6, $0x2;
	s8 =	sor.u32 s4, s5;
	[smem:$0x7FF] =	sst s3  }
0xe: {  	s5 =	sand.u32 $0x30, s7;
	s9 =	sshll.u32 s8, $0x8;
	s10 =	sshll.u32 s8, $0x10  }
0xf: {  	s1 =	sadd.s32 s1, s5;
	_ =	strace $0x80000047;
	s7 =	sadd.s32 s28, s10  }
0x10: {  	s6 =	sand.u32 $0x700, s9;
	s28 =	simm.s32 $0x80;
	[dreg:$0x1d] =	wrdreg s7  }
0x11: {  	s30 =	simm.s32 $0x4;
	s1 =	sadd.s32 s6, s1;
	[dreg:$0x1c] =	wrdreg s28  }
0x12: {  	s31 =	simm.s32 $0x2;
	s11 =	sadd.s32 $0x1000, s7;
	[dreg:$0xc] =	wrdreg s1  }
0x13: {  	s21 =	ssub.s32 $0x2, s4;
	s12 =	sadd.s32 $0x2000, s7;
	[dreg:$0xd] =	wrdreg s11  }
0x14: {  	s4 =	sshrl.u32 s21, $0x1;
	s13 =	sadd.s32 $0x3000, s7;
	[dreg:$0xe] =	wrdreg s12  }
0x15: {  	s5 =	sadd.s32 $0x100, s0;
	s14 =	sadd.s32 $0x4000, s7;
	[dreg:$0xf] =	wrdreg s13  }
0x16: {  	p0 =	seq.s32 s8, $0x1;
	s15 =	sadd.s32 $0x5000, s7;
	[dreg:$0x10] =	wrdreg s14  }
0x17: {  	p4 =	sne.s32 s8, $0x0;
	s16 =	sadd.s32 $0x6000, s7;
	[dreg:$0x11] =	wrdreg s15  }
0x18: {  	s2 =	ssub.s32 s21, s4;
	s17 =	sadd.s32 $0x7000, s7;
	[dreg:$0x12] =	wrdreg s16  }
0x19: {  	p3 =	sne.s32 @!p0 s8, $0x0;
	s18 =	sadd.s32 $0x8000, s7;
	[dreg:$0x13] =	wrdreg s17  }
0x1a: {  	s4 =	simm.s32 $0x6;
	s19 =	sadd.s32 $0x9000, s7;
	[dreg:$0x14] =	wrdreg s18  }
0x1b: {  	s8 =	simm.s32 $0x200;
	s20 =	sadd.s32 $0xA000, s7;
	[dreg:$0x15] =	wrdreg s19  }
0x1c: {  	s22 =	sadd.s32 $0xB000, s7;
	s23 =	sadd.s32 $0xC000, s7;
	[dreg:$0x16] =	wrdreg s20  }
0x1d: {  	s24 =	sadd.s32 $0xD000, s7;
	s25 =	sadd.s32 $0xE000, s7;
	[dreg:$0x17] =	wrdreg s22  }
0x1e: {  	s6 =	sadd.s32 $0x200, s0;
	s26 =	sadd.s32 $0xF000, s7;
	[dreg:$0x18] =	wrdreg s23  }
0x1f: {  	v2 =	vlaneseq.u32;
	s7 =	sadd.s32 $0x300, s0;
	s9 =	smax.u32 s2, $0x1;
	[dreg:$0x19] =	wrdreg s24  }
0x20: {  	vm0 =	vmmov $0xffff;
	v1 =	vshrl.u32 v2, $0x3;
	p2 =	por p3, p0;
	p3 =	por !p3, p0;
	[dreg:$0x1a] =	wrdreg s25  }
0x21: {  	v0 =	vand.u32 $0x7, v2;
	v2 =	vor.u32 $0x8, v2;
	v1 =	vmul.u32 $0x8, v1;
	s2 =	simm.s32 $0x3;
	[dreg:$0x1b] =	wrdreg s26;
	s1 =	simm.s32 $0x5  }
.LBB2_1:
0x22: {  	[dreg:$0x1e] =	wrdreg s9  }
0x23: {  	s28 =	rddreg [dreg:$0xc]  }
0x24: {  	s11 =	rddreg [dreg:$0x1c];
	s14 =	simm.s32 $0x9  }
0x25: {  	[tilespmem:s3], [sflag:$0x9] =	stream.strided.gather [hbm4b:s28+s11], $0x200, s8, s11, $0x38;
	[tilespmem:$0x18200] =	vst v63  }
0x26: {  	s13 =	stileid.u32;
	_ =	swait.ge [sflag:s14], $0x200  }
0x27: {  	s12 =	sshll.u32 @p0 s13, $0x6;
	s11 =	rddreg [dreg:$0x9];
	[sflag:s14] =	ssyncset.done $0x0  }
0x28: {  	s12 =	sor.u32 @p0 $0x1C08, s12;
	s28 =	rddreg [dreg:$0xb];
	[sflag:s14] =	ssyncadd.s32 $0xFFFFFE00  }
0x29: {  	[hbm:s28], [sflag:s12] =	dma.local @p0 [hbm:s11], $0x800  }
0x2a: {  	s28 =	sshll.u32 @!p2 s13, $0x6;
	s11 =	rddreg [dreg:$0x8]  }
0x2b: {  	s12 =	rddreg [dreg:$0xa];
	s28 =	sor.u32 @!p2 $0x1C07, s28  }
0x2c: {  	[hbm:s12], [sflag:s28] =	dma.local @!p2 [hbm:s11], $0x800  }
0x2d: {  	v3 =	vld [tilespmem:$0x0];
	_ =	sdelay $0x4  }
0x2e: {  	v4 =	vshll.u32 v3, $0x3  }
0x2f: {  	v3 =	vand.u32 $0x7, v3;
	v4 =	vand.u32 $0xFFFFFFC0, v4  }
0x30: {  	v3 =	vor.u32 v3, v4  }
0x31: {  	v4 =	vperm.xlane v3, v0;
	_ =	sdelay $0x1  }
0x32: {  	v4 =	vadd.s32 v1, v4;
	_ =	sdelay $0x4  }
0x33: {  	[tilespmem:s8], [sflag:$0x1] =	stream.indirect_vreg.gather [hbm4b:s0+s3], $0x80, v4, vm0, $0xb8;
	[tilespmem:$0x18200] =	vst v63  }
0x34: {  	s22 =	simm.s32 $0xA00;
	v3 =	vperm.xlane v3, v2  }
0x35: {  	[tilespmem:s22], [sflag:$0x1] =	stream.indirect_vreg.gather [hbm4b:s5+s3], $0x80, v4, vm0, $0xb8;
	[tilespmem:$0x18200] =	vst v63  }
0x36: {  	s23 =	simm.s32 $0x1200;
	v3 =	vadd.s32 v1, v3  }
0x37: {  	[tilespmem:s23], [sflag:$0x1] =	stream.indirect_vreg.gather [hbm4b:s6+s3], $0x80, v4, vm0, $0xb8;
	[tilespmem:$0x18200] =	vst v63  }
0x38: {  	s24 =	simm.s32 $0x1A00  }
0x39: {  	[tilespmem:s24], [sflag:$0x1] =	stream.indirect_vreg.gather [hbm4b:s7+s3], $0x80, v4, vm0, $0xb8;
	[tilespmem:$0x18200] =	vst v63  }
0x3a: {  	s25 =	simm.s32 $0x2200  }
0x3b: {  	[tilespmem:s25], [sflag:$0x1] =	stream.indirect_vreg.gather [hbm4b:s0+s3], $0x80, v3, vm0, $0xb8;
	[tilespmem:$0x18200] =	vst v63  }
0x3c: {  	s9 =	simm.s32 $0x2A00  }
0x3d: {  	[tilespmem:s9], [sflag:$0x1] =	stream.indirect_vreg.gather [hbm4b:s5+s3], $0x80, v3, vm0, $0xb8;
	[tilespmem:$0x18200] =	vst v63  }
0x3e: {  	s10 =	simm.s32 $0x3200  }
0x3f: {  	[tilespmem:s10], [sflag:$0x1] =	stream.indirect_vreg.gather [hbm4b:s6+s3], $0x80, v3, vm0, $0xb8;
	[tilespmem:$0x18200] =	vst v63  }
0x40: {  	s12 =	simm.s32 $0x3A00  }
0x41: {  	[tilespmem:s12], [sflag:$0x1] =	stream.indirect_vreg.gather [hbm4b:s7+s3], $0x80, v3, vm0, $0xb8;
	[tilespmem:$0x18200] =	vst v63  }
0x42: {  	v3 =	vld [tilespmem:$0x10];
	_ =	sdelay $0x4  }
0x43: {  	v33 =	vshll.u32 v3, $0x3  }
0x44: {  	v3 =	vand.u32 $0x7, v3;
	v4 =	vand.u32 $0xFFFFFFC0, v33  }
0x45: {  	v3 =	vor.u32 v3, v4  }
0x46: {  	v4 =	vperm.xlane v3, v0;
	_ =	sdelay $0x1  }
0x47: {  	v4 =	vadd.s32 v1, v4;
	_ =	sdelay $0x3  }
0x48: {  	s13 =	simm.s32 $0x4200  }
0x49: {  	[tilespmem:s13], [sflag:$0x1] =	stream.indirect_vreg.gather [hbm4b:s0+s3], $0x80, v4, vm0, $0xb8;
	[tilespmem:$0x18200] =	vst v63  }
0x4a: {  	s14 =	simm.s32 $0x4A00;
	v3 =	vperm.xlane v3, v2  }
0x4b: {  	[tilespmem:s14], [sflag:$0x1] =	stream.indirect_vreg.gather [hbm4b:s5+s3], $0x80, v4, vm0, $0xb8;
	[tilespmem:$0x18200] =	vst v63  }
0x4c: {  	s18 =	simm.s32 $0x5200;
	v3 =	vadd.s32 v1, v3  }
0x4d: {  	[tilespmem:s18], [sflag:$0x1] =	stream.indirect_vreg.gather [hbm4b:s6+s3], $0x80, v4, vm0, $0xb8;
	[tilespmem:$0x18200] =	vst v63  }
0x4e: {  	s19 =	simm.s32 $0x5A00  }
0x4f: {  	[tilespmem:s19], [sflag:$0x1] =	stream.indirect_vreg.gather [hbm4b:s7+s3], $0x80, v4, vm0, $0xb8;
	[tilespmem:$0x18200] =	vst v63  }
0x50: {  	s20 =	simm.s32 $0x6200  }
0x51: {  	[tilespmem:s20], [sflag:$0x1] =	stream.indirect_vreg.gather [hbm4b:s0+s3], $0x80, v3, vm0, $0xb8;
	[tilespmem:$0x18200] =	vst v63  }
0x52: {  	s21 =	simm.s32 $0x6A00  }
0x53: {  	[tilespmem:s21], [sflag:$0x1] =	stream.indirect_vreg.gather [hbm4b:s5+s3], $0x80, v3, vm0, $0xb8;
	[tilespmem:$0x18200] =	vst v63  }
0x54: {  	s22 =	simm.s32 $0x7200  }
0x55: {  	[tilespmem:s22], [sflag:$0x1] =	stream.indirect_vreg.gather [hbm4b:s6+s3], $0x80, v3, vm0, $0xb8;
	[tilespmem:$0x18200] =	vst v63  }
0x56: {  	s9 =	simm.s32 $0x7A00  }
0x57: {  	[tilespmem:s9], [sflag:$0x1] =	stream.indirect_vreg.gather [hbm4b:s7+s3], $0x80, v3, vm0, $0xb8;
	[tilespmem:$0x18200] =	vst v63  }
0x58: {  	v3 =	vld [tilespmem:$0x20];
	_ =	sdelay $0x4  }
0x59: {  	v34 =	vshll.u32 v3, $0x3  }
0x5a: {  	v3 =	vand.u32 $0x7, v3;
	v4 =	vand.u32 $0xFFFFFFC0, v34  }
0x5b: {  	v3 =	vor.u32 v3, v4  }
0x5c: {  	v4 =	vperm.xlane v3, v0;
	_ =	sdelay $0x1  }
0x5d: {  	v4 =	vadd.s32 v1, v4;
	_ =	sdelay $0x3  }
0x5e: {  	s13 =	simm.s32 $0x8200  }
0x5f: {  	[tilespmem:s13], [sflag:$0x2] =	stream.indirect_vreg.gather [hbm4b:s0+s3], $0x80, v4, vm0, $0xb8;
	[tilespmem:$0x18200] =	vst v63  }
0x60: {  	s12 =	simm.s32 $0x8A00;
	v3 =	vperm.xlane v3, v2  }
0x61: {  	[tilespmem:s12], [sflag:$0x2] =	stream.indirect_vreg.gather [hbm4b:s5+s3], $0x80, v4, vm0, $0xb8;
	[tilespmem:$0x18200] =	vst v63  }
0x62: {  	s11 =	simm.s32 $0x9200;
	v3 =	vadd.s32 v1, v3  }
0x63: {  	[tilespmem:s11], [sflag:$0x2] =	stream.indirect_vreg.gather [hbm4b:s6+s3], $0x80, v4, vm0, $0xb8;
	[tilespmem:$0x18200] =	vst v63  }
0x64: {  	s12 =	simm.s32 $0x9A00  }
0x65: {  	[tilespmem:s12], [sflag:$0x2] =	stream.indirect_vreg.gather [hbm4b:s7+s3], $0x80, v4, vm0, $0xb8;
	[tilespmem:$0x18200] =	vst v63  }
0x66: {  	s11 =	simm.s32 $0xA200  }
0x67: {  	[tilespmem:s11], [sflag:$0x2] =	stream.indirect_vreg.gather [hbm4b:s0+s3], $0x80, v3, vm0, $0xb8;
	[tilespmem:$0x18200] =	vst v63  }
0x68: {  	s12 =	simm.s32 $0xAA00  }
0x69: {  	[tilespmem:s12], [sflag:$0x2] =	stream.indirect_vreg.gather [hbm4b:s5+s3], $0x80, v3, vm0, $0xb8;
	[tilespmem:$0x18200] =	vst v63  }
0x6a: {  	s11 =	simm.s32 $0xB200  }
0x6b: {  	[tilespmem:s11], [sflag:$0x2] =	stream.indirect_vreg.gather [hbm4b:s6+s3], $0x80, v3, vm0, $0xb8;
	[tilespmem:$0x18200] =	vst v63  }
0x6c: {  	s12 =	simm.s32 $0xBA00  }
0x6d: {  	[tilespmem:s12], [sflag:$0x2] =	stream.indirect_vreg.gather [hbm4b:s7+s3], $0x80, v3, vm0, $0xb8;
	[tilespmem:$0x18200] =	vst v63  }
0x6e: {  	v3 =	vld [tilespmem:$0x30];
	_ =	sdelay $0x4  }
0x6f: {  	v35 =	vshll.u32 v3, $0x3  }
0x70: {  	v3 =	vand.u32 $0x7, v3;
	v4 =	vand.u32 $0xFFFFFFC0, v35  }
0x71: {  	v3 =	vor.u32 v3, v4  }
0x72: {  	v4 =	vperm.xlane v3, v0;
	_ =	sdelay $0x1  }
0x73: {  	v4 =	vadd.s32 v1, v4;
	_ =	sdelay $0x3  }
0x74: {  	s11 =	simm.s32 $0xC200  }
0x75: {  	[tilespmem:s11], [sflag:$0x2] =	stream.indirect_vreg.gather [hbm4b:s0+s3], $0x80, v4, vm0, $0xb8;
	[tilespmem:$0x18200] =	vst v63  }
0x76: {  	s12 =	simm.s32 $0xCA00;
	v3 =	vperm.xlane v3, v2  }
0x77: {  	[tilespmem:s12], [sflag:$0x2] =	stream.indirect_vreg.gather [hbm4b:s5+s3], $0x80, v4, vm0, $0xb8;
	[tilespmem:$0x18200] =	vst v63  }
0x78: {  	v3 =	vadd.s32 v1, v3;
	s11 =	simm.s32 $0xD200  }
0x79: {  	[tilespmem:s11], [sflag:$0x2] =	stream.indirect_vreg.gather [hbm4b:s6+s3], $0x80, v4, vm0, $0xb8;
	[tilespmem:$0x18200] =	vst v63  }
0x7a: {  	s12 =	simm.s32 $0xDA00  }
0x7b: {  	[tilespmem:s12], [sflag:$0x2] =	stream.indirect_vreg.gather [hbm4b:s7+s3], $0x80, v4, vm0, $0xb8;
	[tilespmem:$0x18200] =	vst v63  }
0x7c: {  	s11 =	simm.s32 $0xE200  }
0x7d: {  	[tilespmem:s11], [sflag:$0x2] =	stream.indirect_vreg.gather [hbm4b:s0+s3], $0x80, v3, vm0, $0xb8;
	[tilespmem:$0x18200] =	vst v63  }
0x7e: {  	s12 =	simm.s32 $0xEA00  }
0x7f: {  	[tilespmem:s12], [sflag:$0x2] =	stream.indirect_vreg.gather [hbm4b:s5+s3], $0x80, v3, vm0, $0xb8;
	[tilespmem:$0x18200] =	vst v63  }
0x80: {  	s11 =	simm.s32 $0xF200  }
0x81: {  	[tilespmem:s11], [sflag:$0x2] =	stream.indirect_vreg.gather [hbm4b:s6+s3], $0x80, v3, vm0, $0xb8;
	[tilespmem:$0x18200] =	vst v63  }
0x82: {  	s12 =	simm.s32 $0xFA00  }
0x83: {  	[tilespmem:s12], [sflag:$0x2] =	stream.indirect_vreg.gather [hbm4b:s7+s3], $0x80, v3, vm0, $0xb8;
	[tilespmem:$0x18200] =	vst v63  }
0x84: {  	v3 =	vld [tilespmem:$0x40];
	_ =	sdelay $0x4  }
0x85: {  	v36 =	vshll.u32 v3, $0x3  }
0x86: {  	v3 =	vand.u32 $0x7, v3;
	v4 =	vand.u32 $0xFFFFFFC0, v36  }
0x87: {  	v3 =	vor.u32 v3, v4  }
0x88: {  	v4 =	vperm.xlane v3, v0;
	_ =	sdelay $0x1  }
0x89: {  	v4 =	vadd.s32 v1, v4;
	_ =	sdelay $0x3  }
0x8a: {  	s12 =	simm.s32 $0x10200  }
0x8b: {  	[tilespmem:s12], [sflag:$0x3] =	stream.indirect_vreg.gather [hbm4b:s0+s3], $0x80, v4, vm0, $0xb8;
	[tilespmem:$0x18200] =	vst v63  }
0x8c: {  	s9 =	simm.s32 $0x10A00;
	v3 =	vperm.xlane v3, v2  }
0x8d: {  	[tilespmem:s9], [sflag:$0x3] =	stream.indirect_vreg.gather [hbm4b:s5+s3], $0x80, v4, vm0, $0xb8;
	[tilespmem:$0x18200] =	vst v63  }
0x8e: {  	v3 =	vadd.s32 v1, v3;
	s9 =	simm.s32 $0x11200  }
0x8f: {  	[tilespmem:s9], [sflag:$0x3] =	stream.indirect_vreg.gather [hbm4b:s6+s3], $0x80, v4, vm0, $0xb8;
	[tilespmem:$0x18200] =	vst v63  }
0x90: {  	s9 =	simm.s32 $0x11A00  }
0x91: {  	[tilespmem:s9], [sflag:$0x3] =	stream.indirect_vreg.gather [hbm4b:s7+s3], $0x80, v4, vm0, $0xb8;
	[tilespmem:$0x18200] =	vst v63  }
0x92: {  	s9 =	simm.s32 $0x12200  }
0x93: {  	[tilespmem:s9], [sflag:$0x3] =	stream.indirect_vreg.gather [hbm4b:s0+s3], $0x80, v3, vm0, $0xb8;
	[tilespmem:$0x18200] =	vst v63  }
0x94: {  	s9 =	simm.s32 $0x12A00  }
0x95: {  	[tilespmem:s9], [sflag:$0x3] =	stream.indirect_vreg.gather [hbm4b:s5+s3], $0x80, v3, vm0, $0xb8;
	[tilespmem:$0x18200] =	vst v63  }
0x96: {  	s9 =	simm.s32 $0x13200  }
0x97: {  	[tilespmem:s9], [sflag:$0x3] =	stream.indirect_vreg.gather [hbm4b:s6+s3], $0x80, v3, vm0, $0xb8;
	[tilespmem:$0x18200] =	vst v63  }
0x98: {  	s9 =	simm.s32 $0x13A00  }
0x99: {  	[tilespmem:s9], [sflag:$0x3] =	stream.indirect_vreg.gather [hbm4b:s7+s3], $0x80, v3, vm0, $0xb8;
	[tilespmem:$0x18200] =	vst v63  }
0x9a: {  	v3 =	vld [tilespmem:$0x50];
	_ =	sdelay $0x4  }
0x9b: {  	v37 =	vshll.u32 v3, $0x3  }
0x9c: {  	v3 =	vand.u32 $0x7, v3;
	v4 =	vand.u32 $0xFFFFFFC0, v37  }
0x9d: {  	v3 =	vor.u32 v3, v4  }
0x9e: {  	v4 =	vperm.xlane v3, v0;
	_ =	sdelay $0x1  }
0x9f: {  	v4 =	vadd.s32 v1, v4;
	_ =	sdelay $0x3  }
0xa0: {  	s9 =	simm.s32 $0x14200  }
0xa1: {  	[tilespmem:s9], [sflag:$0x3] =	stream.indirect_vreg.gather [hbm4b:s0+s3], $0x80, v4, vm0, $0xb8;
	[tilespmem:$0x18200] =	vst v63  }
0xa2: {  	v3 =	vperm.xlane v3, v2;
	s9 =	simm.s32 $0x14A00  }
0xa3: {  	[tilespmem:s9], [sflag:$0x3] =	stream.indirect_vreg.gather [hbm4b:s5+s3], $0x80, v4, vm0, $0xb8;
	[tilespmem:$0x18200] =	vst v63  }
0xa4: {  	v3 =	vadd.s32 v1, v3;
	s9 =	simm.s32 $0x15200  }
0xa5: {  	[tilespmem:s9], [sflag:$0x3] =	stream.indirect_vreg.gather [hbm4b:s6+s3], $0x80, v4, vm0, $0xb8;
	[tilespmem:$0x18200] =	vst v63  }
0xa6: {  	s9 =	simm.s32 $0x15A00  }
0xa7: {  	[tilespmem:s9], [sflag:$0x3] =	stream.indirect_vreg.gather [hbm4b:s7+s3], $0x80, v4, vm0, $0xb8;
	[tilespmem:$0x18200] =	vst v63  }
0xa8: {  	s9 =	simm.s32 $0x16200  }
0xa9: {  	[tilespmem:s9], [sflag:$0x3] =	stream.indirect_vreg.gather [hbm4b:s0+s3], $0x80, v3, vm0, $0xb8;
	[tilespmem:$0x18200] =	vst v63  }
0xaa: {  	s9 =	simm.s32 $0x16A00  }
0xab: {  	[tilespmem:s9], [sflag:$0x3] =	stream.indirect_vreg.gather [hbm4b:s5+s3], $0x80, v3, vm0, $0xb8;
	[tilespmem:$0x18200] =	vst v63  }
0xac: {  	s9 =	simm.s32 $0x17200  }
0xad: {  	[tilespmem:s9], [sflag:$0x3] =	stream.indirect_vreg.gather [hbm4b:s6+s3], $0x80, v3, vm0, $0xb8;
	[tilespmem:$0x18200] =	vst v63  }
0xae: {  	s9 =	simm.s32 $0x17A00  }
0xaf: {  	[tilespmem:s9], [sflag:$0x3] =	stream.indirect_vreg.gather [hbm4b:s7+s3], $0x80, v3, vm0, $0xb8;
	[tilespmem:$0x18200] =	vst v63  }
0xb0: {  	_ =	swait.ge [sflag:s29], $0x8000  }
0xb1: {  	[sflag:s29] =	ssyncset.done $0x0  }
0xb2: {  	s9 =	rddreg [dreg:$0x1d];
	[sflag:s29] =	ssyncadd.s32 $0xFFFF8000  }
0xb3: {  	[hbm4b:s9+s3] =	stream.linear.scatter [tilespmem:s8], [sflag:$0x4], $0x8000, $0x38;
	[tilespmem:$0x18200] =	vst v63  }
0xb4: {  	_ =	swait.ge [sflag:s30], $0x8000  }
0xb5: {  	[sflag:s30] =	ssyncset.done $0x0  }
0xb6: {  	[sflag:s30] =	ssyncadd.s32 $0xFFFF8000  }
0xb7: {  	v3 =	vld [tilespmem:$0x60];
	_ =	sdelay $0x4  }
0xb8: {  	v38 =	vshll.u32 v3, $0x3  }
0xb9: {  	v3 =	vand.u32 $0x7, v3;
	v4 =	vand.u32 $0xFFFFFFC0, v38  }
0xba: {  	v3 =	vor.u32 v3, v4  }
0xbb: {  	v4 =	vperm.xlane v3, v0;
	_ =	sdelay $0x1  }
0xbc: {  	v4 =	vadd.s32 v1, v4;
	_ =	sdelay $0x4  }
0xbd: {  	[tilespmem:s8], [sflag:$0x1] =	stream.indirect_vreg.gather [hbm4b:s0+s3], $0x80, v4, vm0, $0xb8;
	[tilespmem:$0x18200] =	vst v63  }
0xbe: {  	s26 =	simm.s32 $0xA00;
	v3 =	vperm.xlane v3, v2  }
0xbf: {  	[tilespmem:s26], [sflag:$0x1] =	stream.indirect_vreg.gather [hbm4b:s5+s3], $0x80, v4, vm0, $0xb8;
	[tilespmem:$0x18200] =	vst v63  }
0xc0: {  	s23 =	simm.s32 $0x1200;
	v3 =	vadd.s32 v1, v3  }
0xc1: {  	[tilespmem:s23], [sflag:$0x1] =	stream.indirect_vreg.gather [hbm4b:s6+s3], $0x80, v4, vm0, $0xb8;
	[tilespmem:$0x18200] =	vst v63  }
0xc2: {  	s28 =	simm.s32 $0x1A00  }
0xc3: {  	[tilespmem:s28], [sflag:$0x1] =	stream.indirect_vreg.gather [hbm4b:s7+s3], $0x80, v4, vm0, $0xb8;
	[tilespmem:$0x18200] =	vst v63  }
0xc4: {  	s15 =	simm.s32 $0x2200  }
0xc5: {  	[tilespmem:s15], [sflag:$0x1] =	stream.indirect_vreg.gather [hbm4b:s0+s3], $0x80, v3, vm0, $0xb8;
	[tilespmem:$0x18200] =	vst v63  }
0xc6: {  	s16 =	simm.s32 $0x2A00  }
0xc7: {  	[tilespmem:s16], [sflag:$0x1] =	stream.indirect_vreg.gather [hbm4b:s5+s3], $0x80, v3, vm0, $0xb8;
	[tilespmem:$0x18200] =	vst v63  }
0xc8: {  	s17 =	simm.s32 $0x3200  }
0xc9: {  	[tilespmem:s17], [sflag:$0x1] =	stream.indirect_vreg.gather [hbm4b:s6+s3], $0x80, v3, vm0, $0xb8;
	[tilespmem:$0x18200] =	vst v63  }
0xca: {  	s24 =	simm.s32 $0x3A00  }
0xcb: {  	[tilespmem:s24], [sflag:$0x1] =	stream.indirect_vreg.gather [hbm4b:s7+s3], $0x80, v3, vm0, $0xb8;
	[tilespmem:$0x18200] =	vst v63  }
0xcc: {  	v3 =	vld [tilespmem:$0x70];
	_ =	sdelay $0x4  }
0xcd: {  	v39 =	vshll.u32 v3, $0x3  }
0xce: {  	v3 =	vand.u32 $0x7, v3;
	v4 =	vand.u32 $0xFFFFFFC0, v39  }
0xcf: {  	v3 =	vor.u32 v3, v4  }
0xd0: {  	v4 =	vperm.xlane v3, v0;
	_ =	sdelay $0x1  }
0xd1: {  	v4 =	vadd.s32 v1, v4;
	_ =	sdelay $0x3  }
0xd2: {  	s25 =	simm.s32 $0x4200  }
0xd3: {  	[tilespmem:s25], [sflag:$0x1] =	stream.indirect_vreg.gather [hbm4b:s0+s3], $0x80, v4, vm0, $0xb8;
	[tilespmem:$0x18200] =	vst v63  }
0xd4: {  	s10 =	simm.s32 $0x4A00;
	v3 =	vperm.xlane v3, v2  }
0xd5: {  	[tilespmem:s10], [sflag:$0x1] =	stream.indirect_vreg.gather [hbm4b:s5+s3], $0x80, v4, vm0, $0xb8;
	[tilespmem:$0x18200] =	vst v63  }
0xd6: {  	s18 =	simm.s32 $0x5200;
	v3 =	vadd.s32 v1, v3  }
0xd7: {  	[tilespmem:s18], [sflag:$0x1] =	stream.indirect_vreg.gather [hbm4b:s6+s3], $0x80, v4, vm0, $0xb8;
	[tilespmem:$0x18200] =	vst v63  }
0xd8: {  	s19 =	simm.s32 $0x5A00  }
0xd9: {  	[tilespmem:s19], [sflag:$0x1] =	stream.indirect_vreg.gather [hbm4b:s7+s3], $0x80, v4, vm0, $0xb8;
	[tilespmem:$0x18200] =	vst v63  }
0xda: {  	s20 =	simm.s32 $0x6200  }
0xdb: {  	[tilespmem:s20], [sflag:$0x1] =	stream.indirect_vreg.gather [hbm4b:s0+s3], $0x80, v3, vm0, $0xb8;
	[tilespmem:$0x18200] =	vst v63  }
0xdc: {  	s21 =	simm.s32 $0x6A00  }
0xdd: {  	[tilespmem:s21], [sflag:$0x1] =	stream.indirect_vreg.gather [hbm4b:s5+s3], $0x80, v3, vm0, $0xb8;
	[tilespmem:$0x18200] =	vst v63  }
0xde: {  	s22 =	simm.s32 $0x7200  }
0xdf: {  	[tilespmem:s22], [sflag:$0x1] =	stream.indirect_vreg.gather [hbm4b:s6+s3], $0x80, v3, vm0, $0xb8;
	[tilespmem:$0x18200] =	vst v63  }
0xe0: {  	s14 =	simm.s32 $0x7A00  }
0xe1: {  	[tilespmem:s14], [sflag:$0x1] =	stream.indirect_vreg.gather [hbm4b:s7+s3], $0x80, v3, vm0, $0xb8;
	[tilespmem:$0x18200] =	vst v63  }
0xe2: {  	_ =	swait.ge [sflag:s31], $0x8000  }
0xe3: {  	[sflag:s31] =	ssyncset.done $0x0  }
0xe4: {  	s26 =	rddreg [dreg:$0xd];
	[sflag:s31] =	ssyncadd.s32 $0xFFFF8000  }
0xe5: {  	[hbm4b:s26+s3] =	stream.linear.scatter [tilespmem:s13], [sflag:$0x5], $0x8000, $0x38;
	[tilespmem:$0x18200] =	vst v63  }
0xe6: {  	_ =	swait.ge [sflag:s1], $0x8000  }
0xe7: {  	[sflag:s1] =	ssyncset.done $0x0  }
0xe8: {  	[sflag:s1] =	ssyncadd.s32 $0xFFFF8000  }
0xe9: {  	v3 =	vld [tilespmem:$0x80];
	_ =	sdelay $0x4  }
0xea: {  	v40 =	vshll.u32 v3, $0x3  }
0xeb: {  	v3 =	vand.u32 $0x7, v3;
	v4 =	vand.u32 $0xFFFFFFC0, v40  }
0xec: {  	v3 =	vor.u32 v3, v4  }
0xed: {  	v4 =	vperm.xlane v3, v0;
	_ =	sdelay $0x1  }
0xee: {  	v4 =	vadd.s32 v1, v4;
	_ =	sdelay $0x4  }
0xef: {  	[tilespmem:s13], [sflag:$0x2] =	stream.indirect_vreg.gather [hbm4b:s0+s3], $0x80, v4, vm0, $0xb8;
	[tilespmem:$0x18200] =	vst v63  }
0xf0: {  	s24 =	simm.s32 $0x8A00;
	v3 =	vperm.xlane v3, v2  }
0xf1: {  	[tilespmem:s24], [sflag:$0x2] =	stream.indirect_vreg.gather [hbm4b:s5+s3], $0x80, v4, vm0, $0xb8;
	[tilespmem:$0x18200] =	vst v63  }
0xf2: {  	s15 =	simm.s32 $0x9200;
	v3 =	vadd.s32 v1, v3  }
0xf3: {  	[tilespmem:s15], [sflag:$0x2] =	stream.indirect_vreg.gather [hbm4b:s6+s3], $0x80, v4, vm0, $0xb8;
	[tilespmem:$0x18200] =	vst v63  }
0xf4: {  	s16 =	simm.s32 $0x9A00  }
0xf5: {  	[tilespmem:s16], [sflag:$0x2] =	stream.indirect_vreg.gather [hbm4b:s7+s3], $0x80, v4, vm0, $0xb8;
	[tilespmem:$0x18200] =	vst v63  }
0xf6: {  	s17 =	simm.s32 $0xA200  }
0xf7: {  	[tilespmem:s17], [sflag:$0x2] =	stream.indirect_vreg.gather [hbm4b:s0+s3], $0x80, v3, vm0, $0xb8;
	[tilespmem:$0x18200] =	vst v63  }
0xf8: {  	s18 =	simm.s32 $0xAA00  }
0xf9: {  	[tilespmem:s18], [sflag:$0x2] =	stream.indirect_vreg.gather [hbm4b:s5+s3], $0x80, v3, vm0, $0xb8;
	[tilespmem:$0x18200] =	vst v63  }
0xfa: {  	s19 =	simm.s32 $0xB200  }
0xfb: {  	[tilespmem:s19], [sflag:$0x2] =	stream.indirect_vreg.gather [hbm4b:s6+s3], $0x80, v3, vm0, $0xb8;
	[tilespmem:$0x18200] =	vst v63  }
0xfc: {  	s25 =	simm.s32 $0xBA00  }
0xfd: {  	[tilespmem:s25], [sflag:$0x2] =	stream.indirect_vreg.gather [hbm4b:s7+s3], $0x80, v3, vm0, $0xb8;
	[tilespmem:$0x18200] =	vst v63  }
0xfe: {  	v3 =	vld [tilespmem:$0x90];
	_ =	sdelay $0x4  }
0xff: {  	v41 =	vshll.u32 v3, $0x3  }
0x100: {  	v3 =	vand.u32 $0x7, v3;
	v4 =	vand.u32 $0xFFFFFFC0, v41  }
0x101: {  	v3 =	vor.u32 v3, v4  }
0x102: {  	v4 =	vperm.xlane v3, v0;
	_ =	sdelay $0x1  }
0x103: {  	v4 =	vadd.s32 v1, v4;
	_ =	sdelay $0x3  }
0x104: {  	s10 =	simm.s32 $0xC200  }
0x105: {  	[tilespmem:s10], [sflag:$0x2] =	stream.indirect_vreg.gather [hbm4b:s0+s3], $0x80, v4, vm0, $0xb8;
	[tilespmem:$0x18200] =	vst v63  }
0x106: {  	s9 =	simm.s32 $0xCA00;
	v3 =	vperm.xlane v3, v2  }
0x107: {  	[tilespmem:s9], [sflag:$0x2] =	stream.indirect_vreg.gather [hbm4b:s5+s3], $0x80, v4, vm0, $0xb8;
	[tilespmem:$0x18200] =	vst v63  }
0x108: {  	s20 =	simm.s32 $0xD200;
	v3 =	vadd.s32 v1, v3  }
0x109: {  	[tilespmem:s20], [sflag:$0x2] =	stream.indirect_vreg.gather [hbm4b:s6+s3], $0x80, v4, vm0, $0xb8;
	[tilespmem:$0x18200] =	vst v63  }
0x10a: {  	s21 =	simm.s32 $0xDA00  }
0x10b: {  	[tilespmem:s21], [sflag:$0x2] =	stream.indirect_vreg.gather [hbm4b:s7+s3], $0x80, v4, vm0, $0xb8;
	[tilespmem:$0x18200] =	vst v63  }
0x10c: {  	s22 =	simm.s32 $0xE200  }
0x10d: {  	[tilespmem:s22], [sflag:$0x2] =	stream.indirect_vreg.gather [hbm4b:s0+s3], $0x80, v3, vm0, $0xb8;
	[tilespmem:$0x18200] =	vst v63  }
0x10e: {  	s23 =	simm.s32 $0xEA00  }
0x10f: {  	[tilespmem:s23], [sflag:$0x2] =	stream.indirect_vreg.gather [hbm4b:s5+s3], $0x80, v3, vm0, $0xb8;
	[tilespmem:$0x18200] =	vst v63  }
0x110: {  	s26 =	simm.s32 $0xF200  }
0x111: {  	[tilespmem:s26], [sflag:$0x2] =	stream.indirect_vreg.gather [hbm4b:s6+s3], $0x80, v3, vm0, $0xb8;
	[tilespmem:$0x18200] =	vst v63  }
0x112: {  	s11 =	simm.s32 $0xFA00  }
0x113: {  	[tilespmem:s11], [sflag:$0x2] =	stream.indirect_vreg.gather [hbm4b:s7+s3], $0x80, v3, vm0, $0xb8;
	[tilespmem:$0x18200] =	vst v63  }
0x114: {  	_ =	swait.ge [sflag:s2], $0x8000  }
0x115: {  	[sflag:s2] =	ssyncset.done $0x0  }
0x116: {  	s11 =	rddreg [dreg:$0xe];
	[sflag:s2] =	ssyncadd.s32 $0xFFFF8000  }
0x117: {  	[hbm4b:s11+s3] =	stream.linear.scatter [tilespmem:s12], [sflag:$0x6], $0x8000, $0x38;
	[tilespmem:$0x18200] =	vst v63  }
0x118: {  	_ =	swait.ge [sflag:s4], $0x8000  }
0x119: {  	[sflag:s4] =	ssyncset.done $0x0  }
0x11a: {  	[sflag:s4] =	ssyncadd.s32 $0xFFFF8000  }
0x11b: {  	v3 =	vld [tilespmem:$0xA0];
	_ =	sdelay $0x4  }
0x11c: {  	v42 =	vshll.u32 v3, $0x3  }
0x11d: {  	v3 =	vand.u32 $0x7, v3;
	v4 =	vand.u32 $0xFFFFFFC0, v42  }
0x11e: {  	v3 =	vor.u32 v3, v4  }
0x11f: {  	v4 =	vperm.xlane v3, v0;
	_ =	sdelay $0x1  }
0x120: {  	v4 =	vadd.s32 v1, v4;
	_ =	sdelay $0x4  }
0x121: {  	[tilespmem:s12], [sflag:$0x3] =	stream.indirect_vreg.gather [hbm4b:s0+s3], $0x80, v4, vm0, $0xb8;
	[tilespmem:$0x18200] =	vst v63  }
0x122: {  	s11 =	simm.s32 $0x10A00;
	v3 =	vperm.xlane v3, v2  }
0x123: {  	[tilespmem:s11], [sflag:$0x3] =	stream.indirect_vreg.gather [hbm4b:s5+s3], $0x80, v4, vm0, $0xb8;
	[tilespmem:$0x18200] =	vst v63  }
0x124: {  	v3 =	vadd.s32 v1, v3;
	s11 =	simm.s32 $0x11200  }
0x125: {  	[tilespmem:s11], [sflag:$0x3] =	stream.indirect_vreg.gather [hbm4b:s6+s3], $0x80, v4, vm0, $0xb8;
	[tilespmem:$0x18200] =	vst v63  }
0x126: {  	s11 =	simm.s32 $0x11A00  }
0x127: {  	[tilespmem:s11], [sflag:$0x3] =	stream.indirect_vreg.gather [hbm4b:s7+s3], $0x80, v4, vm0, $0xb8;
	[tilespmem:$0x18200] =	vst v63  }
0x128: {  	s11 =	simm.s32 $0x12200  }
0x129: {  	[tilespmem:s11], [sflag:$0x3] =	stream.indirect_vreg.gather [hbm4b:s0+s3], $0x80, v3, vm0, $0xb8;
	[tilespmem:$0x18200] =	vst v63  }
0x12a: {  	s11 =	simm.s32 $0x12A00  }
0x12b: {  	[tilespmem:s11], [sflag:$0x3] =	stream.indirect_vreg.gather [hbm4b:s5+s3], $0x80, v3, vm0, $0xb8;
	[tilespmem:$0x18200] =	vst v63  }
0x12c: {  	s11 =	simm.s32 $0x13200  }
0x12d: {  	[tilespmem:s11], [sflag:$0x3] =	stream.indirect_vreg.gather [hbm4b:s6+s3], $0x80, v3, vm0, $0xb8;
	[tilespmem:$0x18200] =	vst v63  }
0x12e: {  	s11 =	simm.s32 $0x13A00  }
0x12f: {  	[tilespmem:s11], [sflag:$0x3] =	stream.indirect_vreg.gather [hbm4b:s7+s3], $0x80, v3, vm0, $0xb8;
	[tilespmem:$0x18200] =	vst v63  }
0x130: {  	v3 =	vld [tilespmem:$0xB0];
	_ =	sdelay $0x4  }
0x131: {  	v43 =	vshll.u32 v3, $0x3  }
0x132: {  	v3 =	vand.u32 $0x7, v3;
	v4 =	vand.u32 $0xFFFFFFC0, v43  }
0x133: {  	v3 =	vor.u32 v3, v4  }
0x134: {  	v4 =	vperm.xlane v3, v0;
	_ =	sdelay $0x1  }
0x135: {  	v4 =	vadd.s32 v1, v4;
	_ =	sdelay $0x3  }
0x136: {  	s11 =	simm.s32 $0x14200  }
0x137: {  	[tilespmem:s11], [sflag:$0x3] =	stream.indirect_vreg.gather [hbm4b:s0+s3], $0x80, v4, vm0, $0xb8;
	[tilespmem:$0x18200] =	vst v63  }
0x138: {  	v3 =	vperm.xlane v3, v2;
	s11 =	simm.s32 $0x14A00  }
0x139: {  	[tilespmem:s11], [sflag:$0x3] =	stream.indirect_vreg.gather [hbm4b:s5+s3], $0x80, v4, vm0, $0xb8;
	[tilespmem:$0x18200] =	vst v63  }
0x13a: {  	v3 =	vadd.s32 v1, v3;
	s11 =	simm.s32 $0x15200  }
0x13b: {  	[tilespmem:s11], [sflag:$0x3] =	stream.indirect_vreg.gather [hbm4b:s6+s3], $0x80, v4, vm0, $0xb8;
	[tilespmem:$0x18200] =	vst v63  }
0x13c: {  	s11 =	simm.s32 $0x15A00  }
0x13d: {  	[tilespmem:s11], [sflag:$0x3] =	stream.indirect_vreg.gather [hbm4b:s7+s3], $0x80, v4, vm0, $0xb8;
	[tilespmem:$0x18200] =	vst v63  }
0x13e: {  	s11 =	simm.s32 $0x16200  }
0x13f: {  	[tilespmem:s11], [sflag:$0x3] =	stream.indirect_vreg.gather [hbm4b:s0+s3], $0x80, v3, vm0, $0xb8;
	[tilespmem:$0x18200] =	vst v63  }
0x140: {  	s11 =	simm.s32 $0x16A00  }
0x141: {  	[tilespmem:s11], [sflag:$0x3] =	stream.indirect_vreg.gather [hbm4b:s5+s3], $0x80, v3, vm0, $0xb8;
	[tilespmem:$0x18200] =	vst v63  }
0x142: {  	s11 =	simm.s32 $0x17200  }
0x143: {  	[tilespmem:s11], [sflag:$0x3] =	stream.indirect_vreg.gather [hbm4b:s6+s3], $0x80, v3, vm0, $0xb8;
	[tilespmem:$0x18200] =	vst v63  }
0x144: {  	s11 =	simm.s32 $0x17A00  }
0x145: {  	[tilespmem:s11], [sflag:$0x3] =	stream.indirect_vreg.gather [hbm4b:s7+s3], $0x80, v3, vm0, $0xb8;
	[tilespmem:$0x18200] =	vst v63  }
0x146: {  	_ =	swait.ge [sflag:s29], $0x8000  }
0x147: {  	[sflag:s29] =	ssyncset.done $0x0  }
0x148: {  	s11 =	rddreg [dreg:$0xf];
	[sflag:s29] =	ssyncadd.s32 $0xFFFF8000  }
0x149: {  	[hbm4b:s11+s3] =	stream.linear.scatter [tilespmem:s8], [sflag:$0x4], $0x8000, $0x38;
	[tilespmem:$0x18200] =	vst v63  }
0x14a: {  	_ =	swait.ge [sflag:s30], $0x8000  }
0x14b: {  	[sflag:s30] =	ssyncset.done $0x0  }
0x14c: {  	[sflag:s30] =	ssyncadd.s32 $0xFFFF8000  }
0x14d: {  	v3 =	vld [tilespmem:$0xC0];
	_ =	sdelay $0x4  }
0x14e: {  	v44 =	vshll.u32 v3, $0x3  }
0x14f: {  	v3 =	vand.u32 $0x7, v3;
	v4 =	vand.u32 $0xFFFFFFC0, v44  }
0x150: {  	v3 =	vor.u32 v3, v4  }
0x151: {  	v4 =	vperm.xlane v3, v0;
	_ =	sdelay $0x1  }
0x152: {  	v4 =	vadd.s32 v1, v4;
	_ =	sdelay $0x4  }
0x153: {  	[tilespmem:s8], [sflag:$0x1] =	stream.indirect_vreg.gather [hbm4b:s0+s3], $0x80, v4, vm0, $0xb8;
	[tilespmem:$0x18200] =	vst v63  }
0x154: {  	s11 =	simm.s32 $0xA00;
	v3 =	vperm.xlane v3, v2  }
0x155: {  	[tilespmem:s11], [sflag:$0x1] =	stream.indirect_vreg.gather [hbm4b:s5+s3], $0x80, v4, vm0, $0xb8;
	[tilespmem:$0x18200] =	vst v63  }
0x156: {  	v3 =	vadd.s32 v1, v3;
	s11 =	simm.s32 $0x1200  }
0x157: {  	[tilespmem:s11], [sflag:$0x1] =	stream.indirect_vreg.gather [hbm4b:s6+s3], $0x80, v4, vm0, $0xb8;
	[tilespmem:$0x18200] =	vst v63  }
0x158: {  	s28 =	simm.s32 $0x1A00  }
0x159: {  	[tilespmem:s28], [sflag:$0x1] =	stream.indirect_vreg.gather [hbm4b:s7+s3], $0x80, v4, vm0, $0xb8;
	[tilespmem:$0x18200] =	vst v63  }
0x15a: {  	s28 =	simm.s32 $0x2200  }
0x15b: {  	[tilespmem:s28], [sflag:$0x1] =	stream.indirect_vreg.gather [hbm4b:s0+s3], $0x80, v3, vm0, $0xb8;
	[tilespmem:$0x18200] =	vst v63  }
0x15c: {  	s28 =	simm.s32 $0x2A00  }
0x15d: {  	[tilespmem:s28], [sflag:$0x1] =	stream.indirect_vreg.gather [hbm4b:s5+s3], $0x80, v3, vm0, $0xb8;
	[tilespmem:$0x18200] =	vst v63  }
0x15e: {  	s28 =	simm.s32 $0x3200  }
0x15f: {  	[tilespmem:s28], [sflag:$0x1] =	stream.indirect_vreg.gather [hbm4b:s6+s3], $0x80, v3, vm0, $0xb8;
	[tilespmem:$0x18200] =	vst v63  }
0x160: {  	s28 =	simm.s32 $0x3A00  }
0x161: {  	[tilespmem:s28], [sflag:$0x1] =	stream.indirect_vreg.gather [hbm4b:s7+s3], $0x80, v3, vm0, $0xb8;
	[tilespmem:$0x18200] =	vst v63  }
0x162: {  	v3 =	vld [tilespmem:$0xD0];
	_ =	sdelay $0x4  }
0x163: {  	v45 =	vshll.u32 v3, $0x3  }
0x164: {  	v3 =	vand.u32 $0x7, v3;
	v4 =	vand.u32 $0xFFFFFFC0, v45  }
0x165: {  	v3 =	vor.u32 v3, v4  }
0x166: {  	v4 =	vperm.xlane v3, v0;
	_ =	sdelay $0x1  }
0x167: {  	v4 =	vadd.s32 v1, v4;
	_ =	sdelay $0x3  }
0x168: {  	s28 =	simm.s32 $0x4200  }
0x169: {  	[tilespmem:s28], [sflag:$0x1] =	stream.indirect_vreg.gather [hbm4b:s0+s3], $0x80, v4, vm0, $0xb8;
	[tilespmem:$0x18200] =	vst v63  }
0x16a: {  	s11 =	simm.s32 $0x4A00;
	v3 =	vperm.xlane v3, v2  }
0x16b: {  	[tilespmem:s11], [sflag:$0x1] =	stream.indirect_vreg.gather [hbm4b:s5+s3], $0x80, v4, vm0, $0xb8;
	[tilespmem:$0x18200] =	vst v63  }
0x16c: {  	v3 =	vadd.s32 v1, v3;
	s11 =	simm.s32 $0x5200  }
0x16d: {  	[tilespmem:s11], [sflag:$0x1] =	stream.indirect_vreg.gather [hbm4b:s6+s3], $0x80, v4, vm0, $0xb8;
	[tilespmem:$0x18200] =	vst v63  }
0x16e: {  	s11 =	simm.s32 $0x5A00  }
0x16f: {  	[tilespmem:s11], [sflag:$0x1] =	stream.indirect_vreg.gather [hbm4b:s7+s3], $0x80, v4, vm0, $0xb8;
	[tilespmem:$0x18200] =	vst v63  }
0x170: {  	s11 =	simm.s32 $0x6200  }
0x171: {  	[tilespmem:s11], [sflag:$0x1] =	stream.indirect_vreg.gather [hbm4b:s0+s3], $0x80, v3, vm0, $0xb8;
	[tilespmem:$0x18200] =	vst v63  }
0x172: {  	s11 =	simm.s32 $0x6A00  }
0x173: {  	[tilespmem:s11], [sflag:$0x1] =	stream.indirect_vreg.gather [hbm4b:s5+s3], $0x80, v3, vm0, $0xb8;
	[tilespmem:$0x18200] =	vst v63  }
0x174: {  	s11 =	simm.s32 $0x7200  }
0x175: {  	[tilespmem:s11], [sflag:$0x1] =	stream.indirect_vreg.gather [hbm4b:s6+s3], $0x80, v3, vm0, $0xb8;
	[tilespmem:$0x18200] =	vst v63  }
0x176: {  	s14 =	simm.s32 $0x7A00  }
0x177: {  	[tilespmem:s14], [sflag:$0x1] =	stream.indirect_vreg.gather [hbm4b:s7+s3], $0x80, v3, vm0, $0xb8;
	[tilespmem:$0x18200] =	vst v63  }
0x178: {  	_ =	swait.ge [sflag:s31], $0x8000  }
0x179: {  	[sflag:s31] =	ssyncset.done $0x0  }
0x17a: {  	s11 =	rddreg [dreg:$0x10];
	[sflag:s31] =	ssyncadd.s32 $0xFFFF8000  }
0x17b: {  	[hbm4b:s11+s3] =	stream.linear.scatter [tilespmem:s13], [sflag:$0x5], $0x8000, $0x38;
	[tilespmem:$0x18200] =	vst v63  }
0x17c: {  	_ =	swait.ge [sflag:s1], $0x8000  }
0x17d: {  	[sflag:s1] =	ssyncset.done $0x0  }
0x17e: {  	[sflag:s1] =	ssyncadd.s32 $0xFFFF8000  }
0x17f: {  	v3 =	vld [tilespmem:$0xE0];
	_ =	sdelay $0x4  }
0x180: {  	v46 =	vshll.u32 v3, $0x3  }
0x181: {  	v3 =	vand.u32 $0x7, v3;
	v4 =	vand.u32 $0xFFFFFFC0, v46  }
0x182: {  	v3 =	vor.u32 v3, v4  }
0x183: {  	v4 =	vperm.xlane v3, v0;
	_ =	sdelay $0x1  }
0x184: {  	v4 =	vadd.s32 v1, v4;
	_ =	sdelay $0x4  }
0x185: {  	[tilespmem:s13], [sflag:$0x2] =	stream.indirect_vreg.gather [hbm4b:s0+s3], $0x80, v4, vm0, $0xb8;
	[tilespmem:$0x18200] =	vst v63  }
0x186: {  	v3 =	vperm.xlane v3, v2  }
0x187: {  	[tilespmem:s24], [sflag:$0x2] =	stream.indirect_vreg.gather [hbm4b:s5+s3], $0x80, v4, vm0, $0xb8;
	[tilespmem:$0x18200] =	vst v63  }
0x188: {  	v3 =	vadd.s32 v1, v3  }
0x189: {  	[tilespmem:s15], [sflag:$0x2] =	stream.indirect_vreg.gather [hbm4b:s6+s3], $0x80, v4, vm0, $0xb8;
	[tilespmem:$0x18200] =	vst v63  }
0x18a: {  	_ = 	snop  }
0x18b: {  	[tilespmem:s16], [sflag:$0x2] =	stream.indirect_vreg.gather [hbm4b:s7+s3], $0x80, v4, vm0, $0xb8;
	[tilespmem:$0x18200] =	vst v63  }
0x18c: {  	_ = 	snop  }
0x18d: {  	[tilespmem:s17], [sflag:$0x2] =	stream.indirect_vreg.gather [hbm4b:s0+s3], $0x80, v3, vm0, $0xb8;
	[tilespmem:$0x18200] =	vst v63  }
0x18e: {  	_ = 	snop  }
0x18f: {  	[tilespmem:s18], [sflag:$0x2] =	stream.indirect_vreg.gather [hbm4b:s5+s3], $0x80, v3, vm0, $0xb8;
	[tilespmem:$0x18200] =	vst v63  }
0x190: {  	_ = 	snop  }
0x191: {  	[tilespmem:s19], [sflag:$0x2] =	stream.indirect_vreg.gather [hbm4b:s6+s3], $0x80, v3, vm0, $0xb8;
	[tilespmem:$0x18200] =	vst v63  }
0x192: {  	_ = 	snop  }
0x193: {  	[tilespmem:s25], [sflag:$0x2] =	stream.indirect_vreg.gather [hbm4b:s7+s3], $0x80, v3, vm0, $0xb8;
	[tilespmem:$0x18200] =	vst v63  }
0x194: {  	v3 =	vld [tilespmem:$0xF0];
	_ =	sdelay $0x4  }
0x195: {  	v47 =	vshll.u32 v3, $0x3  }
0x196: {  	v3 =	vand.u32 $0x7, v3;
	v4 =	vand.u32 $0xFFFFFFC0, v47  }
0x197: {  	v3 =	vor.u32 v3, v4  }
0x198: {  	v4 =	vperm.xlane v3, v0;
	_ =	sdelay $0x1  }
0x199: {  	v4 =	vadd.s32 v1, v4;
	_ =	sdelay $0x4  }
0x19a: {  	[tilespmem:s10], [sflag:$0x2] =	stream.indirect_vreg.gather [hbm4b:s0+s3], $0x80, v4, vm0, $0xb8;
	[tilespmem:$0x18200] =	vst v63  }
0x19b: {  	v3 =	vperm.xlane v3, v2  }
0x19c: {  	[tilespmem:s9], [sflag:$0x2] =	stream.indirect_vreg.gather [hbm4b:s5+s3], $0x80, v4, vm0, $0xb8;
	[tilespmem:$0x18200] =	vst v63  }
0x19d: {  	v3 =	vadd.s32 v1, v3  }
0x19e: {  	[tilespmem:s20], [sflag:$0x2] =	stream.indirect_vreg.gather [hbm4b:s6+s3], $0x80, v4, vm0, $0xb8;
	[tilespmem:$0x18200] =	vst v63  }
0x19f: {  	_ = 	snop  }
0x1a0: {  	[tilespmem:s21], [sflag:$0x2] =	stream.indirect_vreg.gather [hbm4b:s7+s3], $0x80, v4, vm0, $0xb8;
	[tilespmem:$0x18200] =	vst v63  }
0x1a1: {  	_ = 	snop  }
0x1a2: {  	[tilespmem:s22], [sflag:$0x2] =	stream.indirect_vreg.gather [hbm4b:s0+s3], $0x80, v3, vm0, $0xb8;
	[tilespmem:$0x18200] =	vst v63  }
0x1a3: {  	_ = 	snop  }
0x1a4: {  	[tilespmem:s23], [sflag:$0x2] =	stream.indirect_vreg.gather [hbm4b:s5+s3], $0x80, v3, vm0, $0xb8;
	[tilespmem:$0x18200] =	vst v63  }
0x1a5: {  	_ = 	snop  }
0x1a6: {  	[tilespmem:s26], [sflag:$0x2] =	stream.indirect_vreg.gather [hbm4b:s6+s3], $0x80, v3, vm0, $0xb8;
	[tilespmem:$0x18200] =	vst v63  }
0x1a7: {  	s20 =	simm.s32 $0xFA00  }
0x1a8: {  	[tilespmem:s20], [sflag:$0x2] =	stream.indirect_vreg.gather [hbm4b:s7+s3], $0x80, v3, vm0, $0xb8;
	[tilespmem:$0x18200] =	vst v63  }
0x1a9: {  	_ =	swait.ge [sflag:s2], $0x8000  }
0x1aa: {  	[sflag:s2] =	ssyncset.done $0x0  }
0x1ab: {  	s10 =	rddreg [dreg:$0x11];
	[sflag:s2] =	ssyncadd.s32 $0xFFFF8000  }
0x1ac: {  	[hbm4b:s10+s3] =	stream.linear.scatter [tilespmem:s12], [sflag:$0x6], $0x8000, $0x38;
	[tilespmem:$0x18200] =	vst v63  }
0x1ad: {  	_ =	swait.ge [sflag:s4], $0x8000  }
0x1ae: {  	[sflag:s4] =	ssyncset.done $0x0  }
0x1af: {  	[sflag:s4] =	ssyncadd.s32 $0xFFFF8000  }
0x1b0: {  	v3 =	vld [tilespmem:$0x100];
	_ =	sdelay $0x4  }
0x1b1: {  	v48 =	vshll.u32 v3, $0x3  }
0x1b2: {  	v3 =	vand.u32 $0x7, v3;
	v4 =	vand.u32 $0xFFFFFFC0, v48  }
0x1b3: {  	v3 =	vor.u32 v3, v4  }
0x1b4: {  	v4 =	vperm.xlane v3, v0;
	_ =	sdelay $0x1  }
0x1b5: {  	v4 =	vadd.s32 v1, v4;
	_ =	sdelay $0x4  }
0x1b6: {  	[tilespmem:s12], [sflag:$0x3] =	stream.indirect_vreg.gather [hbm4b:s0+s3], $0x80, v4, vm0, $0xb8;
	[tilespmem:$0x18200] =	vst v63  }
0x1b7: {  	s20 =	simm.s32 $0x10A00;
	v3 =	vperm.xlane v3, v2  }
0x1b8: {  	[tilespmem:s20], [sflag:$0x3] =	stream.indirect_vreg.gather [hbm4b:s5+s3], $0x80, v4, vm0, $0xb8;
	[tilespmem:$0x18200] =	vst v63  }
0x1b9: {  	s11 =	simm.s32 $0x11200;
	v3 =	vadd.s32 v1, v3  }
0x1ba: {  	[tilespmem:s11], [sflag:$0x3] =	stream.indirect_vreg.gather [hbm4b:s6+s3], $0x80, v4, vm0, $0xb8;
	[tilespmem:$0x18200] =	vst v63  }
0x1bb: {  	s20 =	simm.s32 $0x11A00  }
0x1bc: {  	[tilespmem:s20], [sflag:$0x3] =	stream.indirect_vreg.gather [hbm4b:s7+s3], $0x80, v4, vm0, $0xb8;
	[tilespmem:$0x18200] =	vst v63  }
0x1bd: {  	s11 =	simm.s32 $0x12200  }
0x1be: {  	[tilespmem:s11], [sflag:$0x3] =	stream.indirect_vreg.gather [hbm4b:s0+s3], $0x80, v3, vm0, $0xb8;
	[tilespmem:$0x18200] =	vst v63  }
0x1bf: {  	s20 =	simm.s32 $0x12A00  }
0x1c0: {  	[tilespmem:s20], [sflag:$0x3] =	stream.indirect_vreg.gather [hbm4b:s5+s3], $0x80, v3, vm0, $0xb8;
	[tilespmem:$0x18200] =	vst v63  }
0x1c1: {  	s11 =	simm.s32 $0x13200  }
0x1c2: {  	[tilespmem:s11], [sflag:$0x3] =	stream.indirect_vreg.gather [hbm4b:s6+s3], $0x80, v3, vm0, $0xb8;
	[tilespmem:$0x18200] =	vst v63  }
0x1c3: {  	s20 =	simm.s32 $0x13A00  }
0x1c4: {  	[tilespmem:s20], [sflag:$0x3] =	stream.indirect_vreg.gather [hbm4b:s7+s3], $0x80, v3, vm0, $0xb8;
	[tilespmem:$0x18200] =	vst v63  }
0x1c5: {  	v3 =	vld [tilespmem:$0x110];
	_ =	sdelay $0x4  }
0x1c6: {  	v49 =	vshll.u32 v3, $0x3  }
0x1c7: {  	v3 =	vand.u32 $0x7, v3;
	v4 =	vand.u32 $0xFFFFFFC0, v49  }
0x1c8: {  	v3 =	vor.u32 v3, v4  }
0x1c9: {  	v4 =	vperm.xlane v3, v0;
	_ =	sdelay $0x1  }
0x1ca: {  	v4 =	vadd.s32 v1, v4;
	_ =	sdelay $0x3  }
0x1cb: {  	s11 =	simm.s32 $0x14200  }
0x1cc: {  	[tilespmem:s11], [sflag:$0x3] =	stream.indirect_vreg.gather [hbm4b:s0+s3], $0x80, v4, vm0, $0xb8;
	[tilespmem:$0x18200] =	vst v63  }
0x1cd: {  	s20 =	simm.s32 $0x14A00;
	v3 =	vperm.xlane v3, v2  }
0x1ce: {  	[tilespmem:s20], [sflag:$0x3] =	stream.indirect_vreg.gather [hbm4b:s5+s3], $0x80, v4, vm0, $0xb8;
	[tilespmem:$0x18200] =	vst v63  }
0x1cf: {  	v3 =	vadd.s32 v1, v3;
	s11 =	simm.s32 $0x15200  }
0x1d0: {  	[tilespmem:s11], [sflag:$0x3] =	stream.indirect_vreg.gather [hbm4b:s6+s3], $0x80, v4, vm0, $0xb8;
	[tilespmem:$0x18200] =	vst v63  }
0x1d1: {  	s20 =	simm.s32 $0x15A00  }
0x1d2: {  	[tilespmem:s20], [sflag:$0x3] =	stream.indirect_vreg.gather [hbm4b:s7+s3], $0x80, v4, vm0, $0xb8;
	[tilespmem:$0x18200] =	vst v63  }
0x1d3: {  	s11 =	simm.s32 $0x16200  }
0x1d4: {  	[tilespmem:s11], [sflag:$0x3] =	stream.indirect_vreg.gather [hbm4b:s0+s3], $0x80, v3, vm0, $0xb8;
	[tilespmem:$0x18200] =	vst v63  }
0x1d5: {  	s20 =	simm.s32 $0x16A00  }
0x1d6: {  	[tilespmem:s20], [sflag:$0x3] =	stream.indirect_vreg.gather [hbm4b:s5+s3], $0x80, v3, vm0, $0xb8;
	[tilespmem:$0x18200] =	vst v63  }
0x1d7: {  	s11 =	simm.s32 $0x17200  }
0x1d8: {  	[tilespmem:s11], [sflag:$0x3] =	stream.indirect_vreg.gather [hbm4b:s6+s3], $0x80, v3, vm0, $0xb8;
	[tilespmem:$0x18200] =	vst v63  }
0x1d9: {  	s20 =	simm.s32 $0x17A00  }
0x1da: {  	[tilespmem:s20], [sflag:$0x3] =	stream.indirect_vreg.gather [hbm4b:s7+s3], $0x80, v3, vm0, $0xb8;
	[tilespmem:$0x18200] =	vst v63  }
0x1db: {  	_ =	swait.ge [sflag:s29], $0x8000  }
0x1dc: {  	[sflag:s29] =	ssyncset.done $0x0  }
0x1dd: {  	s10 =	rddreg [dreg:$0x12];
	[sflag:s29] =	ssyncadd.s32 $0xFFFF8000  }
0x1de: {  	[hbm4b:s10+s3] =	stream.linear.scatter [tilespmem:s8], [sflag:$0x4], $0x8000, $0x38;
	[tilespmem:$0x18200] =	vst v63  }
0x1df: {  	_ =	swait.ge [sflag:s30], $0x8000  }
0x1e0: {  	[sflag:s30] =	ssyncset.done $0x0  }
0x1e1: {  	[sflag:s30] =	ssyncadd.s32 $0xFFFF8000  }
0x1e2: {  	v3 =	vld [tilespmem:$0x120];
	_ =	sdelay $0x4  }
0x1e3: {  	v50 =	vshll.u32 v3, $0x3  }
0x1e4: {  	v3 =	vand.u32 $0x7, v3;
	v4 =	vand.u32 $0xFFFFFFC0, v50  }
0x1e5: {  	v3 =	vor.u32 v3, v4  }
0x1e6: {  	v4 =	vperm.xlane v3, v0;
	_ =	sdelay $0x1  }
0x1e7: {  	v4 =	vadd.s32 v1, v4;
	_ =	sdelay $0x4  }
0x1e8: {  	[tilespmem:s8], [sflag:$0x1] =	stream.indirect_vreg.gather [hbm4b:s0+s3], $0x80, v4, vm0, $0xb8;
	[tilespmem:$0x18200] =	vst v63  }
0x1e9: {  	s11 =	simm.s32 $0xA00;
	v3 =	vperm.xlane v3, v2  }
0x1ea: {  	[tilespmem:s11], [sflag:$0x1] =	stream.indirect_vreg.gather [hbm4b:s5+s3], $0x80, v4, vm0, $0xb8;
	[tilespmem:$0x18200] =	vst v63  }
0x1eb: {  	s20 =	simm.s32 $0x1200;
	v3 =	vadd.s32 v1, v3  }
0x1ec: {  	[tilespmem:s20], [sflag:$0x1] =	stream.indirect_vreg.gather [hbm4b:s6+s3], $0x80, v4, vm0, $0xb8;
	[tilespmem:$0x18200] =	vst v63  }
0x1ed: {  	s11 =	simm.s32 $0x1A00  }
0x1ee: {  	[tilespmem:s11], [sflag:$0x1] =	stream.indirect_vreg.gather [hbm4b:s7+s3], $0x80, v4, vm0, $0xb8;
	[tilespmem:$0x18200] =	vst v63  }
0x1ef: {  	s20 =	simm.s32 $0x2200  }
0x1f0: {  	[tilespmem:s20], [sflag:$0x1] =	stream.indirect_vreg.gather [hbm4b:s0+s3], $0x80, v3, vm0, $0xb8;
	[tilespmem:$0x18200] =	vst v63  }
0x1f1: {  	s11 =	simm.s32 $0x2A00  }
0x1f2: {  	[tilespmem:s11], [sflag:$0x1] =	stream.indirect_vreg.gather [hbm4b:s5+s3], $0x80, v3, vm0, $0xb8;
	[tilespmem:$0x18200] =	vst v63  }
0x1f3: {  	s20 =	simm.s32 $0x3200  }
0x1f4: {  	[tilespmem:s20], [sflag:$0x1] =	stream.indirect_vreg.gather [hbm4b:s6+s3], $0x80, v3, vm0, $0xb8;
	[tilespmem:$0x18200] =	vst v63  }
0x1f5: {  	s11 =	simm.s32 $0x3A00  }
0x1f6: {  	[tilespmem:s11], [sflag:$0x1] =	stream.indirect_vreg.gather [hbm4b:s7+s3], $0x80, v3, vm0, $0xb8;
	[tilespmem:$0x18200] =	vst v63  }
0x1f7: {  	v3 =	vld [tilespmem:$0x130];
	_ =	sdelay $0x4  }
0x1f8: {  	v51 =	vshll.u32 v3, $0x3  }
0x1f9: {  	v3 =	vand.u32 $0x7, v3;
	v4 =	vand.u32 $0xFFFFFFC0, v51  }
0x1fa: {  	v3 =	vor.u32 v3, v4  }
0x1fb: {  	v4 =	vperm.xlane v3, v0;
	_ =	sdelay $0x1  }
0x1fc: {  	v4 =	vadd.s32 v1, v4;
	_ =	sdelay $0x3  }
0x1fd: {  	s28 =	simm.s32 $0x4200  }
0x1fe: {  	[tilespmem:s28], [sflag:$0x1] =	stream.indirect_vreg.gather [hbm4b:s0+s3], $0x80, v4, vm0, $0xb8;
	[tilespmem:$0x18200] =	vst v63  }
0x1ff: {  	s20 =	simm.s32 $0x4A00;
	v3 =	vperm.xlane v3, v2  }
0x200: {  	[tilespmem:s20], [sflag:$0x1] =	stream.indirect_vreg.gather [hbm4b:s5+s3], $0x80, v4, vm0, $0xb8;
	[tilespmem:$0x18200] =	vst v63  }
0x201: {  	v3 =	vadd.s32 v1, v3;
	s28 =	simm.s32 $0x5200  }
0x202: {  	[tilespmem:s28], [sflag:$0x1] =	stream.indirect_vreg.gather [hbm4b:s6+s3], $0x80, v4, vm0, $0xb8;
	[tilespmem:$0x18200] =	vst v63  }
0x203: {  	s11 =	simm.s32 $0x5A00  }
0x204: {  	[tilespmem:s11], [sflag:$0x1] =	stream.indirect_vreg.gather [hbm4b:s7+s3], $0x80, v4, vm0, $0xb8;
	[tilespmem:$0x18200] =	vst v63  }
0x205: {  	s20 =	simm.s32 $0x6200  }
0x206: {  	[tilespmem:s20], [sflag:$0x1] =	stream.indirect_vreg.gather [hbm4b:s0+s3], $0x80, v3, vm0, $0xb8;
	[tilespmem:$0x18200] =	vst v63  }
0x207: {  	s28 =	simm.s32 $0x6A00  }
0x208: {  	[tilespmem:s28], [sflag:$0x1] =	stream.indirect_vreg.gather [hbm4b:s5+s3], $0x80, v3, vm0, $0xb8;
	[tilespmem:$0x18200] =	vst v63  }
0x209: {  	s11 =	simm.s32 $0x7200  }
0x20a: {  	[tilespmem:s11], [sflag:$0x1] =	stream.indirect_vreg.gather [hbm4b:s6+s3], $0x80, v3, vm0, $0xb8;
	[tilespmem:$0x18200] =	vst v63  }
0x20b: {  	s14 =	simm.s32 $0x7A00  }
0x20c: {  	[tilespmem:s14], [sflag:$0x1] =	stream.indirect_vreg.gather [hbm4b:s7+s3], $0x80, v3, vm0, $0xb8;
	[tilespmem:$0x18200] =	vst v63  }
0x20d: {  	_ =	swait.ge [sflag:s31], $0x8000  }
0x20e: {  	[sflag:s31] =	ssyncset.done $0x0  }
0x20f: {  	s14 =	rddreg [dreg:$0x13];
	[sflag:s31] =	ssyncadd.s32 $0xFFFF8000  }
0x210: {  	[hbm4b:s14+s3] =	stream.linear.scatter [tilespmem:s13], [sflag:$0x5], $0x8000, $0x38;
	[tilespmem:$0x18200] =	vst v63  }
0x211: {  	_ =	swait.ge [sflag:s1], $0x8000  }
0x212: {  	[sflag:s1] =	ssyncset.done $0x0  }
0x213: {  	[sflag:s1] =	ssyncadd.s32 $0xFFFF8000  }
0x214: {  	v3 =	vld [tilespmem:$0x140];
	_ =	sdelay $0x4  }
0x215: {  	v52 =	vshll.u32 v3, $0x3  }
0x216: {  	v3 =	vand.u32 $0x7, v3;
	v4 =	vand.u32 $0xFFFFFFC0, v52  }
0x217: {  	v3 =	vor.u32 v3, v4  }
0x218: {  	v4 =	vperm.xlane v3, v0;
	_ =	sdelay $0x1  }
0x219: {  	v4 =	vadd.s32 v1, v4;
	_ =	sdelay $0x4  }
0x21a: {  	[tilespmem:s13], [sflag:$0x2] =	stream.indirect_vreg.gather [hbm4b:s0+s3], $0x80, v4, vm0, $0xb8;
	[tilespmem:$0x18200] =	vst v63  }
0x21b: {  	s24 =	simm.s32 $0x8A00;
	v3 =	vperm.xlane v3, v2  }
0x21c: {  	[tilespmem:s24], [sflag:$0x2] =	stream.indirect_vreg.gather [hbm4b:s5+s3], $0x80, v4, vm0, $0xb8;
	[tilespmem:$0x18200] =	vst v63  }
0x21d: {  	s15 =	simm.s32 $0x9200;
	v3 =	vadd.s32 v1, v3  }
0x21e: {  	[tilespmem:s15], [sflag:$0x2] =	stream.indirect_vreg.gather [hbm4b:s6+s3], $0x80, v4, vm0, $0xb8;
	[tilespmem:$0x18200] =	vst v63  }
0x21f: {  	s16 =	simm.s32 $0x9A00  }
0x220: {  	[tilespmem:s16], [sflag:$0x2] =	stream.indirect_vreg.gather [hbm4b:s7+s3], $0x80, v4, vm0, $0xb8;
	[tilespmem:$0x18200] =	vst v63  }
0x221: {  	s17 =	simm.s32 $0xA200  }
0x222: {  	[tilespmem:s17], [sflag:$0x2] =	stream.indirect_vreg.gather [hbm4b:s0+s3], $0x80, v3, vm0, $0xb8;
	[tilespmem:$0x18200] =	vst v63  }
0x223: {  	s18 =	simm.s32 $0xAA00  }
0x224: {  	[tilespmem:s18], [sflag:$0x2] =	stream.indirect_vreg.gather [hbm4b:s5+s3], $0x80, v3, vm0, $0xb8;
	[tilespmem:$0x18200] =	vst v63  }
0x225: {  	s19 =	simm.s32 $0xB200  }
0x226: {  	[tilespmem:s19], [sflag:$0x2] =	stream.indirect_vreg.gather [hbm4b:s6+s3], $0x80, v3, vm0, $0xb8;
	[tilespmem:$0x18200] =	vst v63  }
0x227: {  	s25 =	simm.s32 $0xBA00  }
0x228: {  	[tilespmem:s25], [sflag:$0x2] =	stream.indirect_vreg.gather [hbm4b:s7+s3], $0x80, v3, vm0, $0xb8;
	[tilespmem:$0x18200] =	vst v63  }
0x229: {  	v3 =	vld [tilespmem:$0x150];
	_ =	sdelay $0x4  }
0x22a: {  	v53 =	vshll.u32 v3, $0x3  }
0x22b: {  	v3 =	vand.u32 $0x7, v3;
	v4 =	vand.u32 $0xFFFFFFC0, v53  }
0x22c: {  	v3 =	vor.u32 v3, v4  }
0x22d: {  	v4 =	vperm.xlane v3, v0;
	_ =	sdelay $0x1  }
0x22e: {  	v4 =	vadd.s32 v1, v4;
	_ =	sdelay $0x3  }
0x22f: {  	s19 =	simm.s32 $0xC200  }
0x230: {  	[tilespmem:s19], [sflag:$0x2] =	stream.indirect_vreg.gather [hbm4b:s0+s3], $0x80, v4, vm0, $0xb8;
	[tilespmem:$0x18200] =	vst v63  }
0x231: {  	s20 =	simm.s32 $0xCA00;
	v3 =	vperm.xlane v3, v2  }
0x232: {  	[tilespmem:s20], [sflag:$0x2] =	stream.indirect_vreg.gather [hbm4b:s5+s3], $0x80, v4, vm0, $0xb8;
	[tilespmem:$0x18200] =	vst v63  }
0x233: {  	s9 =	simm.s32 $0xD200;
	v3 =	vadd.s32 v1, v3  }
0x234: {  	[tilespmem:s9], [sflag:$0x2] =	stream.indirect_vreg.gather [hbm4b:s6+s3], $0x80, v4, vm0, $0xb8;
	[tilespmem:$0x18200] =	vst v63  }
0x235: {  	s21 =	simm.s32 $0xDA00  }
0x236: {  	[tilespmem:s21], [sflag:$0x2] =	stream.indirect_vreg.gather [hbm4b:s7+s3], $0x80, v4, vm0, $0xb8;
	[tilespmem:$0x18200] =	vst v63  }
0x237: {  	s22 =	simm.s32 $0xE200  }
0x238: {  	[tilespmem:s22], [sflag:$0x2] =	stream.indirect_vreg.gather [hbm4b:s0+s3], $0x80, v3, vm0, $0xb8;
	[tilespmem:$0x18200] =	vst v63  }
0x239: {  	s23 =	simm.s32 $0xEA00  }
0x23a: {  	[tilespmem:s23], [sflag:$0x2] =	stream.indirect_vreg.gather [hbm4b:s5+s3], $0x80, v3, vm0, $0xb8;
	[tilespmem:$0x18200] =	vst v63  }
0x23b: {  	s26 =	simm.s32 $0xF200  }
0x23c: {  	[tilespmem:s26], [sflag:$0x2] =	stream.indirect_vreg.gather [hbm4b:s6+s3], $0x80, v3, vm0, $0xb8;
	[tilespmem:$0x18200] =	vst v63  }
0x23d: {  	s28 =	simm.s32 $0xFA00  }
0x23e: {  	[tilespmem:s28], [sflag:$0x2] =	stream.indirect_vreg.gather [hbm4b:s7+s3], $0x80, v3, vm0, $0xb8;
	[tilespmem:$0x18200] =	vst v63  }
0x23f: {  	_ =	swait.ge [sflag:s2], $0x8000  }
0x240: {  	[sflag:s2] =	ssyncset.done $0x0  }
0x241: {  	s26 =	rddreg [dreg:$0x14];
	[sflag:s2] =	ssyncadd.s32 $0xFFFF8000  }
0x242: {  	[hbm4b:s26+s3] =	stream.linear.scatter [tilespmem:s12], [sflag:$0x6], $0x8000, $0x38;
	[tilespmem:$0x18200] =	vst v63  }
0x243: {  	_ =	swait.ge [sflag:s4], $0x8000  }
0x244: {  	[sflag:s4] =	ssyncset.done $0x0  }
0x245: {  	[sflag:s4] =	ssyncadd.s32 $0xFFFF8000  }
0x246: {  	v3 =	vld [tilespmem:$0x160];
	_ =	sdelay $0x4  }
0x247: {  	v54 =	vshll.u32 v3, $0x3  }
0x248: {  	v3 =	vand.u32 $0x7, v3;
	v4 =	vand.u32 $0xFFFFFFC0, v54  }
0x249: {  	v3 =	vor.u32 v3, v4  }
0x24a: {  	v4 =	vperm.xlane v3, v0;
	_ =	sdelay $0x1  }
0x24b: {  	v4 =	vadd.s32 v1, v4;
	_ =	sdelay $0x4  }
0x24c: {  	[tilespmem:s12], [sflag:$0x3] =	stream.indirect_vreg.gather [hbm4b:s0+s3], $0x80, v4, vm0, $0xb8;
	[tilespmem:$0x18200] =	vst v63  }
0x24d: {  	s28 =	simm.s32 $0x10A00;
	v3 =	vperm.xlane v3, v2  }
0x24e: {  	[tilespmem:s28], [sflag:$0x3] =	stream.indirect_vreg.gather [hbm4b:s5+s3], $0x80, v4, vm0, $0xb8;
	[tilespmem:$0x18200] =	vst v63  }
0x24f: {  	s26 =	simm.s32 $0x11200;
	v3 =	vadd.s32 v1, v3  }
0x250: {  	[tilespmem:s26], [sflag:$0x3] =	stream.indirect_vreg.gather [hbm4b:s6+s3], $0x80, v4, vm0, $0xb8;
	[tilespmem:$0x18200] =	vst v63  }
0x251: {  	s28 =	simm.s32 $0x11A00  }
0x252: {  	[tilespmem:s28], [sflag:$0x3] =	stream.indirect_vreg.gather [hbm4b:s7+s3], $0x80, v4, vm0, $0xb8;
	[tilespmem:$0x18200] =	vst v63  }
0x253: {  	s26 =	simm.s32 $0x12200  }
0x254: {  	[tilespmem:s26], [sflag:$0x3] =	stream.indirect_vreg.gather [hbm4b:s0+s3], $0x80, v3, vm0, $0xb8;
	[tilespmem:$0x18200] =	vst v63  }
0x255: {  	s28 =	simm.s32 $0x12A00  }
0x256: {  	[tilespmem:s28], [sflag:$0x3] =	stream.indirect_vreg.gather [hbm4b:s5+s3], $0x80, v3, vm0, $0xb8;
	[tilespmem:$0x18200] =	vst v63  }
0x257: {  	s26 =	simm.s32 $0x13200  }
0x258: {  	[tilespmem:s26], [sflag:$0x3] =	stream.indirect_vreg.gather [hbm4b:s6+s3], $0x80, v3, vm0, $0xb8;
	[tilespmem:$0x18200] =	vst v63  }
0x259: {  	s28 =	simm.s32 $0x13A00  }
0x25a: {  	[tilespmem:s28], [sflag:$0x3] =	stream.indirect_vreg.gather [hbm4b:s7+s3], $0x80, v3, vm0, $0xb8;
	[tilespmem:$0x18200] =	vst v63  }
0x25b: {  	v3 =	vld [tilespmem:$0x170];
	_ =	sdelay $0x4  }
0x25c: {  	v55 =	vshll.u32 v3, $0x3  }
0x25d: {  	v3 =	vand.u32 $0x7, v3;
	v4 =	vand.u32 $0xFFFFFFC0, v55  }
0x25e: {  	v3 =	vor.u32 v3, v4  }
0x25f: {  	v4 =	vperm.xlane v3, v0;
	_ =	sdelay $0x1  }
0x260: {  	v4 =	vadd.s32 v1, v4;
	_ =	sdelay $0x3  }
0x261: {  	s26 =	simm.s32 $0x14200  }
0x262: {  	[tilespmem:s26], [sflag:$0x3] =	stream.indirect_vreg.gather [hbm4b:s0+s3], $0x80, v4, vm0, $0xb8;
	[tilespmem:$0x18200] =	vst v63  }
0x263: {  	s28 =	simm.s32 $0x14A00;
	v3 =	vperm.xlane v3, v2  }
0x264: {  	[tilespmem:s28], [sflag:$0x3] =	stream.indirect_vreg.gather [hbm4b:s5+s3], $0x80, v4, vm0, $0xb8;
	[tilespmem:$0x18200] =	vst v63  }
0x265: {  	v3 =	vadd.s32 v1, v3;
	s26 =	simm.s32 $0x15200  }
0x266: {  	[tilespmem:s26], [sflag:$0x3] =	stream.indirect_vreg.gather [hbm4b:s6+s3], $0x80, v4, vm0, $0xb8;
	[tilespmem:$0x18200] =	vst v63  }
0x267: {  	s28 =	simm.s32 $0x15A00  }
0x268: {  	[tilespmem:s28], [sflag:$0x3] =	stream.indirect_vreg.gather [hbm4b:s7+s3], $0x80, v4, vm0, $0xb8;
	[tilespmem:$0x18200] =	vst v63  }
0x269: {  	s26 =	simm.s32 $0x16200  }
0x26a: {  	[tilespmem:s26], [sflag:$0x3] =	stream.indirect_vreg.gather [hbm4b:s0+s3], $0x80, v3, vm0, $0xb8;
	[tilespmem:$0x18200] =	vst v63  }
0x26b: {  	s28 =	simm.s32 $0x16A00  }
0x26c: {  	[tilespmem:s28], [sflag:$0x3] =	stream.indirect_vreg.gather [hbm4b:s5+s3], $0x80, v3, vm0, $0xb8;
	[tilespmem:$0x18200] =	vst v63  }
0x26d: {  	s26 =	simm.s32 $0x17200  }
0x26e: {  	[tilespmem:s26], [sflag:$0x3] =	stream.indirect_vreg.gather [hbm4b:s6+s3], $0x80, v3, vm0, $0xb8;
	[tilespmem:$0x18200] =	vst v63  }
0x26f: {  	s28 =	simm.s32 $0x17A00  }
0x270: {  	[tilespmem:s28], [sflag:$0x3] =	stream.indirect_vreg.gather [hbm4b:s7+s3], $0x80, v3, vm0, $0xb8;
	[tilespmem:$0x18200] =	vst v63  }
0x271: {  	_ =	swait.ge [sflag:s29], $0x8000  }
0x272: {  	[sflag:s29] =	ssyncset.done $0x0  }
0x273: {  	s26 =	rddreg [dreg:$0x15];
	[sflag:s29] =	ssyncadd.s32 $0xFFFF8000  }
0x274: {  	[hbm4b:s26+s3] =	stream.linear.scatter [tilespmem:s8], [sflag:$0x4], $0x8000, $0x38;
	[tilespmem:$0x18200] =	vst v63  }
0x275: {  	_ =	swait.ge [sflag:s30], $0x8000  }
0x276: {  	[sflag:s30] =	ssyncset.done $0x0  }
0x277: {  	[sflag:s30] =	ssyncadd.s32 $0xFFFF8000  }
0x278: {  	v3 =	vld [tilespmem:$0x180];
	_ =	sdelay $0x4  }
0x279: {  	v56 =	vshll.u32 v3, $0x3  }
0x27a: {  	v3 =	vand.u32 $0x7, v3;
	v4 =	vand.u32 $0xFFFFFFC0, v56  }
0x27b: {  	v3 =	vor.u32 v3, v4  }
0x27c: {  	v4 =	vperm.xlane v3, v0;
	_ =	sdelay $0x1  }
0x27d: {  	v4 =	vadd.s32 v1, v4;
	_ =	sdelay $0x4  }
0x27e: {  	[tilespmem:s8], [sflag:$0x1] =	stream.indirect_vreg.gather [hbm4b:s0+s3], $0x80, v4, vm0, $0xb8;
	[tilespmem:$0x18200] =	vst v63  }
0x27f: {  	s28 =	simm.s32 $0xA00;
	v3 =	vperm.xlane v3, v2  }
0x280: {  	[tilespmem:s28], [sflag:$0x1] =	stream.indirect_vreg.gather [hbm4b:s5+s3], $0x80, v4, vm0, $0xb8;
	[tilespmem:$0x18200] =	vst v63  }
0x281: {  	s26 =	simm.s32 $0x1200;
	v3 =	vadd.s32 v1, v3  }
0x282: {  	[tilespmem:s26], [sflag:$0x1] =	stream.indirect_vreg.gather [hbm4b:s6+s3], $0x80, v4, vm0, $0xb8;
	[tilespmem:$0x18200] =	vst v63  }
0x283: {  	s11 =	simm.s32 $0x1A00  }
0x284: {  	[tilespmem:s11], [sflag:$0x1] =	stream.indirect_vreg.gather [hbm4b:s7+s3], $0x80, v4, vm0, $0xb8;
	[tilespmem:$0x18200] =	vst v63  }
0x285: {  	s11 =	simm.s32 $0x2200  }
0x286: {  	[tilespmem:s11], [sflag:$0x1] =	stream.indirect_vreg.gather [hbm4b:s0+s3], $0x80, v3, vm0, $0xb8;
	[tilespmem:$0x18200] =	vst v63  }
0x287: {  	s11 =	simm.s32 $0x2A00  }
0x288: {  	[tilespmem:s11], [sflag:$0x1] =	stream.indirect_vreg.gather [hbm4b:s5+s3], $0x80, v3, vm0, $0xb8;
	[tilespmem:$0x18200] =	vst v63  }
0x289: {  	s11 =	simm.s32 $0x3200  }
0x28a: {  	[tilespmem:s11], [sflag:$0x1] =	stream.indirect_vreg.gather [hbm4b:s6+s3], $0x80, v3, vm0, $0xb8;
	[tilespmem:$0x18200] =	vst v63  }
0x28b: {  	s11 =	simm.s32 $0x3A00  }
0x28c: {  	[tilespmem:s11], [sflag:$0x1] =	stream.indirect_vreg.gather [hbm4b:s7+s3], $0x80, v3, vm0, $0xb8;
	[tilespmem:$0x18200] =	vst v63  }
0x28d: {  	v3 =	vld [tilespmem:$0x190];
	_ =	sdelay $0x4  }
0x28e: {  	v57 =	vshll.u32 v3, $0x3  }
0x28f: {  	v3 =	vand.u32 $0x7, v3;
	v4 =	vand.u32 $0xFFFFFFC0, v57  }
0x290: {  	v3 =	vor.u32 v3, v4  }
0x291: {  	v4 =	vperm.xlane v3, v0;
	_ =	sdelay $0x1  }
0x292: {  	v4 =	vadd.s32 v1, v4;
	_ =	sdelay $0x3  }
0x293: {  	s11 =	simm.s32 $0x4200  }
0x294: {  	[tilespmem:s11], [sflag:$0x1] =	stream.indirect_vreg.gather [hbm4b:s0+s3], $0x80, v4, vm0, $0xb8;
	[tilespmem:$0x18200] =	vst v63  }
0x295: {  	v3 =	vperm.xlane v3, v2;
	s11 =	simm.s32 $0x4A00  }
0x296: {  	[tilespmem:s11], [sflag:$0x1] =	stream.indirect_vreg.gather [hbm4b:s5+s3], $0x80, v4, vm0, $0xb8;
	[tilespmem:$0x18200] =	vst v63  }
0x297: {  	v3 =	vadd.s32 v1, v3;
	s11 =	simm.s32 $0x5200  }
0x298: {  	[tilespmem:s11], [sflag:$0x1] =	stream.indirect_vreg.gather [hbm4b:s6+s3], $0x80, v4, vm0, $0xb8;
	[tilespmem:$0x18200] =	vst v63  }
0x299: {  	s11 =	simm.s32 $0x5A00  }
0x29a: {  	[tilespmem:s11], [sflag:$0x1] =	stream.indirect_vreg.gather [hbm4b:s7+s3], $0x80, v4, vm0, $0xb8;
	[tilespmem:$0x18200] =	vst v63  }
0x29b: {  	s11 =	simm.s32 $0x6200  }
0x29c: {  	[tilespmem:s11], [sflag:$0x1] =	stream.indirect_vreg.gather [hbm4b:s0+s3], $0x80, v3, vm0, $0xb8;
	[tilespmem:$0x18200] =	vst v63  }
0x29d: {  	s11 =	simm.s32 $0x6A00  }
0x29e: {  	[tilespmem:s11], [sflag:$0x1] =	stream.indirect_vreg.gather [hbm4b:s5+s3], $0x80, v3, vm0, $0xb8;
	[tilespmem:$0x18200] =	vst v63  }
0x29f: {  	s11 =	simm.s32 $0x7200  }
0x2a0: {  	[tilespmem:s11], [sflag:$0x1] =	stream.indirect_vreg.gather [hbm4b:s6+s3], $0x80, v3, vm0, $0xb8;
	[tilespmem:$0x18200] =	vst v63  }
0x2a1: {  	s11 =	simm.s32 $0x7A00  }
0x2a2: {  	[tilespmem:s11], [sflag:$0x1] =	stream.indirect_vreg.gather [hbm4b:s7+s3], $0x80, v3, vm0, $0xb8;
	[tilespmem:$0x18200] =	vst v63  }
0x2a3: {  	_ =	swait.ge [sflag:s31], $0x8000  }
0x2a4: {  	[sflag:s31] =	ssyncset.done $0x0  }
0x2a5: {  	s11 =	rddreg [dreg:$0x16];
	[sflag:s31] =	ssyncadd.s32 $0xFFFF8000  }
0x2a6: {  	[hbm4b:s11+s3] =	stream.linear.scatter [tilespmem:s13], [sflag:$0x5], $0x8000, $0x38;
	[tilespmem:$0x18200] =	vst v63  }
0x2a7: {  	_ =	swait.ge [sflag:s1], $0x8000  }
0x2a8: {  	[sflag:s1] =	ssyncset.done $0x0  }
0x2a9: {  	[sflag:s1] =	ssyncadd.s32 $0xFFFF8000  }
0x2aa: {  	v3 =	vld [tilespmem:$0x1A0];
	_ =	sdelay $0x4  }
0x2ab: {  	v58 =	vshll.u32 v3, $0x3  }
0x2ac: {  	v3 =	vand.u32 $0x7, v3;
	v4 =	vand.u32 $0xFFFFFFC0, v58  }
0x2ad: {  	v3 =	vor.u32 v3, v4  }
0x2ae: {  	v4 =	vperm.xlane v3, v0;
	_ =	sdelay $0x1  }
0x2af: {  	v4 =	vadd.s32 v1, v4;
	_ =	sdelay $0x4  }
0x2b0: {  	[tilespmem:s13], [sflag:$0x2] =	stream.indirect_vreg.gather [hbm4b:s0+s3], $0x80, v4, vm0, $0xb8;
	[tilespmem:$0x18200] =	vst v63  }
0x2b1: {  	s10 =	simm.s32 $0x8A00;
	v3 =	vperm.xlane v3, v2  }
0x2b2: {  	[tilespmem:s10], [sflag:$0x2] =	stream.indirect_vreg.gather [hbm4b:s5+s3], $0x80, v4, vm0, $0xb8;
	[tilespmem:$0x18200] =	vst v63  }
0x2b3: {  	s14 =	simm.s32 $0x9200;
	v3 =	vadd.s32 v1, v3  }
0x2b4: {  	[tilespmem:s14], [sflag:$0x2] =	stream.indirect_vreg.gather [hbm4b:s6+s3], $0x80, v4, vm0, $0xb8;
	[tilespmem:$0x18200] =	vst v63  }
0x2b5: {  	s15 =	simm.s32 $0x9A00  }
0x2b6: {  	[tilespmem:s15], [sflag:$0x2] =	stream.indirect_vreg.gather [hbm4b:s7+s3], $0x80, v4, vm0, $0xb8;
	[tilespmem:$0x18200] =	vst v63  }
0x2b7: {  	s16 =	simm.s32 $0xA200  }
0x2b8: {  	[tilespmem:s16], [sflag:$0x2] =	stream.indirect_vreg.gather [hbm4b:s0+s3], $0x80, v3, vm0, $0xb8;
	[tilespmem:$0x18200] =	vst v63  }
0x2b9: {  	s17 =	simm.s32 $0xAA00  }
0x2ba: {  	[tilespmem:s17], [sflag:$0x2] =	stream.indirect_vreg.gather [hbm4b:s5+s3], $0x80, v3, vm0, $0xb8;
	[tilespmem:$0x18200] =	vst v63  }
0x2bb: {  	s18 =	simm.s32 $0xB200  }
0x2bc: {  	[tilespmem:s18], [sflag:$0x2] =	stream.indirect_vreg.gather [hbm4b:s6+s3], $0x80, v3, vm0, $0xb8;
	[tilespmem:$0x18200] =	vst v63  }
0x2bd: {  	s24 =	simm.s32 $0xBA00  }
0x2be: {  	[tilespmem:s24], [sflag:$0x2] =	stream.indirect_vreg.gather [hbm4b:s7+s3], $0x80, v3, vm0, $0xb8;
	[tilespmem:$0x18200] =	vst v63  }
0x2bf: {  	v3 =	vld [tilespmem:$0x1B0];
	_ =	sdelay $0x4  }
0x2c0: {  	v59 =	vshll.u32 v3, $0x3  }
0x2c1: {  	v3 =	vand.u32 $0x7, v3;
	v4 =	vand.u32 $0xFFFFFFC0, v59  }
0x2c2: {  	v3 =	vor.u32 v3, v4  }
0x2c3: {  	v4 =	vperm.xlane v3, v0;
	_ =	sdelay $0x1  }
0x2c4: {  	v4 =	vadd.s32 v1, v4;
	_ =	sdelay $0x3  }
0x2c5: {  	s25 =	simm.s32 $0xC200  }
0x2c6: {  	[tilespmem:s25], [sflag:$0x2] =	stream.indirect_vreg.gather [hbm4b:s0+s3], $0x80, v4, vm0, $0xb8;
	[tilespmem:$0x18200] =	vst v63  }
0x2c7: {  	s20 =	simm.s32 $0xCA00;
	v3 =	vperm.xlane v3, v2  }
0x2c8: {  	[tilespmem:s20], [sflag:$0x2] =	stream.indirect_vreg.gather [hbm4b:s5+s3], $0x80, v4, vm0, $0xb8;
	[tilespmem:$0x18200] =	vst v63  }
0x2c9: {  	s19 =	simm.s32 $0xD200;
	v3 =	vadd.s32 v1, v3  }
0x2ca: {  	[tilespmem:s19], [sflag:$0x2] =	stream.indirect_vreg.gather [hbm4b:s6+s3], $0x80, v4, vm0, $0xb8;
	[tilespmem:$0x18200] =	vst v63  }
0x2cb: {  	s9 =	simm.s32 $0xDA00  }
0x2cc: {  	[tilespmem:s9], [sflag:$0x2] =	stream.indirect_vreg.gather [hbm4b:s7+s3], $0x80, v4, vm0, $0xb8;
	[tilespmem:$0x18200] =	vst v63  }
0x2cd: {  	s21 =	simm.s32 $0xE200  }
0x2ce: {  	[tilespmem:s21], [sflag:$0x2] =	stream.indirect_vreg.gather [hbm4b:s0+s3], $0x80, v3, vm0, $0xb8;
	[tilespmem:$0x18200] =	vst v63  }
0x2cf: {  	s22 =	simm.s32 $0xEA00  }
0x2d0: {  	[tilespmem:s22], [sflag:$0x2] =	stream.indirect_vreg.gather [hbm4b:s5+s3], $0x80, v3, vm0, $0xb8;
	[tilespmem:$0x18200] =	vst v63  }
0x2d1: {  	s23 =	simm.s32 $0xF200  }
0x2d2: {  	[tilespmem:s23], [sflag:$0x2] =	stream.indirect_vreg.gather [hbm4b:s6+s3], $0x80, v3, vm0, $0xb8;
	[tilespmem:$0x18200] =	vst v63  }
0x2d3: {  	s22 =	simm.s32 $0xFA00  }
0x2d4: {  	[tilespmem:s22], [sflag:$0x2] =	stream.indirect_vreg.gather [hbm4b:s7+s3], $0x80, v3, vm0, $0xb8;
	[tilespmem:$0x18200] =	vst v63  }
0x2d5: {  	_ =	swait.ge [sflag:s2], $0x8000  }
0x2d6: {  	[sflag:s2] =	ssyncset.done $0x0  }
0x2d7: {  	s23 =	rddreg [dreg:$0x17];
	[sflag:s2] =	ssyncadd.s32 $0xFFFF8000  }
0x2d8: {  	[hbm4b:s23+s3] =	stream.linear.scatter [tilespmem:s12], [sflag:$0x6], $0x8000, $0x38;
	[tilespmem:$0x18200] =	vst v63  }
0x2d9: {  	_ =	swait.ge [sflag:s4], $0x8000  }
0x2da: {  	[sflag:s4] =	ssyncset.done $0x0  }
0x2db: {  	[sflag:s4] =	ssyncadd.s32 $0xFFFF8000  }
0x2dc: {  	v3 =	vld [tilespmem:$0x1C0];
	_ =	sdelay $0x4  }
0x2dd: {  	v60 =	vshll.u32 v3, $0x3  }
0x2de: {  	v3 =	vand.u32 $0x7, v3;
	v4 =	vand.u32 $0xFFFFFFC0, v60  }
0x2df: {  	v3 =	vor.u32 v3, v4  }
0x2e0: {  	v4 =	vperm.xlane v3, v0;
	_ =	sdelay $0x1  }
0x2e1: {  	v4 =	vadd.s32 v1, v4;
	_ =	sdelay $0x4  }
0x2e2: {  	[tilespmem:s12], [sflag:$0x3] =	stream.indirect_vreg.gather [hbm4b:s0+s3], $0x80, v4, vm0, $0xb8;
	[tilespmem:$0x18200] =	vst v63  }
0x2e3: {  	s24 =	simm.s32 $0x10A00;
	v3 =	vperm.xlane v3, v2  }
0x2e4: {  	[tilespmem:s24], [sflag:$0x3] =	stream.indirect_vreg.gather [hbm4b:s5+s3], $0x80, v4, vm0, $0xb8;
	[tilespmem:$0x18200] =	vst v63  }
0x2e5: {  	s25 =	simm.s32 $0x11200;
	v3 =	vadd.s32 v1, v3  }
0x2e6: {  	[tilespmem:s25], [sflag:$0x3] =	stream.indirect_vreg.gather [hbm4b:s6+s3], $0x80, v4, vm0, $0xb8;
	[tilespmem:$0x18200] =	vst v63  }
0x2e7: {  	s10 =	simm.s32 $0x11A00  }
0x2e8: {  	[tilespmem:s10], [sflag:$0x3] =	stream.indirect_vreg.gather [hbm4b:s7+s3], $0x80, v4, vm0, $0xb8;
	[tilespmem:$0x18200] =	vst v63  }
0x2e9: {  	s11 =	simm.s32 $0x12200  }
0x2ea: {  	[tilespmem:s11], [sflag:$0x3] =	stream.indirect_vreg.gather [hbm4b:s0+s3], $0x80, v3, vm0, $0xb8;
	[tilespmem:$0x18200] =	vst v63  }
0x2eb: {  	s14 =	simm.s32 $0x12A00  }
0x2ec: {  	[tilespmem:s14], [sflag:$0x3] =	stream.indirect_vreg.gather [hbm4b:s5+s3], $0x80, v3, vm0, $0xb8;
	[tilespmem:$0x18200] =	vst v63  }
0x2ed: {  	s15 =	simm.s32 $0x13200  }
0x2ee: {  	[tilespmem:s15], [sflag:$0x3] =	stream.indirect_vreg.gather [hbm4b:s6+s3], $0x80, v3, vm0, $0xb8;
	[tilespmem:$0x18200] =	vst v63  }
0x2ef: {  	s16 =	simm.s32 $0x13A00  }
0x2f0: {  	[tilespmem:s16], [sflag:$0x3] =	stream.indirect_vreg.gather [hbm4b:s7+s3], $0x80, v3, vm0, $0xb8;
	[tilespmem:$0x18200] =	vst v63  }
0x2f1: {  	v3 =	vld [tilespmem:$0x1D0];
	_ =	sdelay $0x4  }
0x2f2: {  	v61 =	vshll.u32 v3, $0x3  }
0x2f3: {  	v3 =	vand.u32 $0x7, v3;
	v4 =	vand.u32 $0xFFFFFFC0, v61  }
0x2f4: {  	v3 =	vor.u32 v3, v4  }
0x2f5: {  	v4 =	vperm.xlane v3, v0;
	_ =	sdelay $0x1  }
0x2f6: {  	v4 =	vadd.s32 v1, v4;
	_ =	sdelay $0x3  }
0x2f7: {  	s17 =	simm.s32 $0x14200  }
0x2f8: {  	[tilespmem:s17], [sflag:$0x3] =	stream.indirect_vreg.gather [hbm4b:s0+s3], $0x80, v4, vm0, $0xb8;
	[tilespmem:$0x18200] =	vst v63  }
0x2f9: {  	s18 =	simm.s32 $0x14A00;
	v3 =	vperm.xlane v3, v2  }
0x2fa: {  	[tilespmem:s18], [sflag:$0x3] =	stream.indirect_vreg.gather [hbm4b:s5+s3], $0x80, v4, vm0, $0xb8;
	[tilespmem:$0x18200] =	vst v63  }
0x2fb: {  	s19 =	simm.s32 $0x15200;
	v3 =	vadd.s32 v1, v3  }
0x2fc: {  	[tilespmem:s19], [sflag:$0x3] =	stream.indirect_vreg.gather [hbm4b:s6+s3], $0x80, v4, vm0, $0xb8;
	[tilespmem:$0x18200] =	vst v63  }
0x2fd: {  	s20 =	simm.s32 $0x15A00  }
0x2fe: {  	[tilespmem:s20], [sflag:$0x3] =	stream.indirect_vreg.gather [hbm4b:s7+s3], $0x80, v4, vm0, $0xb8;
	[tilespmem:$0x18200] =	vst v63  }
0x2ff: {  	s21 =	simm.s32 $0x16200  }
0x300: {  	[tilespmem:s21], [sflag:$0x3] =	stream.indirect_vreg.gather [hbm4b:s0+s3], $0x80, v3, vm0, $0xb8;
	[tilespmem:$0x18200] =	vst v63  }
0x301: {  	s22 =	simm.s32 $0x16A00  }
0x302: {  	[tilespmem:s22], [sflag:$0x3] =	stream.indirect_vreg.gather [hbm4b:s5+s3], $0x80, v3, vm0, $0xb8;
	[tilespmem:$0x18200] =	vst v63  }
0x303: {  	s23 =	simm.s32 $0x17200  }
0x304: {  	[tilespmem:s23], [sflag:$0x3] =	stream.indirect_vreg.gather [hbm4b:s6+s3], $0x80, v3, vm0, $0xb8;
	[tilespmem:$0x18200] =	vst v63  }
0x305: {  	s24 =	simm.s32 $0x17A00  }
0x306: {  	[tilespmem:s24], [sflag:$0x3] =	stream.indirect_vreg.gather [hbm4b:s7+s3], $0x80, v3, vm0, $0xb8;
	[tilespmem:$0x18200] =	vst v63  }
0x307: {  	_ =	swait.ge [sflag:s29], $0x8000  }
0x308: {  	[sflag:s29] =	ssyncset.done $0x0  }
0x309: {  	s25 =	rddreg [dreg:$0x18];
	[sflag:s29] =	ssyncadd.s32 $0xFFFF8000  }
0x30a: {  	[hbm4b:s25+s3] =	stream.linear.scatter [tilespmem:s8], [sflag:$0x4], $0x8000, $0x38;
	[tilespmem:$0x18200] =	vst v63  }
0x30b: {  	_ =	swait.ge [sflag:s30], $0x8000  }
0x30c: {  	[sflag:s30] =	ssyncset.done $0x0  }
0x30d: {  	[sflag:s30] =	ssyncadd.s32 $0xFFFF8000  }
0x30e: {  	v3 =	vld [tilespmem:$0x1E0];
	_ =	sdelay $0x4  }
0x30f: {  	v62 =	vshll.u32 v3, $0x3  }
0x310: {  	v3 =	vand.u32 $0x7, v3;
	v4 =	vand.u32 $0xFFFFFFC0, v62  }
0x311: {  	v3 =	vor.u32 v3, v4  }
0x312: {  	v4 =	vperm.xlane v3, v0;
	_ =	sdelay $0x1  }
0x313: {  	v4 =	vadd.s32 v1, v4;
	_ =	sdelay $0x4  }
0x314: {  	[tilespmem:s8], [sflag:$0x1] =	stream.indirect_vreg.gather [hbm4b:s0+s3], $0x80, v4, vm0, $0xb8;
	[tilespmem:$0x18200] =	vst v63  }
0x315: {  	s28 =	simm.s32 $0xA00;
	v3 =	vperm.xlane v3, v2  }
0x316: {  	[tilespmem:s28], [sflag:$0x1] =	stream.indirect_vreg.gather [hbm4b:s5+s3], $0x80, v4, vm0, $0xb8;
	[tilespmem:$0x18200] =	vst v63  }
0x317: {  	s26 =	simm.s32 $0x1200;
	v3 =	vadd.s32 v1, v3  }
0x318: {  	[tilespmem:s26], [sflag:$0x1] =	stream.indirect_vreg.gather [hbm4b:s6+s3], $0x80, v4, vm0, $0xb8;
	[tilespmem:$0x18200] =	vst v63  }
0x319: {  	s28 =	simm.s32 $0x1A00  }
0x31a: {  	[tilespmem:s28], [sflag:$0x1] =	stream.indirect_vreg.gather [hbm4b:s7+s3], $0x80, v4, vm0, $0xb8;
	[tilespmem:$0x18200] =	vst v63  }
0x31b: {  	s10 =	simm.s32 $0x2200  }
0x31c: {  	[tilespmem:s10], [sflag:$0x1] =	stream.indirect_vreg.gather [hbm4b:s0+s3], $0x80, v3, vm0, $0xb8;
	[tilespmem:$0x18200] =	vst v63  }
0x31d: {  	s11 =	simm.s32 $0x2A00  }
0x31e: {  	[tilespmem:s11], [sflag:$0x1] =	stream.indirect_vreg.gather [hbm4b:s5+s3], $0x80, v3, vm0, $0xb8;
	[tilespmem:$0x18200] =	vst v63  }
0x31f: {  	s14 =	simm.s32 $0x3200  }
0x320: {  	[tilespmem:s14], [sflag:$0x1] =	stream.indirect_vreg.gather [hbm4b:s6+s3], $0x80, v3, vm0, $0xb8;
	[tilespmem:$0x18200] =	vst v63  }
0x321: {  	s15 =	simm.s32 $0x3A00  }
0x322: {  	[tilespmem:s15], [sflag:$0x1] =	stream.indirect_vreg.gather [hbm4b:s7+s3], $0x80, v3, vm0, $0xb8;
	[tilespmem:$0x18200] =	vst v63  }
0x323: {  	v3 =	vld [tilespmem:$0x1F0];
	_ =	sdelay $0x4  }
0x324: {  	v63 =	vshll.u32 v3, $0x3  }
0x325: {  	v3 =	vand.u32 $0x7, v3;
	v4 =	vand.u32 $0xFFFFFFC0, v63  }
0x326: {  	v3 =	vor.u32 v3, v4  }
0x327: {  	v4 =	vperm.xlane v3, v0;
	_ =	sdelay $0x1  }
0x328: {  	v4 =	vadd.s32 v1, v4;
	_ =	sdelay $0x3  }
0x329: {  	s16 =	simm.s32 $0x4200  }
0x32a: {  	[tilespmem:s16], [sflag:$0x1] =	stream.indirect_vreg.gather [hbm4b:s0+s3], $0x80, v4, vm0, $0xb8;
	[tilespmem:$0x18200] =	vst v63  }
0x32b: {  	s17 =	simm.s32 $0x4A00;
	v3 =	vperm.xlane v3, v2  }
0x32c: {  	[tilespmem:s17], [sflag:$0x1] =	stream.indirect_vreg.gather [hbm4b:s5+s3], $0x80, v4, vm0, $0xb8;
	[tilespmem:$0x18200] =	vst v63  }
0x32d: {  	s18 =	simm.s32 $0x5200;
	v3 =	vadd.s32 v1, v3  }
0x32e: {  	[tilespmem:s18], [sflag:$0x1] =	stream.indirect_vreg.gather [hbm4b:s6+s3], $0x80, v4, vm0, $0xb8;
	[tilespmem:$0x18200] =	vst v63  }
0x32f: {  	s19 =	simm.s32 $0x5A00  }
0x330: {  	[tilespmem:s19], [sflag:$0x1] =	stream.indirect_vreg.gather [hbm4b:s7+s3], $0x80, v4, vm0, $0xb8;
	[tilespmem:$0x18200] =	vst v63  }
0x331: {  	s20 =	simm.s32 $0x6200  }
0x332: {  	[tilespmem:s20], [sflag:$0x1] =	stream.indirect_vreg.gather [hbm4b:s0+s3], $0x80, v3, vm0, $0xb8;
	[tilespmem:$0x18200] =	vst v63  }
0x333: {  	s21 =	simm.s32 $0x6A00  }
0x334: {  	[tilespmem:s21], [sflag:$0x1] =	stream.indirect_vreg.gather [hbm4b:s5+s3], $0x80, v3, vm0, $0xb8;
	[tilespmem:$0x18200] =	vst v63  }
0x335: {  	s22 =	simm.s32 $0x7200  }
0x336: {  	[tilespmem:s22], [sflag:$0x1] =	stream.indirect_vreg.gather [hbm4b:s6+s3], $0x80, v3, vm0, $0xb8;
	[tilespmem:$0x18200] =	vst v63  }
0x337: {  	s23 =	simm.s32 $0x7A00  }
0x338: {  	[tilespmem:s23], [sflag:$0x1] =	stream.indirect_vreg.gather [hbm4b:s7+s3], $0x80, v3, vm0, $0xb8;
	[tilespmem:$0x18200] =	vst v63  }
0x339: {  	_ =	swait.ge [sflag:s31], $0x8000  }
0x33a: {  	[sflag:s31] =	ssyncset.done $0x0  }
0x33b: {  	s24 =	rddreg [dreg:$0x19];
	[sflag:s31] =	ssyncadd.s32 $0xFFFF8000  }
0x33c: {  	[hbm4b:s24+s3] =	stream.linear.scatter [tilespmem:s13], [sflag:$0x5], $0x8000, $0x38;
	[tilespmem:$0x18200] =	vst v63  }
0x33d: {  	_ =	swait.ge [sflag:s2], $0x8000  }
0x33e: {  	[sflag:s2] =	ssyncset.done $0x0  }
0x33f: {  	s25 =	rddreg [dreg:$0x1a];
	[sflag:s2] =	ssyncadd.s32 $0xFFFF8000  }
0x340: {  	[hbm4b:s25+s3] =	stream.linear.scatter [tilespmem:s12], [sflag:$0x6], $0x8000, $0x38;
	[tilespmem:$0x18200] =	vst v63  }
0x341: {  	s26 =	rddreg [dreg:$0x1e];
	_ =	swait.ge [sflag:s29], $0x8000  }
0x342: {  	[sflag:s29] =	ssyncset.done $0x0  }
0x343: {  	s28 =	rddreg [dreg:$0x1b];
	[sflag:s29] =	ssyncadd.s32 $0xFFFF8000  }
0x344: {  	[hbm4b:s28+s3] =	stream.linear.scatter [tilespmem:s8], [sflag:$0x4], $0x8000, $0x38;
	[tilespmem:$0x18200] =	vst v63  }
0x345: {  	_ =	swait.ge [sflag:s1], $0x8000  }
0x346: {  	[sflag:s1] =	ssyncset.done $0x0  }
0x347: {  	[sflag:s1] =	ssyncadd.s32 $0xFFFF8000  }
0x348: {  	_ =	swait.ge [sflag:s4], $0x8000  }
0x349: {  	[sflag:s4] =	ssyncset.done $0x0  }
0x34a: {  	[sflag:s4] =	ssyncadd.s32 $0xFFFF8000  }
0x34b: {  	p5 =	por @!p2 $0x0, $0x0;
	_ =	swait.ge [sflag:s30], $0x8000  }
0x34c: {  	p6 =	por @p0 $0x1, $0x1;
	p5 =	por @!p3 p1, p1;
	[sflag:s30] =	ssyncset.done $0x0  }
0x34d: {  	s11 =	simm.s32 @!p4 $0x7;
	s9 =	sadd.s32 $0xFFFFFFFF, s26;
	[sflag:s30] =	ssyncadd.s32 $0xFFFF8000  }
0x34e: {  	p6 =	por @!p0 p5, p5;
	p5 =	sne.s32 s9, $0x0;
	_ =	swait.ge @!p4 [sflag:s11], $0x800  }
.Ltmp0:
0x34f: {  	[sflag:s11] =	ssyncset.done @!p4 $0x0;
	(pc) =	sbr.rel @p5 .LBB2_1-.Ltmp0, $4  }
0x350: {  	[sflag:s11] =	ssyncadd.s32 @!p4 $0xFFFFF800;
	s11 =	simm.s32 @p6 $0x8  }
0x351: {  	_ =	swait.ge @p6 [sflag:s11], $0x800  }
0x352: {  	[sflag:s11] =	ssyncset.done @p6 $0x0  }
0x353: {  	[sflag:s11] =	ssyncadd.s32 @p6 $0xFFFFF800  }
0x354: {  	_ =	sfence.sel $0x180000  }
0x355: {  	[bflag:$0x0] =	sbarrier.arrive $0xFFFF  }
0x356: {  	_ =	strace $0x90000047  }
0x357: {  	s0 =	stileid.u32;
	[bflag:$0x2] =	sbarrier.arrive $0xFFFF  }
0x358: {  	p0 =	sne.s32 s0, $0x0;
	s0 =	rddreg [dreg:$0x7]  }
0x359: {  	s0 =	sadd.s32 @!p0 $0x100000, s0  }
0x35a: {  	[sflag:s0] =	ssyncadd.tile.s32 @!p0 $0x1;
	_ =	shalt  }
.Lfunc_end2:
_tile_overlayer_lowered:
.L_overlay_start_2:
0x35b: {  	(tag) =	ssettag $0x2  }
0x35c: {  	s0 =	rddreg [dreg:$0x0];
	s2 =	stileid.u32  }
0x35d: {  	s1 =	rddreg [dreg:$0x1];
	p0 =	sne.s32 s2, $0x0  }
0x35e: {  	s3 =	rddreg [dreg:$0x2];
	[bflag:$0x3] =	sbarrier.arrive $0xFFFF;
	s2 =	simm.s32 @!p0 $0x1C09  }
0x35f: {  	[timem:s3], [sflag:s2] =	dma.local @!p0 [hbm:s0], s1  }
0x360: {  	s0 =	simm.s32 @!p0 $0x9  }
0x361: {  	_ =	swait.ge @!p0 [sflag:s0], s1  }
0x362: {  	s1 =	ssub.s32 @!p0 $0x0, s1;
	[sflag:s0] =	ssyncset.done @!p0 $0x0  }
0x363: {  	[sflag:s0] =	ssyncadd.s32 @!p0 s1  }
0x364: {  	[bflag:$0x3] =	sbarrier.arrive $0xFFFF  }
0x365: {  	_ =	shalt  }

</sc_bundles>
